<compile_context>
chip_gen: v7x
topology: tpu7x:2x2x1
jax: 0.10.2.dev20260603
libtpu: 0.0.44.dev20260713+nightly
codegen_flags: <defaults>
</compile_context>

<pallas_src>
import functools

import jax
import jax.numpy as jnp
from jax import lax
from jax.experimental import pallas as pl
from jax.experimental.pallas import tpu as pltpu
from jax.experimental.pallas import tpu_sc as plsc

N = 10000
E = 320000
D = 128
L2 = 16
P = 50000
G = 256
PL = P * L2

NC = 2
NS = 16
NW = NC * NS
EPW = E // NW
KE = 400
NBE = EPW // KE
KEB = 200
NBEB = EPW // KEB
PPW = PL // NW
KP = 200
NBP = PPW // KP
NPAD = 10240
RPS = NPAD // NS

BE = 2560
BP = 400

_mesh = plsc.VectorSubcoreMesh(core_axis_name="c", subcore_axis_name="s")

EPW_A = E // NS
NBE_A = EPW_A // KE
NHALF = NPAD // 2
NQ = NPAD // 4
NPAD4 = 2688
RQ4 = NPAD4 // NS
WQ4 = NQ // NS


def _make_sc_scatter(q0):
    @functools.partial(
        pl.kernel,
        mesh=_mesh,
        out_type=jax.ShapeDtypeStruct((NHALF, D), jnp.float32),
        scratch_types=[
            pltpu.VMEM((KE,), jnp.int32),
            pltpu.VMEM((KE, D), jnp.float32),
            pltpu.VMEM_SHARED((NPAD4, D), jnp.float32),
            pltpu.SemaphoreType.DMA,
            pltpu.SemaphoreType.DMA,
        ],
        name=f"sc_scatter_q{q0}",
    )
    def _sc_scatter(ef_hbm, dst_hbm, znd_hbm, agg_hbm,
                    idxd, rowbuf, agg_sh, sem, sem2):
        c = lax.axis_index("c")
        s = lax.axis_index("s")
        lo = (2 * q0 + c) * NQ
        pltpu.sync_copy(znd_hbm.at[pl.ds(s * RQ4, RQ4)],
                        agg_sh.at[pl.ds(s * RQ4, RQ4)])
        plsc.subcore_barrier()

        def clamp(i, carry):
            sl = pl.ds(i * 16, 16)
            vd = idxd[sl] - lo
            okd = jnp.logical_and(vd >= 0, vd < NQ)
            idxd[sl] = jnp.where(okd, vd, NQ)
            return carry

        def blk(j, carry):
            base = s * EPW_A + j * KE
            a1 = pltpu.async_copy(dst_hbm.at[pl.ds(base, KE)], idxd, sem)
            a2 = pltpu.async_copy(ef_hbm.at[pl.ds(base, KE)], rowbuf, sem2)
            a1.wait()
            lax.fori_loop(0, KE // 16, clamp, 0)
            a2.wait()
            pltpu.sync_copy(rowbuf, agg_sh.at[idxd], add=True)
            return carry

        lax.fori_loop(0, NBE_A, blk, 0)
        plsc.subcore_barrier()
        pltpu.sync_copy(agg_sh.at[pl.ds(s * WQ4, WQ4)],
                        agg_hbm.at[pl.ds(c * NQ + s * WQ4, WQ4)])

    return _sc_scatter


_sc_scatter_q0 = _make_sc_scatter(0)
_sc_scatter_q1 = _make_sc_scatter(1)


def _make_sc_deg(q0):
    @functools.partial(
        pl.kernel,
        mesh=_mesh,
        out_type=jax.ShapeDtypeStruct((NHALF, D), jnp.float32),
        scratch_types=[
            pltpu.VMEM((KE,), jnp.int32),
            pltpu.VMEM((KE, D), jnp.float32),
            pltpu.VMEM_SHARED((NPAD4, D), jnp.float32),
        ],
        name=f"sc_deg_q{q0}",
    )
    def _sc_deg(src_hbm, znd_hbm, ones_hbm, deg_hbm, idxs, onesbuf, deg_sh):
        c = lax.axis_index("c")
        s = lax.axis_index("s")
        lo = (2 * q0 + c) * NQ
        pltpu.sync_copy(znd_hbm.at[pl.ds(s * RQ4, RQ4)],
                        deg_sh.at[pl.ds(s * RQ4, RQ4)])
        pltpu.sync_copy(ones_hbm, onesbuf)
        plsc.subcore_barrier()

        def clamp(i, carry):
            sl = pl.ds(i * 16, 16)
            vs = idxs[sl] - lo
            oks = jnp.logical_and(vs >= 0, vs < NQ)
            idxs[sl] = jnp.where(oks, vs, NQ)
            return carry

        def blk(j, carry):
            base = s * EPW_A + j * KE
            pltpu.sync_copy(src_hbm.at[pl.ds(base, KE)], idxs)
            lax.fori_loop(0, KE // 16, clamp, 0)
            pltpu.sync_copy(onesbuf, deg_sh.at[idxs], add=True)
            return carry

        lax.fori_loop(0, NBE_A, blk, 0)
        plsc.subcore_barrier()
        pltpu.sync_copy(deg_sh.at[pl.ds(s * WQ4, WQ4)],
                        deg_hbm.at[pl.ds(c * NQ + s * WQ4, WQ4)])

    return _sc_deg


_sc_deg_q0 = _make_sc_deg(0)
_sc_deg_q1 = _make_sc_deg(1)


@functools.partial(
    pl.kernel,
    mesh=_mesh,
    out_type=[
        jax.ShapeDtypeStruct((E, D), jnp.float32),
        jax.ShapeDtypeStruct((E, D), jnp.float32),
    ],
    scratch_types=[
        pltpu.VMEM((KEB,), jnp.int32),
        pltpu.VMEM((KEB,), jnp.int32),
        pltpu.VMEM((KEB, D), jnp.float32),
        pltpu.VMEM((KEB, D), jnp.float32),
        pltpu.VMEM((KEB, D), jnp.float32),
        pltpu.SemaphoreType.DMA,
        pltpu.SemaphoreType.DMA,
        pltpu.SemaphoreType.DMA,
    ],
)
def _sc_edge_gather(nfd_hbm, nfs_hbm, stab_hbm, src_hbm, dst_hbm,
                    emsg_hbm, scg_hbm,
                    idxd, idxs, bufd, bufs, bufsc, sem, sem2, sem3):
    c = lax.axis_index("c")
    s = lax.axis_index("s")
    wid = s * NC + c

    def subrow(r, carry):
        for cc in range(8):
            sl = pl.ds(cc * 16, 16)
            bufd[r, sl] = bufd[r, sl] - bufs[r, sl]
        return carry

    def blk(j, carry):
        base = wid * EPW + j * KEB
        a1 = pltpu.async_copy(dst_hbm.at[pl.ds(base, KEB)], idxd, sem)
        a2 = pltpu.async_copy(src_hbm.at[pl.ds(base, KEB)], idxs, sem2)
        a1.wait()
        a2.wait()
        g1 = pltpu.async_copy(nfd_hbm.at[idxd], bufd, sem)
        g2 = pltpu.async_copy(nfs_hbm.at[idxs], bufs, sem2)
        g3 = pltpu.async_copy(stab_hbm.at[idxd], bufsc, sem3)
        g1.wait()
        g2.wait()
        g3.wait()
        lax.fori_loop(0, KEB, subrow, 0)
        w1 = pltpu.async_copy(bufd, emsg_hbm.at[pl.ds(base, KEB)], sem)
        w3 = pltpu.async_copy(bufsc, scg_hbm.at[pl.ds(base, KEB)], sem3)
        w1.wait()
        w3.wait()
        return carry

    lax.fori_loop(0, NBEB, blk, 0)


@functools.partial(
    pl.kernel,
    mesh=_mesh,
    out_type=jax.ShapeDtypeStruct((PL, D), jnp.float32),
    scratch_types=[
        pltpu.VMEM((KP,), jnp.int32),
        pltpu.VMEM((KP,), jnp.int32),
        pltpu.VMEM((KP, D), jnp.float32),
        pltpu.VMEM((KP, D), jnp.float32),
        pltpu.SemaphoreType.DMA,
        pltpu.SemaphoreType.DMA,
    ],
)
def _sc_perm_gather(nout_hbm, eout_hbm, npi_hbm, epi_hbm,
                    ps_hbm,
                    idxn, idxe, bufn, bufe, sem, sem2):
    c = lax.axis_index("c")
    s = lax.axis_index("s")
    wid = s * NC + c

    def addrow(r, carry):
        for cc in range(8):
            sl = pl.ds(cc * 16, 16)
            bufn[r, sl] = bufn[r, sl] + bufe[r, sl]
        return carry

    def blk(j, carry):
        base = wid * PPW + j * KP
        a1 = pltpu.async_copy(npi_hbm.at[pl.ds(base, KP)], idxn, sem)
        a2 = pltpu.async_copy(epi_hbm.at[pl.ds(base, KP)], idxe, sem2)
        a1.wait()
        a2.wait()
        g1 = pltpu.async_copy(nout_hbm.at[idxn], bufn, sem)
        g2 = pltpu.async_copy(eout_hbm.at[idxe], bufe, sem2)
        g1.wait()
        g2.wait()
        lax.fori_loop(0, KP, addrow, 0)
        pltpu.sync_copy(bufn, ps_hbm.at[pl.ds(base, KP)])
        return carry

    lax.fori_loop(0, NBP, blk, 0)


def _tc_prep_body(nf, dstw, srcw, deg0, deg1, nfd, nfs, stab):
    x = nf[...]
    nfd[...] = jnp.dot(x, dstw[...], preferred_element_type=jnp.float32)
    nfs[...] = jnp.dot(x, srcw[...], preferred_element_type=jnp.float32)
    deg = jnp.concatenate([deg0[...], deg1[...]], axis=0)[:N, 0:1]
    sc = 2.0 * (1.0 + jnp.log(1.0 + deg) * 1.4426950408889634)
    stab[...] = jnp.broadcast_to(sc, (N, D))


def _tc_prep(nf, dstw, srcw, deg0, deg1):
    return pl.pallas_call(
        _tc_prep_body,
        out_shape=[
            jax.ShapeDtypeStruct((N, D), jnp.float32),
            jax.ShapeDtypeStruct((N, D), jnp.float32),
            jax.ShapeDtypeStruct((N, D), jnp.float32),
        ],
    )(nf, dstw, srcw, deg0, deg1)


def _tc_e1_body(ef, emsg, scg, eloopw, srcw, dstw, eb, l1w, l1b,
                h_out, s_out, sq_out):
    x = ef[...]
    wsd = srcw[...] - dstw[...]
    scale = scg[:, 0:1]
    pre = (jnp.dot(x, eloopw[...], preferred_element_type=jnp.float32)
           + scale * jnp.dot(x, wsd, preferred_element_type=jnp.float32)
           + emsg[...] + eb[...])
    h = jnp.dot(pre, l1w[...], preferred_element_type=jnp.float32) + l1b[...]
    h_out[...] = h

    @pl.when(pl.program_id(0) == 0)
    def _():
        s_out[...] = jnp.zeros_like(s_out)
        sq_out[...] = jnp.zeros_like(sq_out)

    s_out[...] += jnp.sum(h, axis=0, keepdims=True)
    sq_out[...] += jnp.sum(h * h, axis=0, keepdims=True)


def _tc_e1(ef, emsg, scg, p):
    nsteps = E // BE
    row = lambda i: (i, 0)
    fixed = lambda i: (0, 0)
    return pl.pallas_call(
        _tc_e1_body,
        grid=(nsteps,),
        in_specs=[
            pl.BlockSpec((BE, D), row),
            pl.BlockSpec((BE, D), row),
            pl.BlockSpec((BE, D), row),
            pl.BlockSpec((D, D), fixed),
            pl.BlockSpec((D, D), fixed),
            pl.BlockSpec((D, D), fixed),
            pl.BlockSpec((1, D), fixed),
            pl.BlockSpec((D, D), fixed),
            pl.BlockSpec((1, D), fixed),
        ],
        out_specs=[
            pl.BlockSpec((BE, D), row),
            pl.BlockSpec((1, D), fixed),
            pl.BlockSpec((1, D), fixed),
        ],
        out_shape=[
            jax.ShapeDtypeStruct((E, D), jnp.float32),
            jax.ShapeDtypeStruct((1, D), jnp.float32),
            jax.ShapeDtypeStruct((1, D), jnp.float32),
        ],
    )(ef, emsg, scg, p["eloop_w"], p["src_w"], p["dst_w"],
      p["ebias"].reshape(1, D), p["e_l1_w"], p["e_l1_b"].reshape(1, D))


def _tc_e2_body(h_ref, s_ref, sq_ref, g_ref, b_ref, l2w, l2b, out_ref):
    mu = s_ref[...] * (1.0 / E)
    var = sq_ref[...] * (1.0 / E) - mu * mu
    hn = (h_ref[...] - mu) * lax.rsqrt(var + 1e-5) * g_ref[...] + b_ref[...]
    out_ref[...] = (jnp.dot(jnp.maximum(hn, 0.0), l2w[...],
                            preferred_element_type=jnp.float32) + l2b[...])


def _tc_e2(h, s, sq, p):
    nsteps = E // BE
    row = lambda i: (i, 0)
    fixed = lambda i: (0, 0)
    return pl.pallas_call(
        _tc_e2_body,
        grid=(nsteps,),
        in_specs=[
            pl.BlockSpec((BE, D), row),
            pl.BlockSpec((1, D), fixed),
            pl.BlockSpec((1, D), fixed),
            pl.BlockSpec((1, D), fixed),
            pl.BlockSpec((1, D), fixed),
            pl.BlockSpec((D, D), fixed),
            pl.BlockSpec((1, D), fixed),
        ],
        out_specs=pl.BlockSpec((BE, D), row),
        out_shape=jax.ShapeDtypeStruct((E, D), jnp.float32),
    )(h, s, sq, p["e_bn_g"].reshape(1, D), p["e_bn_b"].reshape(1, D),
      p["e_l2_w"], p["e_l2_b"].reshape(1, D))


def _tc_node_body(nf, agg0, agg1, inw, nloopw, nb, l1w, l1b, g, b, l2w, l2b,
                  out_ref):
    x = nf[...]
    agg = jnp.concatenate([agg0[...], agg1[...]], axis=0)[:N]
    pre = (jnp.dot(x, nloopw[...], preferred_element_type=jnp.float32)
           - jnp.dot(agg, inw[...], preferred_element_type=jnp.float32)
           + nb[...])
    h = jnp.dot(pre, l1w[...], preferred_element_type=jnp.float32) + l1b[...]
    mu = jnp.mean(h, axis=0, keepdims=True)
    var = jnp.mean((h - mu) ** 2, axis=0, keepdims=True)
    hn = (h - mu) * lax.rsqrt(var + 1e-5) * g[...] + b[...]
    out_ref[...] = (jnp.dot(jnp.maximum(hn, 0.0), l2w[...],
                            preferred_element_type=jnp.float32) + l2b[...])


def _tc_node(nf, agg0, agg1, p):
    return pl.pallas_call(
        _tc_node_body,
        out_shape=jax.ShapeDtypeStruct((N, D), jnp.float32),
    )(nf, agg0, agg1, p["in_w"], p["nloop_w"], p["nbias"].reshape(1, D),
      p["n_l1_w"], p["n_l1_b"].reshape(1, D),
      p["n_bn_g"].reshape(1, D), p["n_bn_b"].reshape(1, D),
      p["n_l2_w"], p["n_l2_b"].reshape(1, D))


def _tc_lrp_body(gn, wf, lb, pool_ref, out_ref):
    ps = gn[...]
    mm = jnp.dot(ps, wf[...], preferred_element_type=jnp.float32) + lb[...]
    pid = pool_ref[0, 0, :]
    oh = (pid[:, None] == lax.broadcasted_iota(jnp.int32, (BP, G), 1)
          ).astype(jnp.float32)
    contrib = lax.dot_general(oh, mm, (((0,), (0,)), ((), ())),
                              preferred_element_type=jnp.float32)

    @pl.when(pl.program_id(0) == 0)
    def _():
        out_ref[...] = jnp.zeros_like(out_ref)

    out_ref[...] += contrib


def _tc_lrp(gn2, wflat, lrp_bias, pool3):
    nsteps = P // BP
    row = lambda i: (i, 0)
    fixed = lambda i: (0, 0)
    return pl.pallas_call(
        _tc_lrp_body,
        grid=(nsteps,),
        in_specs=[
            pl.BlockSpec((BP, L2 * D), row),
            pl.BlockSpec((L2 * D, D), fixed),
            pl.BlockSpec((1, D), fixed),
            pl.BlockSpec((1, 1, BP), lambda i: (i, 0, 0)),
        ],
        out_specs=pl.BlockSpec((G, D), fixed),
        out_shape=jax.ShapeDtypeStruct((G, D), jnp.float32),
    )(gn2, wflat, lrp_bias, pool3)


def kernel(node_feat, edge_feat, params, edge_index, node_perm_idx,
           edge_perm_idx, pool_idx):
    p = params
    src = edge_index[0]
    dst = edge_index[1]

    znd = jnp.zeros((NPAD4, D), jnp.float32)

    ones_blk = jnp.ones((KE, D), jnp.float32)
    agg0 = _sc_scatter_q0(edge_feat, dst, znd)
    agg1 = _sc_scatter_q1(edge_feat, dst, znd)
    deg0 = _sc_deg_q0(src, znd, ones_blk)
    deg1 = _sc_deg_q1(src, znd, ones_blk)
    nfd, nfs, stab = _tc_prep(node_feat, p["dst_w"], p["src_w"], deg0, deg1)
    emsg, scg = _sc_edge_gather(nfd, nfs, stab, src, dst)
    h, s, sq = _tc_e1(edge_feat, emsg, scg, p)
    edge_out = _tc_e2(h, s, sq, p)
    node_out = _tc_node(node_feat, agg0, agg1, p)
    psum = _sc_perm_gather(node_out, edge_out, node_perm_idx,
                           edge_perm_idx)
    ps2 = psum.reshape(P, L2 * D)
    wflat = jnp.transpose(p["lrp_w"], (2, 0, 1)).reshape(L2 * D, D)
    pool3 = pool_idx.reshape(P // BP, 1, BP)
    pooled = _tc_lrp(ps2, wflat, p["lrp_bias"].reshape(1, D), pool3)
    return pooled, edge_out

# --- scband reference (transcript-rebuilt; emitter-appended) ---
"""Pipeline reference for scband-dmplrppool-layer-68049461838036 (READ-ONLY COPY).

The authoritative reference and input builder live on the scoring server;
editing this copy changes nothing except your own understanding.
"""

import jax, jax.numpy as jnp
import numpy as np

N = 10000
E = 320000
D = 128
LRP = 4
P = 50000
G = 256


def setup_inputs(seed: int = 0):
    key = jax.random.key(seed)
    ks = jax.random.split(key, 30)
    s = 1.0 / np.sqrt(D)

    def u(k, shape, div=1.0):
        return jax.random.uniform(k, shape, jnp.float32, -s, s) / div

    params = {
        "in_w": u(ks[0], (D, D), 4.0),
        "out_w": u(ks[1], (D, D), 4.0),
        "src_w": u(ks[2], (D, D), 4.0),
        "dst_w": u(ks[3], (D, D), 4.0),
        "nloop_w": u(ks[4], (D, D), 4.0),
        "eloop_w": u(ks[5], (D, D), 4.0),
        "lrp_w": u(ks[6], (D, D, LRP * LRP)),
        "nbias": jnp.zeros((D,), jnp.float32),
        "ebias": jnp.zeros((D,), jnp.float32),
        "lrp_bias": jnp.zeros((D,), jnp.float32),
        "n_l1_w": u(ks[7], (D, D)), "n_l1_b": jnp.zeros((D,), jnp.float32),
        "n_bn_g": jnp.ones((D,), jnp.float32), "n_bn_b": jnp.zeros((D,), jnp.float32),
        "n_l2_w": u(ks[8], (D, D)), "n_l2_b": jnp.zeros((D,), jnp.float32),
        "e_l1_w": u(ks[9], (D, D)), "e_l1_b": jnp.zeros((D,), jnp.float32),
        "e_bn_g": jnp.ones((D,), jnp.float32), "e_bn_b": jnp.zeros((D,), jnp.float32),
        "e_l2_w": u(ks[10], (D, D)), "e_l2_b": jnp.zeros((D,), jnp.float32),
    }
    return {
        "node_feat": jax.random.normal(ks[11], (N, D), jnp.float32),
        "edge_feat": jax.random.normal(ks[12], (E, D), jnp.float32),
        "params": params,
        "edge_index": jax.random.randint(ks[13], (2, E), 0, N, jnp.int32),
        "node_perm_idx": jax.random.randint(ks[14], (P * LRP * LRP,), 0, N, jnp.int32),
        "edge_perm_idx": jax.random.randint(ks[15], (P * LRP * LRP,), 0, E, jnp.int32),
        "pool_idx": jnp.sort(jax.random.randint(ks[16], (P,), 0, G, jnp.int32)),
    }


def _mlp(x, p, pre):
    # Linear -> BatchNorm1d (training-mode batch stats) -> ReLU -> Linear
    h = x @ p[pre + "l1_w"] + p[pre + "l1_b"]
    mu = jnp.mean(h, axis=0)
    var = jnp.var(h, axis=0)
    h = (h - mu) / jnp.sqrt(var + 1e-5) * p[pre + "bn_g"] + p[pre + "bn_b"]
    h = jax.nn.relu(h)
    return h @ p[pre + "l2_w"] + p[pre + "l2_b"]


def _forward(node_feat, edge_feat, p, edge_index, node_perm_idx, edge_perm_idx, pool_idx):
    src = edge_index[0]
    dst = edge_index[1]
    # graph.out_degrees()
    out_deg = jax.ops.segment_sum(jnp.ones((E,), jnp.float32), src, num_segments=N)
    # node_message_func (no REVFLAG present)
    edge_msg = node_feat[dst] @ p["dst_w"] - node_feat[src] @ p["src_w"]  # EDGEAGG
    node_msg = -(edge_feat @ p["in_w"])  # NODEMSG
    # fn.sum reduce into destination nodes
    node_agg = jax.ops.segment_sum(node_msg, dst, num_segments=N)
    # node_update_func
    node_out = node_feat @ p["nloop_w"] + node_agg + p["nbias"]
    node_out = _mlp(node_out, p, "n_")
    # edge_update_func
    d = jnp.log2(1.0 + out_deg[dst])[:, None]
    add = 2.0 * (1.0 + d) * (edge_feat @ (p["src_w"] - p["dst_w"]))
    edge_out = edge_feat @ p["eloop_w"] + add + edge_msg + p["ebias"]
    edge_out = _mlp(edge_out, p, "e_")
    # sparse selection matrices modeled as gathers:
    # tsp.mm(node_to_perm, node_out) + tsp.mm(edge_to_perm, edge_out)
    perm = node_out[node_perm_idx] + edge_out[edge_perm_idx]  # [P*16, D]
    perm = perm.reshape(P, LRP * LRP, D)
    lrp_out = jnp.einsum('dab,bca->dc', perm, p["lrp_w"]) + p["lrp_bias"]
    # tsp.mm(pooling_matrix, ...) modeled as segment-sum over graph ids
    pooled = jax.ops.segment_sum(lrp_out, pool_idx, num_segments=G)
    return pooled, edge_out


def reference(node_feat, edge_feat, params, edge_index, node_perm_idx, edge_perm_idx, pool_idx):
    return _forward(node_feat, edge_feat, params, edge_index, node_perm_idx, edge_perm_idx, pool_idx)

if __name__ == "__main__":
    import jax
    _d = setup_inputs()
    print(jax.jit(kernel)(*tuple(_d.values())))

</pallas_src>

<mosaic_0001>
#map = affine_map<(d0, d1) -> (0)>
#map1 = affine_map<(d0, d1) -> (0, 0)>
module attributes {stable_mosaic.version = 14 : i64} {
  func.func @sc_deg_q1(%arg0: i32, %arg1: i32, %arg2: memref<320000xi32, #tpu.memory_space<hbm>>, %arg3: memref<2688x128xf32, #tpu.memory_space<hbm>>, %arg4: memref<400x128xf32, #tpu.memory_space<hbm>>, %arg5: memref<5120x128xf32, #tpu.memory_space<hbm>>, %arg6: memref<400xi32, #tpu.memory_space<vmem>>, %arg7: memref<400x128xf32, #tpu.memory_space<vmem>>, %arg8: memref<2688x128xf32, #tpu.memory_space<vmem_shared>>) attributes {dimension_semantics = [#tpu.dimension_semantics<core_parallel>, #tpu.dimension_semantics<subcore_parallel>], iteration_bounds = array<i64: 2, 16>, scalar_prefetch = 0 : i64, scratch_operands = 3 : i64, tpu.core_type = #tpu.core_type<sc_vector_subcore>, window_params = [{transform_indices = #map}, {transform_indices = #map1}, {transform_indices = #map1}, {transform_indices = #map1}]} {
    %add3A = arith.constant 2 : i32
    %add3A_0 = arith.addi %add3A, %arg0 : i32
    %mul3A = arith.constant 2560 : i32
    %mul3A_1 = arith.muli %add3A_0, %mul3A : i32
    %mul3A_2 = arith.constant 168 : i32
    %mul3A_3 = arith.muli %arg1, %mul3A_2 : i32
    %mul3A_4 = arith.constant 168 : i32
    %mul3A_5 = arith.muli %arg1, %mul3A_4 : i32
    "tpu.region"() ({
      %run_scoped3A = tpu.sem_alloc : memref<!tpu.dma_semaphore, #tpu.memory_space<semaphore_mem>>
      %dma_start3A = arith.constant 0 : i32
      %dma_start3A_19 = tpu.memref_slice %arg8[%mul3A_5, %dma_start3A] : memref<2688x128xf32, #tpu.memory_space<vmem_shared>> -> memref<168x128xf32, #tpu.memory_space<vmem_shared>>
      %dma_start3A_20 = arith.constant 0 : i32
      %dma_start3A_21 = tpu.memref_slice %arg3[%mul3A_3, %dma_start3A_20] : memref<2688x128xf32, #tpu.memory_space<hbm>> -> memref<168x128xf32, #tpu.memory_space<hbm>>
      tpu.enqueue_dma source(%dma_start3A_21 : memref<168x128xf32, #tpu.memory_space<hbm>>) target(%dma_start3A_19 : memref<168x128xf32, #tpu.memory_space<vmem_shared>>) target_semaphore(%run_scoped3A : memref<!tpu.dma_semaphore, #tpu.memory_space<semaphore_mem>>)
      %dma_wait3A = arith.constant 0 : i32
      %dma_wait3A_22 = tpu.memref_slice %arg8[%mul3A_5, %dma_wait3A] : memref<2688x128xf32, #tpu.memory_space<vmem_shared>> -> memref<168x128xf32, #tpu.memory_space<vmem_shared>>
      %dma_wait3A_23 = arith.constant 0 : i32
      %dma_wait3A_24 = tpu.memref_slice %arg3[%mul3A_3, %dma_wait3A_23] : memref<2688x128xf32, #tpu.memory_space<hbm>> -> memref<168x128xf32, #tpu.memory_space<hbm>>
      tpu.wait_dma2 semaphore(%run_scoped3A : memref<!tpu.dma_semaphore, #tpu.memory_space<semaphore_mem>>) src(%dma_wait3A_24 : memref<168x128xf32, #tpu.memory_space<hbm>>) dst(%dma_wait3A_22 : memref<168x128xf32, #tpu.memory_space<vmem_shared>>)
      tpu.yield
    }) : () -> ()
    "tpu.region"() ({
      %run_scoped3A = tpu.sem_alloc : memref<!tpu.dma_semaphore, #tpu.memory_space<semaphore_mem>>
      tpu.enqueue_dma source(%arg4 : memref<400x128xf32, #tpu.memory_space<hbm>>) target(%arg7 : memref<400x128xf32, #tpu.memory_space<vmem>>) target_semaphore(%run_scoped3A : memref<!tpu.dma_semaphore, #tpu.memory_space<semaphore_mem>>)
      tpu.wait_dma2 semaphore(%run_scoped3A : memref<!tpu.dma_semaphore, #tpu.memory_space<semaphore_mem>>) src(%arg4 : memref<400x128xf32, #tpu.memory_space<hbm>>) dst(%arg7 : memref<400x128xf32, #tpu.memory_space<vmem>>)
      tpu.yield
    }) : () -> ()
    %barrier3A = arith.constant 0 : index
    tpu.barrier barrier_id(%barrier3A)
    %scan3A = arith.constant 0 : i32
    %scan3A_6 = arith.constant 0 : i32
    %scan3A_7 = arith.constant 50 : i32
    %scan3A_8 = arith.addi %scan3A_6, %scan3A_7 : i32
    %scan3A_9 = arith.constant 1 : i32
    scf.for %scan3A_19 = %scan3A_6 to %scan3A_8 step %scan3A_9  : i32 {
      %mul3A_20 = arith.constant 20000 : i32
      %mul3A_21 = arith.muli %arg1, %mul3A_20 : i32
      %mul3A_22 = arith.constant 400 : i32
      %mul3A_23 = arith.muli %scan3A_19, %mul3A_22 : i32
      %add3A_24 = arith.addi %mul3A_21, %mul3A_23 : i32
      "tpu.region"() ({
        %run_scoped3A = tpu.sem_alloc : memref<!tpu.dma_semaphore, #tpu.memory_space<semaphore_mem>>
        %dma_start3A = tpu.memref_slice %arg2[%add3A_24] : memref<320000xi32, #tpu.memory_space<hbm>> -> memref<400xi32, #tpu.memory_space<hbm>>
        %dma_start3A_31 = tpu.memref_slice %arg2[%add3A_24] : memref<320000xi32, #tpu.memory_space<hbm>> -> memref<400xi32, #tpu.memory_space<hbm>>
        tpu.enqueue_dma source(%dma_start3A_31 : memref<400xi32, #tpu.memory_space<hbm>>) target(%arg6 : memref<400xi32, #tpu.memory_space<vmem>>) target_semaphore(%run_scoped3A : memref<!tpu.dma_semaphore, #tpu.memory_space<semaphore_mem>>)
        %dma_wait3A = tpu.memref_slice %arg2[%add3A_24] : memref<320000xi32, #tpu.memory_space<hbm>> -> memref<400xi32, #tpu.memory_space<hbm>>
        %dma_wait3A_32 = tpu.memref_slice %arg2[%add3A_24] : memref<320000xi32, #tpu.memory_space<hbm>> -> memref<400xi32, #tpu.memory_space<hbm>>
        tpu.wait_dma2 semaphore(%run_scoped3A : memref<!tpu.dma_semaphore, #tpu.memory_space<semaphore_mem>>) src(%dma_wait3A_32 : memref<400xi32, #tpu.memory_space<hbm>>) dst(%arg6 : memref<400xi32, #tpu.memory_space<vmem>>)
        tpu.yield
      }) : () -> ()
      %scan3A_25 = arith.constant 0 : i32
      %scan3A_26 = arith.constant 0 : i32
      %scan3A_27 = arith.constant 25 : i32
      %scan3A_28 = arith.addi %scan3A_26, %scan3A_27 : i32
      %scan3A_29 = arith.constant 1 : i32
      scf.for %scan3A_31 = %scan3A_26 to %scan3A_28 step %scan3A_29  : i32 {
        %mul3A_32 = arith.constant 16 : i32
        %mul3A_33 = arith.muli %scan3A_31, %mul3A_32 : i32
        %get3A = arith.index_cast %mul3A_33 : i32 to index
        %get3A_34 = tpu.vector_load %arg6[%get3A] {strides = array<i32>} : memref<400xi32, #tpu.memory_space<vmem>>, vector<16xi32>,
        %get3A_35 = vector.shape_cast %get3A_34 : vector<16xi32> to vector<16xi32>
        %sub3A = vector.broadcast %mul3A_1 : i32 to vector<16xi32>
        %sub3A_36 = arith.subi %get3A_35, %sub3A : vector<16xi32>
        %ge3A = arith.constant 0 : i32
        %ge3A_37 = vector.broadcast %ge3A : i32 to vector<16xi32>
        %ge3A_38 = arith.cmpi sge, %sub3A_36, %ge3A_37 : vector<16xi32>
        %lt3A = arith.constant 2560 : i32
        %lt3A_39 = vector.broadcast %lt3A : i32 to vector<16xi32>
        %lt3A_40 = arith.cmpi slt, %sub3A_36, %lt3A_39 : vector<16xi32>
        %and3A = arith.andi %ge3A_38, %lt3A_40 : vector<16xi1>
        %jit3A = arith.constant 2560 : i32
        %broadcast_in_dim3A = vector.broadcast %jit3A : i32 to vector<16xi32>
        %select_n3A = arith.select %and3A, %sub3A_36, %broadcast_in_dim3A : vector<16xi1>, vector<16xi32>
        %swap3A = arith.index_cast %mul3A_33 : i32 to index
        %swap3A_41 = tpu.vector_load %arg6[%swap3A] {strides = array<i32>} : memref<400xi32, #tpu.memory_space<vmem>>, vector<16xi32>,
        %swap3A_42 = vector.shape_cast %swap3A_41 : vector<16xi32> to vector<16xi32>
        %swap3A_43 = vector.shape_cast %select_n3A : vector<16xi32> to vector<16xi32>
        tpu.vector_store %arg6[%swap3A], %swap3A_43 {strides = array<i32>} : memref<400xi32, #tpu.memory_space<vmem>>, vector<16xi32>,
      }
      %scan3A_30 = arith.constant 25 : i32
      "tpu.region"() ({
        %run_scoped3A = tpu.sem_alloc : memref<!tpu.dma_semaphore, #tpu.memory_space<semaphore_mem>>
        %dma_start3A = arith.constant 0 : i32
        %dma_start3A_31 = arith.constant 0 : i32
        %dma_start3A_32 = tpu.memref_slice %arg8[%dma_start3A, %dma_start3A_31] : memref<2688x128xf32, #tpu.memory_space<vmem_shared>> -> memref<2688x128xf32, #tpu.memory_space<vmem_shared>>
        tpu.enqueue_indirect_dma source(%arg7 : memref<400x128xf32, #tpu.memory_space<vmem>>) target(%dma_start3A_32 : memref<2688x128xf32, #tpu.memory_space<vmem_shared>>) offsets(%arg6 : memref<400xi32, #tpu.memory_space<vmem>>) semaphore(%run_scoped3A : memref<!tpu.dma_semaphore, #tpu.memory_space<semaphore_mem>>) {add = true}
        %dma_wait3A = arith.constant 0 : i32
        %dma_wait3A_33 = arith.constant 0 : i32
        %dma_wait3A_34 = tpu.memref_slice %arg8[%dma_wait3A, %dma_wait3A_33] : memref<2688x128xf32, #tpu.memory_space<vmem_shared>> -> memref<2688x128xf32, #tpu.memory_space<vmem_shared>>
        tpu.wait_indirect_dma semaphore(%run_scoped3A : memref<!tpu.dma_semaphore, #tpu.memory_space<semaphore_mem>>) src(%arg7 : memref<400x128xf32, #tpu.memory_space<vmem>>) dst(%dma_wait3A_34 : memref<2688x128xf32, #tpu.memory_space<vmem_shared>>)
        tpu.yield
      }) : () -> ()
    }
    %scan3A_10 = arith.constant 50 : i32
    %barrier3A_11 = arith.constant 0 : index
    tpu.barrier barrier_id(%barrier3A_11)
    %mul3A_12 = arith.constant 160 : i32
    %mul3A_13 = arith.muli %arg1, %mul3A_12 : i32
    %mul3A_14 = arith.constant 2560 : i32
    %mul3A_15 = arith.muli %arg0, %mul3A_14 : i32
    %mul3A_16 = arith.constant 160 : i32
    %mul3A_17 = arith.muli %arg1, %mul3A_16 : i32
    %add3A_18 = arith.addi %mul3A_15, %mul3A_17 : i32
    "tpu.region"() ({
      %run_scoped3A = tpu.sem_alloc : memref<!tpu.dma_semaphore, #tpu.memory_space<semaphore_mem>>
      %dma_start3A = arith.constant 0 : i32
      %dma_start3A_19 = tpu.memref_slice %arg5[%add3A_18, %dma_start3A] : memref<5120x128xf32, #tpu.memory_space<hbm>> -> memref<160x128xf32, #tpu.memory_space<hbm>>
      %dma_start3A_20 = arith.constant 0 : i32
      %dma_start3A_21 = tpu.memref_slice %arg8[%mul3A_13, %dma_start3A_20] : memref<2688x128xf32, #tpu.memory_space<vmem_shared>> -> memref<160x128xf32, #tpu.memory_space<vmem_shared>>
      tpu.enqueue_dma source(%dma_start3A_21 : memref<160x128xf32, #tpu.memory_space<vmem_shared>>) target(%dma_start3A_19 : memref<160x128xf32, #tpu.memory_space<hbm>>) target_semaphore(%run_scoped3A : memref<!tpu.dma_semaphore, #tpu.memory_space<semaphore_mem>>)
      %dma_wait3A = arith.constant 0 : i32
      %dma_wait3A_22 = tpu.memref_slice %arg5[%add3A_18, %dma_wait3A] : memref<5120x128xf32, #tpu.memory_space<hbm>> -> memref<160x128xf32, #tpu.memory_space<hbm>>
      %dma_wait3A_23 = arith.constant 0 : i32
      %dma_wait3A_24 = tpu.memref_slice %arg8[%mul3A_13, %dma_wait3A_23] : memref<2688x128xf32, #tpu.memory_space<vmem_shared>> -> memref<160x128xf32, #tpu.memory_space<vmem_shared>>
      tpu.wait_dma2 semaphore(%run_scoped3A : memref<!tpu.dma_semaphore, #tpu.memory_space<semaphore_mem>>) src(%dma_wait3A_24 : memref<160x128xf32, #tpu.memory_space<vmem_shared>>) dst(%dma_wait3A_22 : memref<160x128xf32, #tpu.memory_space<hbm>>)
      tpu.yield
    }) : () -> ()
    return
  }
}

#map = affine_map<(d0, d1) -> (0, 0)>
#map1 = affine_map<(d0, d1) -> (0)>
module attributes {stable_mosaic.version = 14 : i64} {
  func.func @sc_scatter_q1(%arg0: i32, %arg1: i32, %arg2: memref<320000x128xf32, #tpu.memory_space<hbm>>, %arg3: memref<320000xi32, #tpu.memory_space<hbm>>, %arg4: memref<2688x128xf32, #tpu.memory_space<hbm>>, %arg5: memref<5120x128xf32, #tpu.memory_space<hbm>>, %arg6: memref<400xi32, #tpu.memory_space<vmem>>, %arg7: memref<400x128xf32, #tpu.memory_space<vmem>>, %arg8: memref<2688x128xf32, #tpu.memory_space<vmem_shared>>, %arg9: memref<!tpu.dma_semaphore, #tpu.memory_space<semaphore_mem>>, %arg10: memref<!tpu.dma_semaphore, #tpu.memory_space<semaphore_mem>>) attributes {dimension_semantics = [#tpu.dimension_semantics<core_parallel>, #tpu.dimension_semantics<subcore_parallel>], iteration_bounds = array<i64: 2, 16>, scalar_prefetch = 0 : i64, scratch_operands = 5 : i64, tpu.core_type = #tpu.core_type<sc_vector_subcore>, window_params = [{transform_indices = #map}, {transform_indices = #map1}, {transform_indices = #map}, {transform_indices = #map}]} {
    %add3A = arith.constant 2 : i32
    %add3A_0 = arith.addi %add3A, %arg0 : i32
    %mul3A = arith.constant 2560 : i32
    %mul3A_1 = arith.muli %add3A_0, %mul3A : i32
    %mul3A_2 = arith.constant 168 : i32
    %mul3A_3 = arith.muli %arg1, %mul3A_2 : i32
    %mul3A_4 = arith.constant 168 : i32
    %mul3A_5 = arith.muli %arg1, %mul3A_4 : i32
    "tpu.region"() ({
      %run_scoped3A = tpu.sem_alloc : memref<!tpu.dma_semaphore, #tpu.memory_space<semaphore_mem>>
      %dma_start3A = arith.constant 0 : i32
      %dma_start3A_19 = tpu.memref_slice %arg8[%mul3A_5, %dma_start3A] : memref<2688x128xf32, #tpu.memory_space<vmem_shared>> -> memref<168x128xf32, #tpu.memory_space<vmem_shared>>
      %dma_start3A_20 = arith.constant 0 : i32
      %dma_start3A_21 = tpu.memref_slice %arg4[%mul3A_3, %dma_start3A_20] : memref<2688x128xf32, #tpu.memory_space<hbm>> -> memref<168x128xf32, #tpu.memory_space<hbm>>
      tpu.enqueue_dma source(%dma_start3A_21 : memref<168x128xf32, #tpu.memory_space<hbm>>) target(%dma_start3A_19 : memref<168x128xf32, #tpu.memory_space<vmem_shared>>) target_semaphore(%run_scoped3A : memref<!tpu.dma_semaphore, #tpu.memory_space<semaphore_mem>>)
      %dma_wait3A = arith.constant 0 : i32
      %dma_wait3A_22 = tpu.memref_slice %arg8[%mul3A_5, %dma_wait3A] : memref<2688x128xf32, #tpu.memory_space<vmem_shared>> -> memref<168x128xf32, #tpu.memory_space<vmem_shared>>
      %dma_wait3A_23 = arith.constant 0 : i32
      %dma_wait3A_24 = tpu.memref_slice %arg4[%mul3A_3, %dma_wait3A_23] : memref<2688x128xf32, #tpu.memory_space<hbm>> -> memref<168x128xf32, #tpu.memory_space<hbm>>
      tpu.wait_dma2 semaphore(%run_scoped3A : memref<!tpu.dma_semaphore, #tpu.memory_space<semaphore_mem>>) src(%dma_wait3A_24 : memref<168x128xf32, #tpu.memory_space<hbm>>) dst(%dma_wait3A_22 : memref<168x128xf32, #tpu.memory_space<vmem_shared>>)
      tpu.yield
    }) : () -> ()
    %barrier3A = arith.constant 0 : index
    tpu.barrier barrier_id(%barrier3A)
    %scan3A = arith.constant 0 : i32
    %scan3A_6 = arith.constant 0 : i32
    %scan3A_7 = arith.constant 50 : i32
    %scan3A_8 = arith.addi %scan3A_6, %scan3A_7 : i32
    %scan3A_9 = arith.constant 1 : i32
    scf.for %scan3A_19 = %scan3A_6 to %scan3A_8 step %scan3A_9  : i32 {
      %mul3A_20 = arith.constant 20000 : i32
      %mul3A_21 = arith.muli %arg1, %mul3A_20 : i32
      %mul3A_22 = arith.constant 400 : i32
      %mul3A_23 = arith.muli %scan3A_19, %mul3A_22 : i32
      %add3A_24 = arith.addi %mul3A_21, %mul3A_23 : i32
      %dma_start3A = tpu.memref_slice %arg3[%add3A_24] : memref<320000xi32, #tpu.memory_space<hbm>> -> memref<400xi32, #tpu.memory_space<hbm>>
      %dma_start3A_25 = tpu.memref_slice %arg3[%add3A_24] : memref<320000xi32, #tpu.memory_space<hbm>> -> memref<400xi32, #tpu.memory_space<hbm>>
      tpu.enqueue_dma source(%dma_start3A_25 : memref<400xi32, #tpu.memory_space<hbm>>) target(%arg6 : memref<400xi32, #tpu.memory_space<vmem>>) target_semaphore(%arg9 : memref<!tpu.dma_semaphore, #tpu.memory_space<semaphore_mem>>)
      %dma_start3A_26 = arith.constant 0 : i32
      %dma_start3A_27 = tpu.memref_slice %arg2[%add3A_24, %dma_start3A_26] : memref<320000x128xf32, #tpu.memory_space<hbm>> -> memref<400x128xf32, #tpu.memory_space<hbm>>
      %dma_start3A_28 = arith.constant 0 : i32
      %dma_start3A_29 = tpu.memref_slice %arg2[%add3A_24, %dma_start3A_28] : memref<320000x128xf32, #tpu.memory_space<hbm>> -> memref<400x128xf32, #tpu.memory_space<hbm>>
      tpu.enqueue_dma source(%dma_start3A_29 : memref<400x128xf32, #tpu.memory_space<hbm>>) target(%arg7 : memref<400x128xf32, #tpu.memory_space<vmem>>) target_semaphore(%arg10 : memref<!tpu.dma_semaphore, #tpu.memory_space<semaphore_mem>>)
      %dma_wait3A = tpu.memref_slice %arg3[%add3A_24] : memref<320000xi32, #tpu.memory_space<hbm>> -> memref<400xi32, #tpu.memory_space<hbm>>
      %dma_wait3A_30 = tpu.memref_slice %arg3[%add3A_24] : memref<320000xi32, #tpu.memory_space<hbm>> -> memref<400xi32, #tpu.memory_space<hbm>>
      tpu.wait_dma2 semaphore(%arg9 : memref<!tpu.dma_semaphore, #tpu.memory_space<semaphore_mem>>) src(%dma_wait3A_30 : memref<400xi32, #tpu.memory_space<hbm>>) dst(%arg6 : memref<400xi32, #tpu.memory_space<vmem>>)
      %scan3A_31 = arith.constant 0 : i32
      %scan3A_32 = arith.constant 0 : i32
      %scan3A_33 = arith.constant 25 : i32
      %scan3A_34 = arith.addi %scan3A_32, %scan3A_33 : i32
      %scan3A_35 = arith.constant 1 : i32
      scf.for %scan3A_41 = %scan3A_32 to %scan3A_34 step %scan3A_35  : i32 {
        %mul3A_42 = arith.constant 16 : i32
        %mul3A_43 = arith.muli %scan3A_41, %mul3A_42 : i32
        %get3A = arith.index_cast %mul3A_43 : i32 to index
        %get3A_44 = tpu.vector_load %arg6[%get3A] {strides = array<i32>} : memref<400xi32, #tpu.memory_space<vmem>>, vector<16xi32>,
        %get3A_45 = vector.shape_cast %get3A_44 : vector<16xi32> to vector<16xi32>
        %sub3A = vector.broadcast %mul3A_1 : i32 to vector<16xi32>
        %sub3A_46 = arith.subi %get3A_45, %sub3A : vector<16xi32>
        %ge3A = arith.constant 0 : i32
        %ge3A_47 = vector.broadcast %ge3A : i32 to vector<16xi32>
        %ge3A_48 = arith.cmpi sge, %sub3A_46, %ge3A_47 : vector<16xi32>
        %lt3A = arith.constant 2560 : i32
        %lt3A_49 = vector.broadcast %lt3A : i32 to vector<16xi32>
        %lt3A_50 = arith.cmpi slt, %sub3A_46, %lt3A_49 : vector<16xi32>
        %and3A = arith.andi %ge3A_48, %lt3A_50 : vector<16xi1>
        %jit3A = arith.constant 2560 : i32
        %broadcast_in_dim3A = vector.broadcast %jit3A : i32 to vector<16xi32>
        %select_n3A = arith.select %and3A, %sub3A_46, %broadcast_in_dim3A : vector<16xi1>, vector<16xi32>
        %swap3A = arith.index_cast %mul3A_43 : i32 to index
        %swap3A_51 = tpu.vector_load %arg6[%swap3A] {strides = array<i32>} : memref<400xi32, #tpu.memory_space<vmem>>, vector<16xi32>,
        %swap3A_52 = vector.shape_cast %swap3A_51 : vector<16xi32> to vector<16xi32>
        %swap3A_53 = vector.shape_cast %select_n3A : vector<16xi32> to vector<16xi32>
        tpu.vector_store %arg6[%swap3A], %swap3A_53 {strides = array<i32>} : memref<400xi32, #tpu.memory_space<vmem>>, vector<16xi32>,
      }
      %scan3A_36 = arith.constant 25 : i32
      %dma_wait3A_37 = arith.constant 0 : i32
      %dma_wait3A_38 = tpu.memref_slice %arg2[%add3A_24, %dma_wait3A_37] : memref<320000x128xf32, #tpu.memory_space<hbm>> -> memref<400x128xf32, #tpu.memory_space<hbm>>
      %dma_wait3A_39 = arith.constant 0 : i32
      %dma_wait3A_40 = tpu.memref_slice %arg2[%add3A_24, %dma_wait3A_39] : memref<320000x128xf32, #tpu.memory_space<hbm>> -> memref<400x128xf32, #tpu.memory_space<hbm>>
      tpu.wait_dma2 semaphore(%arg10 : memref<!tpu.dma_semaphore, #tpu.memory_space<semaphore_mem>>) src(%dma_wait3A_40 : memref<400x128xf32, #tpu.memory_space<hbm>>) dst(%arg7 : memref<400x128xf32, #tpu.memory_space<vmem>>)
      "tpu.region"() ({
        %run_scoped3A = tpu.sem_alloc : memref<!tpu.dma_semaphore, #tpu.memory_space<semaphore_mem>>
        %dma_start3A_41 = arith.constant 0 : i32
        %dma_start3A_42 = arith.constant 0 : i32
        %dma_start3A_43 = tpu.memref_slice %arg8[%dma_start3A_41, %dma_start3A_42] : memref<2688x128xf32, #tpu.memory_space<vmem_shared>> -> memref<2688x128xf32, #tpu.memory_space<vmem_shared>>
        tpu.enqueue_indirect_dma source(%arg7 : memref<400x128xf32, #tpu.memory_space<vmem>>) target(%dma_start3A_43 : memref<2688x128xf32, #tpu.memory_space<vmem_shared>>) offsets(%arg6 : memref<400xi32, #tpu.memory_space<vmem>>) semaphore(%run_scoped3A : memref<!tpu.dma_semaphore, #tpu.memory_space<semaphore_mem>>) {add = true}
        %dma_wait3A_44 = arith.constant 0 : i32
        %dma_wait3A_45 = arith.constant 0 : i32
        %dma_wait3A_46 = tpu.memref_slice %arg8[%dma_wait3A_44, %dma_wait3A_45] : memref<2688x128xf32, #tpu.memory_space<vmem_shared>> -> memref<2688x128xf32, #tpu.memory_space<vmem_shared>>
        tpu.wait_indirect_dma semaphore(%run_scoped3A : memref<!tpu.dma_semaphore, #tpu.memory_space<semaphore_mem>>) src(%arg7 : memref<400x128xf32, #tpu.memory_space<vmem>>) dst(%dma_wait3A_46 : memref<2688x128xf32, #tpu.memory_space<vmem_shared>>)
        tpu.yield
      }) : () -> ()
    }
    %scan3A_10 = arith.constant 50 : i32
    %barrier3A_11 = arith.constant 0 : index
    tpu.barrier barrier_id(%barrier3A_11)
    %mul3A_12 = arith.constant 160 : i32
    %mul3A_13 = arith.muli %arg1, %mul3A_12 : i32
    %mul3A_14 = arith.constant 2560 : i32
    %mul3A_15 = arith.muli %arg0, %mul3A_14 : i32
    %mul3A_16 = arith.constant 160 : i32
    %mul3A_17 = arith.muli %arg1, %mul3A_16 : i32
    %add3A_18 = arith.addi %mul3A_15, %mul3A_17 : i32
    "tpu.region"() ({
      %run_scoped3A = tpu.sem_alloc : memref<!tpu.dma_semaphore, #tpu.memory_space<semaphore_mem>>
      %dma_start3A = arith.constant 0 : i32
      %dma_start3A_19 = tpu.memref_slice %arg5[%add3A_18, %dma_start3A] : memref<5120x128xf32, #tpu.memory_space<hbm>> -> memref<160x128xf32, #tpu.memory_space<hbm>>
      %dma_start3A_20 = arith.constant 0 : i32
      %dma_start3A_21 = tpu.memref_slice %arg8[%mul3A_13, %dma_start3A_20] : memref<2688x128xf32, #tpu.memory_space<vmem_shared>> -> memref<160x128xf32, #tpu.memory_space<vmem_shared>>
      tpu.enqueue_dma source(%dma_start3A_21 : memref<160x128xf32, #tpu.memory_space<vmem_shared>>) target(%dma_start3A_19 : memref<160x128xf32, #tpu.memory_space<hbm>>) target_semaphore(%run_scoped3A : memref<!tpu.dma_semaphore, #tpu.memory_space<semaphore_mem>>)
      %dma_wait3A = arith.constant 0 : i32
      %dma_wait3A_22 = tpu.memref_slice %arg5[%add3A_18, %dma_wait3A] : memref<5120x128xf32, #tpu.memory_space<hbm>> -> memref<160x128xf32, #tpu.memory_space<hbm>>
      %dma_wait3A_23 = arith.constant 0 : i32
      %dma_wait3A_24 = tpu.memref_slice %arg8[%mul3A_13, %dma_wait3A_23] : memref<2688x128xf32, #tpu.memory_space<vmem_shared>> -> memref<160x128xf32, #tpu.memory_space<vmem_shared>>
      tpu.wait_dma2 semaphore(%run_scoped3A : memref<!tpu.dma_semaphore, #tpu.memory_space<semaphore_mem>>) src(%dma_wait3A_24 : memref<160x128xf32, #tpu.memory_space<vmem_shared>>) dst(%dma_wait3A_22 : memref<160x128xf32, #tpu.memory_space<hbm>>)
      tpu.yield
    }) : () -> ()
    return
  }
}

#map = affine_map<(d0, d1) -> (0, 0)>
#map1 = affine_map<(d0, d1) -> (0)>
module attributes {stable_mosaic.version = 14 : i64} {
  func.func @sc_scatter_q0(%arg0: i32, %arg1: i32, %arg2: memref<320000x128xf32, #tpu.memory_space<hbm>>, %arg3: memref<320000xi32, #tpu.memory_space<hbm>>, %arg4: memref<2688x128xf32, #tpu.memory_space<hbm>>, %arg5: memref<5120x128xf32, #tpu.memory_space<hbm>>, %arg6: memref<400xi32, #tpu.memory_space<vmem>>, %arg7: memref<400x128xf32, #tpu.memory_space<vmem>>, %arg8: memref<2688x128xf32, #tpu.memory_space<vmem_shared>>, %arg9: memref<!tpu.dma_semaphore, #tpu.memory_space<semaphore_mem>>, %arg10: memref<!tpu.dma_semaphore, #tpu.memory_space<semaphore_mem>>) attributes {dimension_semantics = [#tpu.dimension_semantics<core_parallel>, #tpu.dimension_semantics<subcore_parallel>], iteration_bounds = array<i64: 2, 16>, scalar_prefetch = 0 : i64, scratch_operands = 5 : i64, tpu.core_type = #tpu.core_type<sc_vector_subcore>, window_params = [{transform_indices = #map}, {transform_indices = #map1}, {transform_indices = #map}, {transform_indices = #map}]} {
    %add3A = arith.constant 0 : i32
    %add3A_0 = arith.addi %add3A, %arg0 : i32
    %mul3A = arith.constant 2560 : i32
    %mul3A_1 = arith.muli %add3A_0, %mul3A : i32
    %mul3A_2 = arith.constant 168 : i32
    %mul3A_3 = arith.muli %arg1, %mul3A_2 : i32
    %mul3A_4 = arith.constant 168 : i32
    %mul3A_5 = arith.muli %arg1, %mul3A_4 : i32
    "tpu.region"() ({
      %run_scoped3A = tpu.sem_alloc : memref<!tpu.dma_semaphore, #tpu.memory_space<semaphore_mem>>
      %dma_start3A = arith.constant 0 : i32
      %dma_start3A_19 = tpu.memref_slice %arg8[%mul3A_5, %dma_start3A] : memref<2688x128xf32, #tpu.memory_space<vmem_shared>> -> memref<168x128xf32, #tpu.memory_space<vmem_shared>>
      %dma_start3A_20 = arith.constant 0 : i32
      %dma_start3A_21 = tpu.memref_slice %arg4[%mul3A_3, %dma_start3A_20] : memref<2688x128xf32, #tpu.memory_space<hbm>> -> memref<168x128xf32, #tpu.memory_space<hbm>>
      tpu.enqueue_dma source(%dma_start3A_21 : memref<168x128xf32, #tpu.memory_space<hbm>>) target(%dma_start3A_19 : memref<168x128xf32, #tpu.memory_space<vmem_shared>>) target_semaphore(%run_scoped3A : memref<!tpu.dma_semaphore, #tpu.memory_space<semaphore_mem>>)
      %dma_wait3A = arith.constant 0 : i32
      %dma_wait3A_22 = tpu.memref_slice %arg8[%mul3A_5, %dma_wait3A] : memref<2688x128xf32, #tpu.memory_space<vmem_shared>> -> memref<168x128xf32, #tpu.memory_space<vmem_shared>>
      %dma_wait3A_23 = arith.constant 0 : i32
      %dma_wait3A_24 = tpu.memref_slice %arg4[%mul3A_3, %dma_wait3A_23] : memref<2688x128xf32, #tpu.memory_space<hbm>> -> memref<168x128xf32, #tpu.memory_space<hbm>>
      tpu.wait_dma2 semaphore(%run_scoped3A : memref<!tpu.dma_semaphore, #tpu.memory_space<semaphore_mem>>) src(%dma_wait3A_24 : memref<168x128xf32, #tpu.memory_space<hbm>>) dst(%dma_wait3A_22 : memref<168x128xf32, #tpu.memory_space<vmem_shared>>)
      tpu.yield
    }) : () -> ()
    %barrier3A = arith.constant 0 : index
    tpu.barrier barrier_id(%barrier3A)
    %scan3A = arith.constant 0 : i32
    %scan3A_6 = arith.constant 0 : i32
    %scan3A_7 = arith.constant 50 : i32
    %scan3A_8 = arith.addi %scan3A_6, %scan3A_7 : i32
    %scan3A_9 = arith.constant 1 : i32
    scf.for %scan3A_19 = %scan3A_6 to %scan3A_8 step %scan3A_9  : i32 {
      %mul3A_20 = arith.constant 20000 : i32
      %mul3A_21 = arith.muli %arg1, %mul3A_20 : i32
      %mul3A_22 = arith.constant 400 : i32
      %mul3A_23 = arith.muli %scan3A_19, %mul3A_22 : i32
      %add3A_24 = arith.addi %mul3A_21, %mul3A_23 : i32
      %dma_start3A = tpu.memref_slice %arg3[%add3A_24] : memref<320000xi32, #tpu.memory_space<hbm>> -> memref<400xi32, #tpu.memory_space<hbm>>
      %dma_start3A_25 = tpu.memref_slice %arg3[%add3A_24] : memref<320000xi32, #tpu.memory_space<hbm>> -> memref<400xi32, #tpu.memory_space<hbm>>
      tpu.enqueue_dma source(%dma_start3A_25 : memref<400xi32, #tpu.memory_space<hbm>>) target(%arg6 : memref<400xi32, #tpu.memory_space<vmem>>) target_semaphore(%arg9 : memref<!tpu.dma_semaphore, #tpu.memory_space<semaphore_mem>>)
      %dma_start3A_26 = arith.constant 0 : i32
      %dma_start3A_27 = tpu.memref_slice %arg2[%add3A_24, %dma_start3A_26] : memref<320000x128xf32, #tpu.memory_space<hbm>> -> memref<400x128xf32, #tpu.memory_space<hbm>>
      %dma_start3A_28 = arith.constant 0 : i32
      %dma_start3A_29 = tpu.memref_slice %arg2[%add3A_24, %dma_start3A_28] : memref<320000x128xf32, #tpu.memory_space<hbm>> -> memref<400x128xf32, #tpu.memory_space<hbm>>
      tpu.enqueue_dma source(%dma_start3A_29 : memref<400x128xf32, #tpu.memory_space<hbm>>) target(%arg7 : memref<400x128xf32, #tpu.memory_space<vmem>>) target_semaphore(%arg10 : memref<!tpu.dma_semaphore, #tpu.memory_space<semaphore_mem>>)
      %dma_wait3A = tpu.memref_slice %arg3[%add3A_24] : memref<320000xi32, #tpu.memory_space<hbm>> -> memref<400xi32, #tpu.memory_space<hbm>>
      %dma_wait3A_30 = tpu.memref_slice %arg3[%add3A_24] : memref<320000xi32, #tpu.memory_space<hbm>> -> memref<400xi32, #tpu.memory_space<hbm>>
      tpu.wait_dma2 semaphore(%arg9 : memref<!tpu.dma_semaphore, #tpu.memory_space<semaphore_mem>>) src(%dma_wait3A_30 : memref<400xi32, #tpu.memory_space<hbm>>) dst(%arg6 : memref<400xi32, #tpu.memory_space<vmem>>)
      %scan3A_31 = arith.constant 0 : i32
      %scan3A_32 = arith.constant 0 : i32
      %scan3A_33 = arith.constant 25 : i32
      %scan3A_34 = arith.addi %scan3A_32, %scan3A_33 : i32
      %scan3A_35 = arith.constant 1 : i32
      scf.for %scan3A_41 = %scan3A_32 to %scan3A_34 step %scan3A_35  : i32 {
        %mul3A_42 = arith.constant 16 : i32
        %mul3A_43 = arith.muli %scan3A_41, %mul3A_42 : i32
        %get3A = arith.index_cast %mul3A_43 : i32 to index
        %get3A_44 = tpu.vector_load %arg6[%get3A] {strides = array<i32>} : memref<400xi32, #tpu.memory_space<vmem>>, vector<16xi32>,
        %get3A_45 = vector.shape_cast %get3A_44 : vector<16xi32> to vector<16xi32>
        %sub3A = vector.broadcast %mul3A_1 : i32 to vector<16xi32>
        %sub3A_46 = arith.subi %get3A_45, %sub3A : vector<16xi32>
        %ge3A = arith.constant 0 : i32
        %ge3A_47 = vector.broadcast %ge3A : i32 to vector<16xi32>
        %ge3A_48 = arith.cmpi sge, %sub3A_46, %ge3A_47 : vector<16xi32>
        %lt3A = arith.constant 2560 : i32
        %lt3A_49 = vector.broadcast %lt3A : i32 to vector<16xi32>
        %lt3A_50 = arith.cmpi slt, %sub3A_46, %lt3A_49 : vector<16xi32>
        %and3A = arith.andi %ge3A_48, %lt3A_50 : vector<16xi1>
        %jit3A = arith.constant 2560 : i32
        %broadcast_in_dim3A = vector.broadcast %jit3A : i32 to vector<16xi32>
        %select_n3A = arith.select %and3A, %sub3A_46, %broadcast_in_dim3A : vector<16xi1>, vector<16xi32>
        %swap3A = arith.index_cast %mul3A_43 : i32 to index
        %swap3A_51 = tpu.vector_load %arg6[%swap3A] {strides = array<i32>} : memref<400xi32, #tpu.memory_space<vmem>>, vector<16xi32>,
        %swap3A_52 = vector.shape_cast %swap3A_51 : vector<16xi32> to vector<16xi32>
        %swap3A_53 = vector.shape_cast %select_n3A : vector<16xi32> to vector<16xi32>
        tpu.vector_store %arg6[%swap3A], %swap3A_53 {strides = array<i32>} : memref<400xi32, #tpu.memory_space<vmem>>, vector<16xi32>,
      }
      %scan3A_36 = arith.constant 25 : i32
      %dma_wait3A_37 = arith.constant 0 : i32
      %dma_wait3A_38 = tpu.memref_slice %arg2[%add3A_24, %dma_wait3A_37] : memref<320000x128xf32, #tpu.memory_space<hbm>> -> memref<400x128xf32, #tpu.memory_space<hbm>>
      %dma_wait3A_39 = arith.constant 0 : i32
      %dma_wait3A_40 = tpu.memref_slice %arg2[%add3A_24, %dma_wait3A_39] : memref<320000x128xf32, #tpu.memory_space<hbm>> -> memref<400x128xf32, #tpu.memory_space<hbm>>
      tpu.wait_dma2 semaphore(%arg10 : memref<!tpu.dma_semaphore, #tpu.memory_space<semaphore_mem>>) src(%dma_wait3A_40 : memref<400x128xf32, #tpu.memory_space<hbm>>) dst(%arg7 : memref<400x128xf32, #tpu.memory_space<vmem>>)
      "tpu.region"() ({
        %run_scoped3A = tpu.sem_alloc : memref<!tpu.dma_semaphore, #tpu.memory_space<semaphore_mem>>
        %dma_start3A_41 = arith.constant 0 : i32
        %dma_start3A_42 = arith.constant 0 : i32
        %dma_start3A_43 = tpu.memref_slice %arg8[%dma_start3A_41, %dma_start3A_42] : memref<2688x128xf32, #tpu.memory_space<vmem_shared>> -> memref<2688x128xf32, #tpu.memory_space<vmem_shared>>
        tpu.enqueue_indirect_dma source(%arg7 : memref<400x128xf32, #tpu.memory_space<vmem>>) target(%dma_start3A_43 : memref<2688x128xf32, #tpu.memory_space<vmem_shared>>) offsets(%arg6 : memref<400xi32, #tpu.memory_space<vmem>>) semaphore(%run_scoped3A : memref<!tpu.dma_semaphore, #tpu.memory_space<semaphore_mem>>) {add = true}
        %dma_wait3A_44 = arith.constant 0 : i32
        %dma_wait3A_45 = arith.constant 0 : i32
        %dma_wait3A_46 = tpu.memref_slice %arg8[%dma_wait3A_44, %dma_wait3A_45] : memref<2688x128xf32, #tpu.memory_space<vmem_shared>> -> memref<2688x128xf32, #tpu.memory_space<vmem_shared>>
        tpu.wait_indirect_dma semaphore(%run_scoped3A : memref<!tpu.dma_semaphore, #tpu.memory_space<semaphore_mem>>) src(%arg7 : memref<400x128xf32, #tpu.memory_space<vmem>>) dst(%dma_wait3A_46 : memref<2688x128xf32, #tpu.memory_space<vmem_shared>>)
        tpu.yield
      }) : () -> ()
    }
    %scan3A_10 = arith.constant 50 : i32
    %barrier3A_11 = arith.constant 0 : index
    tpu.barrier barrier_id(%barrier3A_11)
    %mul3A_12 = arith.constant 160 : i32
    %mul3A_13 = arith.muli %arg1, %mul3A_12 : i32
    %mul3A_14 = arith.constant 2560 : i32
    %mul3A_15 = arith.muli %arg0, %mul3A_14 : i32
    %mul3A_16 = arith.constant 160 : i32
    %mul3A_17 = arith.muli %arg1, %mul3A_16 : i32
    %add3A_18 = arith.addi %mul3A_15, %mul3A_17 : i32
    "tpu.region"() ({
      %run_scoped3A = tpu.sem_alloc : memref<!tpu.dma_semaphore, #tpu.memory_space<semaphore_mem>>
      %dma_start3A = arith.constant 0 : i32
      %dma_start3A_19 = tpu.memref_slice %arg5[%add3A_18, %dma_start3A] : memref<5120x128xf32, #tpu.memory_space<hbm>> -> memref<160x128xf32, #tpu.memory_space<hbm>>
      %dma_start3A_20 = arith.constant 0 : i32
      %dma_start3A_21 = tpu.memref_slice %arg8[%mul3A_13, %dma_start3A_20] : memref<2688x128xf32, #tpu.memory_space<vmem_shared>> -> memref<160x128xf32, #tpu.memory_space<vmem_shared>>
      tpu.enqueue_dma source(%dma_start3A_21 : memref<160x128xf32, #tpu.memory_space<vmem_shared>>) target(%dma_start3A_19 : memref<160x128xf32, #tpu.memory_space<hbm>>) target_semaphore(%run_scoped3A : memref<!tpu.dma_semaphore, #tpu.memory_space<semaphore_mem>>)
      %dma_wait3A = arith.constant 0 : i32
      %dma_wait3A_22 = tpu.memref_slice %arg5[%add3A_18, %dma_wait3A] : memref<5120x128xf32, #tpu.memory_space<hbm>> -> memref<160x128xf32, #tpu.memory_space<hbm>>
      %dma_wait3A_23 = arith.constant 0 : i32
      %dma_wait3A_24 = tpu.memref_slice %arg8[%mul3A_13, %dma_wait3A_23] : memref<2688x128xf32, #tpu.memory_space<vmem_shared>> -> memref<160x128xf32, #tpu.memory_space<vmem_shared>>
      tpu.wait_dma2 semaphore(%run_scoped3A : memref<!tpu.dma_semaphore, #tpu.memory_space<semaphore_mem>>) src(%dma_wait3A_24 : memref<160x128xf32, #tpu.memory_space<vmem_shared>>) dst(%dma_wait3A_22 : memref<160x128xf32, #tpu.memory_space<hbm>>)
      tpu.yield
    }) : () -> ()
    return
  }
}

#map = affine_map<(d0, d1) -> (0)>
#map1 = affine_map<(d0, d1) -> (0, 0)>
module attributes {stable_mosaic.version = 14 : i64} {
  func.func @sc_deg_q0(%arg0: i32, %arg1: i32, %arg2: memref<320000xi32, #tpu.memory_space<hbm>>, %arg3: memref<2688x128xf32, #tpu.memory_space<hbm>>, %arg4: memref<400x128xf32, #tpu.memory_space<hbm>>, %arg5: memref<5120x128xf32, #tpu.memory_space<hbm>>, %arg6: memref<400xi32, #tpu.memory_space<vmem>>, %arg7: memref<400x128xf32, #tpu.memory_space<vmem>>, %arg8: memref<2688x128xf32, #tpu.memory_space<vmem_shared>>) attributes {dimension_semantics = [#tpu.dimension_semantics<core_parallel>, #tpu.dimension_semantics<subcore_parallel>], iteration_bounds = array<i64: 2, 16>, scalar_prefetch = 0 : i64, scratch_operands = 3 : i64, tpu.core_type = #tpu.core_type<sc_vector_subcore>, window_params = [{transform_indices = #map}, {transform_indices = #map1}, {transform_indices = #map1}, {transform_indices = #map1}]} {
    %add3A = arith.constant 0 : i32
    %add3A_0 = arith.addi %add3A, %arg0 : i32
    %mul3A = arith.constant 2560 : i32
    %mul3A_1 = arith.muli %add3A_0, %mul3A : i32
    %mul3A_2 = arith.constant 168 : i32
    %mul3A_3 = arith.muli %arg1, %mul3A_2 : i32
    %mul3A_4 = arith.constant 168 : i32
    %mul3A_5 = arith.muli %arg1, %mul3A_4 : i32
    "tpu.region"() ({
      %run_scoped3A = tpu.sem_alloc : memref<!tpu.dma_semaphore, #tpu.memory_space<semaphore_mem>>
      %dma_start3A = arith.constant 0 : i32
      %dma_start3A_19 = tpu.memref_slice %arg8[%mul3A_5, %dma_start3A] : memref<2688x128xf32, #tpu.memory_space<vmem_shared>> -> memref<168x128xf32, #tpu.memory_space<vmem_shared>>
      %dma_start3A_20 = arith.constant 0 : i32
      %dma_start3A_21 = tpu.memref_slice %arg3[%mul3A_3, %dma_start3A_20] : memref<2688x128xf32, #tpu.memory_space<hbm>> -> memref<168x128xf32, #tpu.memory_space<hbm>>
      tpu.enqueue_dma source(%dma_start3A_21 : memref<168x128xf32, #tpu.memory_space<hbm>>) target(%dma_start3A_19 : memref<168x128xf32, #tpu.memory_space<vmem_shared>>) target_semaphore(%run_scoped3A : memref<!tpu.dma_semaphore, #tpu.memory_space<semaphore_mem>>)
      %dma_wait3A = arith.constant 0 : i32
      %dma_wait3A_22 = tpu.memref_slice %arg8[%mul3A_5, %dma_wait3A] : memref<2688x128xf32, #tpu.memory_space<vmem_shared>> -> memref<168x128xf32, #tpu.memory_space<vmem_shared>>
      %dma_wait3A_23 = arith.constant 0 : i32
      %dma_wait3A_24 = tpu.memref_slice %arg3[%mul3A_3, %dma_wait3A_23] : memref<2688x128xf32, #tpu.memory_space<hbm>> -> memref<168x128xf32, #tpu.memory_space<hbm>>
      tpu.wait_dma2 semaphore(%run_scoped3A : memref<!tpu.dma_semaphore, #tpu.memory_space<semaphore_mem>>) src(%dma_wait3A_24 : memref<168x128xf32, #tpu.memory_space<hbm>>) dst(%dma_wait3A_22 : memref<168x128xf32, #tpu.memory_space<vmem_shared>>)
      tpu.yield
    }) : () -> ()
    "tpu.region"() ({
      %run_scoped3A = tpu.sem_alloc : memref<!tpu.dma_semaphore, #tpu.memory_space<semaphore_mem>>
      tpu.enqueue_dma source(%arg4 : memref<400x128xf32, #tpu.memory_space<hbm>>) target(%arg7 : memref<400x128xf32, #tpu.memory_space<vmem>>) target_semaphore(%run_scoped3A : memref<!tpu.dma_semaphore, #tpu.memory_space<semaphore_mem>>)
      tpu.wait_dma2 semaphore(%run_scoped3A : memref<!tpu.dma_semaphore, #tpu.memory_space<semaphore_mem>>) src(%arg4 : memref<400x128xf32, #tpu.memory_space<hbm>>) dst(%arg7 : memref<400x128xf32, #tpu.memory_space<vmem>>)
      tpu.yield
    }) : () -> ()
    %barrier3A = arith.constant 0 : index
    tpu.barrier barrier_id(%barrier3A)
    %scan3A = arith.constant 0 : i32
    %scan3A_6 = arith.constant 0 : i32
    %scan3A_7 = arith.constant 50 : i32
    %scan3A_8 = arith.addi %scan3A_6, %scan3A_7 : i32
    %scan3A_9 = arith.constant 1 : i32
    scf.for %scan3A_19 = %scan3A_6 to %scan3A_8 step %scan3A_9  : i32 {
      %mul3A_20 = arith.constant 20000 : i32
      %mul3A_21 = arith.muli %arg1, %mul3A_20 : i32
      %mul3A_22 = arith.constant 400 : i32
      %mul3A_23 = arith.muli %scan3A_19, %mul3A_22 : i32
      %add3A_24 = arith.addi %mul3A_21, %mul3A_23 : i32
      "tpu.region"() ({
        %run_scoped3A = tpu.sem_alloc : memref<!tpu.dma_semaphore, #tpu.memory_space<semaphore_mem>>
        %dma_start3A = tpu.memref_slice %arg2[%add3A_24] : memref<320000xi32, #tpu.memory_space<hbm>> -> memref<400xi32, #tpu.memory_space<hbm>>
        %dma_start3A_31 = tpu.memref_slice %arg2[%add3A_24] : memref<320000xi32, #tpu.memory_space<hbm>> -> memref<400xi32, #tpu.memory_space<hbm>>
        tpu.enqueue_dma source(%dma_start3A_31 : memref<400xi32, #tpu.memory_space<hbm>>) target(%arg6 : memref<400xi32, #tpu.memory_space<vmem>>) target_semaphore(%run_scoped3A : memref<!tpu.dma_semaphore, #tpu.memory_space<semaphore_mem>>)
        %dma_wait3A = tpu.memref_slice %arg2[%add3A_24] : memref<320000xi32, #tpu.memory_space<hbm>> -> memref<400xi32, #tpu.memory_space<hbm>>
        %dma_wait3A_32 = tpu.memref_slice %arg2[%add3A_24] : memref<320000xi32, #tpu.memory_space<hbm>> -> memref<400xi32, #tpu.memory_space<hbm>>
        tpu.wait_dma2 semaphore(%run_scoped3A : memref<!tpu.dma_semaphore, #tpu.memory_space<semaphore_mem>>) src(%dma_wait3A_32 : memref<400xi32, #tpu.memory_space<hbm>>) dst(%arg6 : memref<400xi32, #tpu.memory_space<vmem>>)
        tpu.yield
      }) : () -> ()
      %scan3A_25 = arith.constant 0 : i32
      %scan3A_26 = arith.constant 0 : i32
      %scan3A_27 = arith.constant 25 : i32
      %scan3A_28 = arith.addi %scan3A_26, %scan3A_27 : i32
      %scan3A_29 = arith.constant 1 : i32
      scf.for %scan3A_31 = %scan3A_26 to %scan3A_28 step %scan3A_29  : i32 {
        %mul3A_32 = arith.constant 16 : i32
        %mul3A_33 = arith.muli %scan3A_31, %mul3A_32 : i32
        %get3A = arith.index_cast %mul3A_33 : i32 to index
        %get3A_34 = tpu.vector_load %arg6[%get3A] {strides = array<i32>} : memref<400xi32, #tpu.memory_space<vmem>>, vector<16xi32>,
        %get3A_35 = vector.shape_cast %get3A_34 : vector<16xi32> to vector<16xi32>
        %sub3A = vector.broadcast %mul3A_1 : i32 to vector<16xi32>
        %sub3A_36 = arith.subi %get3A_35, %sub3A : vector<16xi32>
        %ge3A = arith.constant 0 : i32
        %ge3A_37 = vector.broadcast %ge3A : i32 to vector<16xi32>
        %ge3A_38 = arith.cmpi sge, %sub3A_36, %ge3A_37 : vector<16xi32>
        %lt3A = arith.constant 2560 : i32
        %lt3A_39 = vector.broadcast %lt3A : i32 to vector<16xi32>
        %lt3A_40 = arith.cmpi slt, %sub3A_36, %lt3A_39 : vector<16xi32>
        %and3A = arith.andi %ge3A_38, %lt3A_40 : vector<16xi1>
        %jit3A = arith.constant 2560 : i32
        %broadcast_in_dim3A = vector.broadcast %jit3A : i32 to vector<16xi32>
        %select_n3A = arith.select %and3A, %sub3A_36, %broadcast_in_dim3A : vector<16xi1>, vector<16xi32>
        %swap3A = arith.index_cast %mul3A_33 : i32 to index
        %swap3A_41 = tpu.vector_load %arg6[%swap3A] {strides = array<i32>} : memref<400xi32, #tpu.memory_space<vmem>>, vector<16xi32>,
        %swap3A_42 = vector.shape_cast %swap3A_41 : vector<16xi32> to vector<16xi32>
        %swap3A_43 = vector.shape_cast %select_n3A : vector<16xi32> to vector<16xi32>
        tpu.vector_store %arg6[%swap3A], %swap3A_43 {strides = array<i32>} : memref<400xi32, #tpu.memory_space<vmem>>, vector<16xi32>,
      }
      %scan3A_30 = arith.constant 25 : i32
      "tpu.region"() ({
        %run_scoped3A = tpu.sem_alloc : memref<!tpu.dma_semaphore, #tpu.memory_space<semaphore_mem>>
        %dma_start3A = arith.constant 0 : i32
        %dma_start3A_31 = arith.constant 0 : i32
        %dma_start3A_32 = tpu.memref_slice %arg8[%dma_start3A, %dma_start3A_31] : memref<2688x128xf32, #tpu.memory_space<vmem_shared>> -> memref<2688x128xf32, #tpu.memory_space<vmem_shared>>
        tpu.enqueue_indirect_dma source(%arg7 : memref<400x128xf32, #tpu.memory_space<vmem>>) target(%dma_start3A_32 : memref<2688x128xf32, #tpu.memory_space<vmem_shared>>) offsets(%arg6 : memref<400xi32, #tpu.memory_space<vmem>>) semaphore(%run_scoped3A : memref<!tpu.dma_semaphore, #tpu.memory_space<semaphore_mem>>) {add = true}
        %dma_wait3A = arith.constant 0 : i32
        %dma_wait3A_33 = arith.constant 0 : i32
        %dma_wait3A_34 = tpu.memref_slice %arg8[%dma_wait3A, %dma_wait3A_33] : memref<2688x128xf32, #tpu.memory_space<vmem_shared>> -> memref<2688x128xf32, #tpu.memory_space<vmem_shared>>
        tpu.wait_indirect_dma semaphore(%run_scoped3A : memref<!tpu.dma_semaphore, #tpu.memory_space<semaphore_mem>>) src(%arg7 : memref<400x128xf32, #tpu.memory_space<vmem>>) dst(%dma_wait3A_34 : memref<2688x128xf32, #tpu.memory_space<vmem_shared>>)
        tpu.yield
      }) : () -> ()
    }
    %scan3A_10 = arith.constant 50 : i32
    %barrier3A_11 = arith.constant 0 : index
    tpu.barrier barrier_id(%barrier3A_11)
    %mul3A_12 = arith.constant 160 : i32
    %mul3A_13 = arith.muli %arg1, %mul3A_12 : i32
    %mul3A_14 = arith.constant 2560 : i32
    %mul3A_15 = arith.muli %arg0, %mul3A_14 : i32
    %mul3A_16 = arith.constant 160 : i32
    %mul3A_17 = arith.muli %arg1, %mul3A_16 : i32
    %add3A_18 = arith.addi %mul3A_15, %mul3A_17 : i32
    "tpu.region"() ({
      %run_scoped3A = tpu.sem_alloc : memref<!tpu.dma_semaphore, #tpu.memory_space<semaphore_mem>>
      %dma_start3A = arith.constant 0 : i32
      %dma_start3A_19 = tpu.memref_slice %arg5[%add3A_18, %dma_start3A] : memref<5120x128xf32, #tpu.memory_space<hbm>> -> memref<160x128xf32, #tpu.memory_space<hbm>>
      %dma_start3A_20 = arith.constant 0 : i32
      %dma_start3A_21 = tpu.memref_slice %arg8[%mul3A_13, %dma_start3A_20] : memref<2688x128xf32, #tpu.memory_space<vmem_shared>> -> memref<160x128xf32, #tpu.memory_space<vmem_shared>>
      tpu.enqueue_dma source(%dma_start3A_21 : memref<160x128xf32, #tpu.memory_space<vmem_shared>>) target(%dma_start3A_19 : memref<160x128xf32, #tpu.memory_space<hbm>>) target_semaphore(%run_scoped3A : memref<!tpu.dma_semaphore, #tpu.memory_space<semaphore_mem>>)
      %dma_wait3A = arith.constant 0 : i32
      %dma_wait3A_22 = tpu.memref_slice %arg5[%add3A_18, %dma_wait3A] : memref<5120x128xf32, #tpu.memory_space<hbm>> -> memref<160x128xf32, #tpu.memory_space<hbm>>
      %dma_wait3A_23 = arith.constant 0 : i32
      %dma_wait3A_24 = tpu.memref_slice %arg8[%mul3A_13, %dma_wait3A_23] : memref<2688x128xf32, #tpu.memory_space<vmem_shared>> -> memref<160x128xf32, #tpu.memory_space<vmem_shared>>
      tpu.wait_dma2 semaphore(%run_scoped3A : memref<!tpu.dma_semaphore, #tpu.memory_space<semaphore_mem>>) src(%dma_wait3A_24 : memref<160x128xf32, #tpu.memory_space<vmem_shared>>) dst(%dma_wait3A_22 : memref<160x128xf32, #tpu.memory_space<hbm>>)
      tpu.yield
    }) : () -> ()
    return
  }
}

#map = affine_map<(d0, d1) -> (0, 0)>
#map1 = affine_map<(d0, d1) -> (0)>
module attributes {stable_mosaic.version = 14 : i64} {
  func.func @_sc_edge_gather(%arg0: i32, %arg1: i32, %arg2: memref<10000x128xf32, #tpu.memory_space<hbm>>, %arg3: memref<10000x128xf32, #tpu.memory_space<hbm>>, %arg4: memref<10000x128xf32, #tpu.memory_space<hbm>>, %arg5: memref<320000xi32, #tpu.memory_space<hbm>>, %arg6: memref<320000xi32, #tpu.memory_space<hbm>>, %arg7: memref<320000x128xf32, #tpu.memory_space<hbm>>, %arg8: memref<320000x128xf32, #tpu.memory_space<hbm>>, %arg9: memref<200xi32, #tpu.memory_space<vmem>>, %arg10: memref<200xi32, #tpu.memory_space<vmem>>, %arg11: memref<200x128xf32, #tpu.memory_space<vmem>>, %arg12: memref<200x128xf32, #tpu.memory_space<vmem>>, %arg13: memref<200x128xf32, #tpu.memory_space<vmem>>, %arg14: memref<!tpu.dma_semaphore, #tpu.memory_space<semaphore_mem>>, %arg15: memref<!tpu.dma_semaphore, #tpu.memory_space<semaphore_mem>>, %arg16: memref<!tpu.dma_semaphore, #tpu.memory_space<semaphore_mem>>) attributes {dimension_semantics = [#tpu.dimension_semantics<core_parallel>, #tpu.dimension_semantics<subcore_parallel>], iteration_bounds = array<i64: 2, 16>, scalar_prefetch = 0 : i64, scratch_operands = 8 : i64, tpu.core_type = #tpu.core_type<sc_vector_subcore>, window_params = [{transform_indices = #map}, {transform_indices = #map}, {transform_indices = #map}, {transform_indices = #map1}, {transform_indices = #map1}, {transform_indices = #map}, {transform_indices = #map}]} {
    %mul3A = arith.constant 2 : i32
    %mul3A_0 = arith.muli %arg1, %mul3A : i32
    %add3A = arith.addi %mul3A_0, %arg0 : i32
    %scan3A = arith.constant 0 : i32
    %scan3A_1 = arith.constant 0 : i32
    %scan3A_2 = arith.constant 50 : i32
    %scan3A_3 = arith.addi %scan3A_1, %scan3A_2 : i32
    %scan3A_4 = arith.constant 1 : i32
    scf.for %scan3A_6 = %scan3A_1 to %scan3A_3 step %scan3A_4  : i32 {
      %mul3A_7 = arith.constant 10000 : i32
      %mul3A_8 = arith.muli %add3A, %mul3A_7 : i32
      %mul3A_9 = arith.constant 200 : i32
      %mul3A_10 = arith.muli %scan3A_6, %mul3A_9 : i32
      %add3A_11 = arith.addi %mul3A_8, %mul3A_10 : i32
      %dma_start3A = tpu.memref_slice %arg6[%add3A_11] : memref<320000xi32, #tpu.memory_space<hbm>> -> memref<200xi32, #tpu.memory_space<hbm>>
      %dma_start3A_12 = tpu.memref_slice %arg6[%add3A_11] : memref<320000xi32, #tpu.memory_space<hbm>> -> memref<200xi32, #tpu.memory_space<hbm>>
      tpu.enqueue_dma source(%dma_start3A_12 : memref<200xi32, #tpu.memory_space<hbm>>) target(%arg9 : memref<200xi32, #tpu.memory_space<vmem>>) target_semaphore(%arg14 : memref<!tpu.dma_semaphore, #tpu.memory_space<semaphore_mem>>)
      %dma_start3A_13 = tpu.memref_slice %arg5[%add3A_11] : memref<320000xi32, #tpu.memory_space<hbm>> -> memref<200xi32, #tpu.memory_space<hbm>>
      %dma_start3A_14 = tpu.memref_slice %arg5[%add3A_11] : memref<320000xi32, #tpu.memory_space<hbm>> -> memref<200xi32, #tpu.memory_space<hbm>>
      tpu.enqueue_dma source(%dma_start3A_14 : memref<200xi32, #tpu.memory_space<hbm>>) target(%arg10 : memref<200xi32, #tpu.memory_space<vmem>>) target_semaphore(%arg15 : memref<!tpu.dma_semaphore, #tpu.memory_space<semaphore_mem>>)
      %dma_wait3A = tpu.memref_slice %arg6[%add3A_11] : memref<320000xi32, #tpu.memory_space<hbm>> -> memref<200xi32, #tpu.memory_space<hbm>>
      %dma_wait3A_15 = tpu.memref_slice %arg6[%add3A_11] : memref<320000xi32, #tpu.memory_space<hbm>> -> memref<200xi32, #tpu.memory_space<hbm>>
      tpu.wait_dma2 semaphore(%arg14 : memref<!tpu.dma_semaphore, #tpu.memory_space<semaphore_mem>>) src(%dma_wait3A_15 : memref<200xi32, #tpu.memory_space<hbm>>) dst(%arg9 : memref<200xi32, #tpu.memory_space<vmem>>)
      %dma_wait3A_16 = tpu.memref_slice %arg5[%add3A_11] : memref<320000xi32, #tpu.memory_space<hbm>> -> memref<200xi32, #tpu.memory_space<hbm>>
      %dma_wait3A_17 = tpu.memref_slice %arg5[%add3A_11] : memref<320000xi32, #tpu.memory_space<hbm>> -> memref<200xi32, #tpu.memory_space<hbm>>
      tpu.wait_dma2 semaphore(%arg15 : memref<!tpu.dma_semaphore, #tpu.memory_space<semaphore_mem>>) src(%dma_wait3A_17 : memref<200xi32, #tpu.memory_space<hbm>>) dst(%arg10 : memref<200xi32, #tpu.memory_space<vmem>>)
      %dma_start3A_18 = arith.constant 0 : i32
      %dma_start3A_19 = arith.constant 0 : i32
      %dma_start3A_20 = tpu.memref_slice %arg2[%dma_start3A_18, %dma_start3A_19] : memref<10000x128xf32, #tpu.memory_space<hbm>> -> memref<10000x128xf32, #tpu.memory_space<hbm>>
      tpu.enqueue_indirect_dma source(%dma_start3A_20 : memref<10000x128xf32, #tpu.memory_space<hbm>>) target(%arg11 : memref<200x128xf32, #tpu.memory_space<vmem>>) offsets(%arg9 : memref<200xi32, #tpu.memory_space<vmem>>) semaphore(%arg14 : memref<!tpu.dma_semaphore, #tpu.memory_space<semaphore_mem>>)
      %dma_start3A_21 = arith.constant 0 : i32
      %dma_start3A_22 = arith.constant 0 : i32
      %dma_start3A_23 = tpu.memref_slice %arg3[%dma_start3A_21, %dma_start3A_22] : memref<10000x128xf32, #tpu.memory_space<hbm>> -> memref<10000x128xf32, #tpu.memory_space<hbm>>
      tpu.enqueue_indirect_dma source(%dma_start3A_23 : memref<10000x128xf32, #tpu.memory_space<hbm>>) target(%arg12 : memref<200x128xf32, #tpu.memory_space<vmem>>) offsets(%arg10 : memref<200xi32, #tpu.memory_space<vmem>>) semaphore(%arg15 : memref<!tpu.dma_semaphore, #tpu.memory_space<semaphore_mem>>)
      %dma_start3A_24 = arith.constant 0 : i32
      %dma_start3A_25 = arith.constant 0 : i32
      %dma_start3A_26 = tpu.memref_slice %arg4[%dma_start3A_24, %dma_start3A_25] : memref<10000x128xf32, #tpu.memory_space<hbm>> -> memref<10000x128xf32, #tpu.memory_space<hbm>>
      tpu.enqueue_indirect_dma source(%dma_start3A_26 : memref<10000x128xf32, #tpu.memory_space<hbm>>) target(%arg13 : memref<200x128xf32, #tpu.memory_space<vmem>>) offsets(%arg9 : memref<200xi32, #tpu.memory_space<vmem>>) semaphore(%arg16 : memref<!tpu.dma_semaphore, #tpu.memory_space<semaphore_mem>>)
      %dma_wait3A_27 = arith.constant 0 : i32
      %dma_wait3A_28 = arith.constant 0 : i32
      %dma_wait3A_29 = tpu.memref_slice %arg2[%dma_wait3A_27, %dma_wait3A_28] : memref<10000x128xf32, #tpu.memory_space<hbm>> -> memref<10000x128xf32, #tpu.memory_space<hbm>>
      tpu.wait_indirect_dma semaphore(%arg14 : memref<!tpu.dma_semaphore, #tpu.memory_space<semaphore_mem>>) src(%dma_wait3A_29 : memref<10000x128xf32, #tpu.memory_space<hbm>>) dst(%arg11 : memref<200x128xf32, #tpu.memory_space<vmem>>)
      %dma_wait3A_30 = arith.constant 0 : i32
      %dma_wait3A_31 = arith.constant 0 : i32
      %dma_wait3A_32 = tpu.memref_slice %arg3[%dma_wait3A_30, %dma_wait3A_31] : memref<10000x128xf32, #tpu.memory_space<hbm>> -> memref<10000x128xf32, #tpu.memory_space<hbm>>
      tpu.wait_indirect_dma semaphore(%arg15 : memref<!tpu.dma_semaphore, #tpu.memory_space<semaphore_mem>>) src(%dma_wait3A_32 : memref<10000x128xf32, #tpu.memory_space<hbm>>) dst(%arg12 : memref<200x128xf32, #tpu.memory_space<vmem>>)
      %dma_wait3A_33 = arith.constant 0 : i32
      %dma_wait3A_34 = arith.constant 0 : i32
      %dma_wait3A_35 = tpu.memref_slice %arg4[%dma_wait3A_33, %dma_wait3A_34] : memref<10000x128xf32, #tpu.memory_space<hbm>> -> memref<10000x128xf32, #tpu.memory_space<hbm>>
      tpu.wait_indirect_dma semaphore(%arg16 : memref<!tpu.dma_semaphore, #tpu.memory_space<semaphore_mem>>) src(%dma_wait3A_35 : memref<10000x128xf32, #tpu.memory_space<hbm>>) dst(%arg13 : memref<200x128xf32, #tpu.memory_space<vmem>>)
      %scan3A_36 = arith.constant 0 : i32
      %scan3A_37 = arith.constant 0 : i32
      %scan3A_38 = arith.constant 200 : i32
      %scan3A_39 = arith.addi %scan3A_37, %scan3A_38 : i32
      %scan3A_40 = arith.constant 1 : i32
      scf.for %scan3A_58 = %scan3A_37 to %scan3A_39 step %scan3A_40  : i32 {
        %get3A = arith.index_cast %scan3A_58 : i32 to index
        %get3A_59 = arith.constant 0 : index
        %get3A_60 = tpu.vector_load %arg11[%get3A, %get3A_59] {strides = array<i32>} : memref<200x128xf32, #tpu.memory_space<vmem>>, vector<1x16xf32>,
        %get3A_61 = vector.shape_cast %get3A_60 : vector<1x16xf32> to vector<16xf32>
        %get3A_62 = arith.index_cast %scan3A_58 : i32 to index
        %get3A_63 = arith.constant 0 : index
        %get3A_64 = tpu.vector_load %arg12[%get3A_62, %get3A_63] {strides = array<i32>} : memref<200x128xf32, #tpu.memory_space<vmem>>, vector<1x16xf32>,
        %get3A_65 = vector.shape_cast %get3A_64 : vector<1x16xf32> to vector<16xf32>
        %sub3A = arith.subf %get3A_61, %get3A_65 : vector<16xf32>
        %swap3A = arith.index_cast %scan3A_58 : i32 to index
        %swap3A_66 = arith.constant 0 : index
        %swap3A_67 = tpu.vector_load %arg11[%swap3A, %swap3A_66] {strides = array<i32>} : memref<200x128xf32, #tpu.memory_space<vmem>>, vector<1x16xf32>,
        %swap3A_68 = vector.shape_cast %swap3A_67 : vector<1x16xf32> to vector<16xf32>
        %swap3A_69 = vector.shape_cast %sub3A : vector<16xf32> to vector<1x16xf32>
        tpu.vector_store %arg11[%swap3A, %swap3A_66], %swap3A_69 {strides = array<i32>} : memref<200x128xf32, #tpu.memory_space<vmem>>, vector<1x16xf32>,
        %get3A_70 = arith.index_cast %scan3A_58 : i32 to index
        %get3A_71 = arith.constant 16 : index
        %get3A_72 = tpu.vector_load %arg11[%get3A_70, %get3A_71] {strides = array<i32>} : memref<200x128xf32, #tpu.memory_space<vmem>>, vector<1x16xf32>,
        %get3A_73 = vector.shape_cast %get3A_72 : vector<1x16xf32> to vector<16xf32>
        %get3A_74 = arith.index_cast %scan3A_58 : i32 to index
        %get3A_75 = arith.constant 16 : index
        %get3A_76 = tpu.vector_load %arg12[%get3A_74, %get3A_75] {strides = array<i32>} : memref<200x128xf32, #tpu.memory_space<vmem>>, vector<1x16xf32>,
        %get3A_77 = vector.shape_cast %get3A_76 : vector<1x16xf32> to vector<16xf32>
        %sub3A_78 = arith.subf %get3A_73, %get3A_77 : vector<16xf32>
        %swap3A_79 = arith.index_cast %scan3A_58 : i32 to index
        %swap3A_80 = arith.constant 16 : index
        %swap3A_81 = tpu.vector_load %arg11[%swap3A_79, %swap3A_80] {strides = array<i32>} : memref<200x128xf32, #tpu.memory_space<vmem>>, vector<1x16xf32>,
        %swap3A_82 = vector.shape_cast %swap3A_81 : vector<1x16xf32> to vector<16xf32>
        %swap3A_83 = vector.shape_cast %sub3A_78 : vector<16xf32> to vector<1x16xf32>
        tpu.vector_store %arg11[%swap3A_79, %swap3A_80], %swap3A_83 {strides = array<i32>} : memref<200x128xf32, #tpu.memory_space<vmem>>, vector<1x16xf32>,
        %get3A_84 = arith.index_cast %scan3A_58 : i32 to index
        %get3A_85 = arith.constant 32 : index
        %get3A_86 = tpu.vector_load %arg11[%get3A_84, %get3A_85] {strides = array<i32>} : memref<200x128xf32, #tpu.memory_space<vmem>>, vector<1x16xf32>,
        %get3A_87 = vector.shape_cast %get3A_86 : vector<1x16xf32> to vector<16xf32>
        %get3A_88 = arith.index_cast %scan3A_58 : i32 to index
        %get3A_89 = arith.constant 32 : index
        %get3A_90 = tpu.vector_load %arg12[%get3A_88, %get3A_89] {strides = array<i32>} : memref<200x128xf32, #tpu.memory_space<vmem>>, vector<1x16xf32>,
        %get3A_91 = vector.shape_cast %get3A_90 : vector<1x16xf32> to vector<16xf32>
        %sub3A_92 = arith.subf %get3A_87, %get3A_91 : vector<16xf32>
        %swap3A_93 = arith.index_cast %scan3A_58 : i32 to index
        %swap3A_94 = arith.constant 32 : index
        %swap3A_95 = tpu.vector_load %arg11[%swap3A_93, %swap3A_94] {strides = array<i32>} : memref<200x128xf32, #tpu.memory_space<vmem>>, vector<1x16xf32>,
        %swap3A_96 = vector.shape_cast %swap3A_95 : vector<1x16xf32> to vector<16xf32>
        %swap3A_97 = vector.shape_cast %sub3A_92 : vector<16xf32> to vector<1x16xf32>
        tpu.vector_store %arg11[%swap3A_93, %swap3A_94], %swap3A_97 {strides = array<i32>} : memref<200x128xf32, #tpu.memory_space<vmem>>, vector<1x16xf32>,
        %get3A_98 = arith.index_cast %scan3A_58 : i32 to index
        %get3A_99 = arith.constant 48 : index
        %get3A_100 = tpu.vector_load %arg11[%get3A_98, %get3A_99] {strides = array<i32>} : memref<200x128xf32, #tpu.memory_space<vmem>>, vector<1x16xf32>,
        %get3A_101 = vector.shape_cast %get3A_100 : vector<1x16xf32> to vector<16xf32>
        %get3A_102 = arith.index_cast %scan3A_58 : i32 to index
        %get3A_103 = arith.constant 48 : index
        %get3A_104 = tpu.vector_load %arg12[%get3A_102, %get3A_103] {strides = array<i32>} : memref<200x128xf32, #tpu.memory_space<vmem>>, vector<1x16xf32>,
        %get3A_105 = vector.shape_cast %get3A_104 : vector<1x16xf32> to vector<16xf32>
        %sub3A_106 = arith.subf %get3A_101, %get3A_105 : vector<16xf32>
        %swap3A_107 = arith.index_cast %scan3A_58 : i32 to index
        %swap3A_108 = arith.constant 48 : index
        %swap3A_109 = tpu.vector_load %arg11[%swap3A_107, %swap3A_108] {strides = array<i32>} : memref<200x128xf32, #tpu.memory_space<vmem>>, vector<1x16xf32>,
        %swap3A_110 = vector.shape_cast %swap3A_109 : vector<1x16xf32> to vector<16xf32>
        %swap3A_111 = vector.shape_cast %sub3A_106 : vector<16xf32> to vector<1x16xf32>
        tpu.vector_store %arg11[%swap3A_107, %swap3A_108], %swap3A_111 {strides = array<i32>} : memref<200x128xf32, #tpu.memory_space<vmem>>, vector<1x16xf32>,
        %get3A_112 = arith.index_cast %scan3A_58 : i32 to index
        %get3A_113 = arith.constant 64 : index
        %get3A_114 = tpu.vector_load %arg11[%get3A_112, %get3A_113] {strides = array<i32>} : memref<200x128xf32, #tpu.memory_space<vmem>>, vector<1x16xf32>,
        %get3A_115 = vector.shape_cast %get3A_114 : vector<1x16xf32> to vector<16xf32>
        %get3A_116 = arith.index_cast %scan3A_58 : i32 to index
        %get3A_117 = arith.constant 64 : index
        %get3A_118 = tpu.vector_load %arg12[%get3A_116, %get3A_117] {strides = array<i32>} : memref<200x128xf32, #tpu.memory_space<vmem>>, vector<1x16xf32>,
        %get3A_119 = vector.shape_cast %get3A_118 : vector<1x16xf32> to vector<16xf32>
        %sub3A_120 = arith.subf %get3A_115, %get3A_119 : vector<16xf32>
        %swap3A_121 = arith.index_cast %scan3A_58 : i32 to index
        %swap3A_122 = arith.constant 64 : index
        %swap3A_123 = tpu.vector_load %arg11[%swap3A_121, %swap3A_122] {strides = array<i32>} : memref<200x128xf32, #tpu.memory_space<vmem>>, vector<1x16xf32>,
        %swap3A_124 = vector.shape_cast %swap3A_123 : vector<1x16xf32> to vector<16xf32>
        %swap3A_125 = vector.shape_cast %sub3A_120 : vector<16xf32> to vector<1x16xf32>
        tpu.vector_store %arg11[%swap3A_121, %swap3A_122], %swap3A_125 {strides = array<i32>} : memref<200x128xf32, #tpu.memory_space<vmem>>, vector<1x16xf32>,
        %get3A_126 = arith.index_cast %scan3A_58 : i32 to index
        %get3A_127 = arith.constant 80 : index
        %get3A_128 = tpu.vector_load %arg11[%get3A_126, %get3A_127] {strides = array<i32>} : memref<200x128xf32, #tpu.memory_space<vmem>>, vector<1x16xf32>,
        %get3A_129 = vector.shape_cast %get3A_128 : vector<1x16xf32> to vector<16xf32>
        %get3A_130 = arith.index_cast %scan3A_58 : i32 to index
        %get3A_131 = arith.constant 80 : index
        %get3A_132 = tpu.vector_load %arg12[%get3A_130, %get3A_131] {strides = array<i32>} : memref<200x128xf32, #tpu.memory_space<vmem>>, vector<1x16xf32>,
        %get3A_133 = vector.shape_cast %get3A_132 : vector<1x16xf32> to vector<16xf32>
        %sub3A_134 = arith.subf %get3A_129, %get3A_133 : vector<16xf32>
        %swap3A_135 = arith.index_cast %scan3A_58 : i32 to index
        %swap3A_136 = arith.constant 80 : index
        %swap3A_137 = tpu.vector_load %arg11[%swap3A_135, %swap3A_136] {strides = array<i32>} : memref<200x128xf32, #tpu.memory_space<vmem>>, vector<1x16xf32>,
        %swap3A_138 = vector.shape_cast %swap3A_137 : vector<1x16xf32> to vector<16xf32>
        %swap3A_139 = vector.shape_cast %sub3A_134 : vector<16xf32> to vector<1x16xf32>
        tpu.vector_store %arg11[%swap3A_135, %swap3A_136], %swap3A_139 {strides = array<i32>} : memref<200x128xf32, #tpu.memory_space<vmem>>, vector<1x16xf32>,
        %get3A_140 = arith.index_cast %scan3A_58 : i32 to index
        %get3A_141 = arith.constant 96 : index
        %get3A_142 = tpu.vector_load %arg11[%get3A_140, %get3A_141] {strides = array<i32>} : memref<200x128xf32, #tpu.memory_space<vmem>>, vector<1x16xf32>,
        %get3A_143 = vector.shape_cast %get3A_142 : vector<1x16xf32> to vector<16xf32>
        %get3A_144 = arith.index_cast %scan3A_58 : i32 to index
        %get3A_145 = arith.constant 96 : index
        %get3A_146 = tpu.vector_load %arg12[%get3A_144, %get3A_145] {strides = array<i32>} : memref<200x128xf32, #tpu.memory_space<vmem>>, vector<1x16xf32>,
        %get3A_147 = vector.shape_cast %get3A_146 : vector<1x16xf32> to vector<16xf32>
        %sub3A_148 = arith.subf %get3A_143, %get3A_147 : vector<16xf32>
        %swap3A_149 = arith.index_cast %scan3A_58 : i32 to index
        %swap3A_150 = arith.constant 96 : index
        %swap3A_151 = tpu.vector_load %arg11[%swap3A_149, %swap3A_150] {strides = array<i32>} : memref<200x128xf32, #tpu.memory_space<vmem>>, vector<1x16xf32>,
        %swap3A_152 = vector.shape_cast %swap3A_151 : vector<1x16xf32> to vector<16xf32>
        %swap3A_153 = vector.shape_cast %sub3A_148 : vector<16xf32> to vector<1x16xf32>
        tpu.vector_store %arg11[%swap3A_149, %swap3A_150], %swap3A_153 {strides = array<i32>} : memref<200x128xf32, #tpu.memory_space<vmem>>, vector<1x16xf32>,
        %get3A_154 = arith.index_cast %scan3A_58 : i32 to index
        %get3A_155 = arith.constant 112 : index
        %get3A_156 = tpu.vector_load %arg11[%get3A_154, %get3A_155] {strides = array<i32>} : memref<200x128xf32, #tpu.memory_space<vmem>>, vector<1x16xf32>,
        %get3A_157 = vector.shape_cast %get3A_156 : vector<1x16xf32> to vector<16xf32>
        %get3A_158 = arith.index_cast %scan3A_58 : i32 to index
        %get3A_159 = arith.constant 112 : index
        %get3A_160 = tpu.vector_load %arg12[%get3A_158, %get3A_159] {strides = array<i32>} : memref<200x128xf32, #tpu.memory_space<vmem>>, vector<1x16xf32>,
        %get3A_161 = vector.shape_cast %get3A_160 : vector<1x16xf32> to vector<16xf32>
        %sub3A_162 = arith.subf %get3A_157, %get3A_161 : vector<16xf32>
        %swap3A_163 = arith.index_cast %scan3A_58 : i32 to index
        %swap3A_164 = arith.constant 112 : index
        %swap3A_165 = tpu.vector_load %arg11[%swap3A_163, %swap3A_164] {strides = array<i32>} : memref<200x128xf32, #tpu.memory_space<vmem>>, vector<1x16xf32>,
        %swap3A_166 = vector.shape_cast %swap3A_165 : vector<1x16xf32> to vector<16xf32>
        %swap3A_167 = vector.shape_cast %sub3A_162 : vector<16xf32> to vector<1x16xf32>
        tpu.vector_store %arg11[%swap3A_163, %swap3A_164], %swap3A_167 {strides = array<i32>} : memref<200x128xf32, #tpu.memory_space<vmem>>, vector<1x16xf32>,
      }
      %scan3A_41 = arith.constant 200 : i32
      %dma_start3A_42 = arith.constant 0 : i32
      %dma_start3A_43 = tpu.memref_slice %arg7[%add3A_11, %dma_start3A_42] : memref<320000x128xf32, #tpu.memory_space<hbm>> -> memref<200x128xf32, #tpu.memory_space<hbm>>
      %dma_start3A_44 = arith.constant 0 : i32
      %dma_start3A_45 = tpu.memref_slice %arg7[%add3A_11, %dma_start3A_44] : memref<320000x128xf32, #tpu.memory_space<hbm>> -> memref<200x128xf32, #tpu.memory_space<hbm>>
      tpu.enqueue_dma source(%arg11 : memref<200x128xf32, #tpu.memory_space<vmem>>) target(%dma_start3A_45 : memref<200x128xf32, #tpu.memory_space<hbm>>) target_semaphore(%arg14 : memref<!tpu.dma_semaphore, #tpu.memory_space<semaphore_mem>>)
      %dma_start3A_46 = arith.constant 0 : i32
      %dma_start3A_47 = tpu.memref_slice %arg8[%add3A_11, %dma_start3A_46] : memref<320000x128xf32, #tpu.memory_space<hbm>> -> memref<200x128xf32, #tpu.memory_space<hbm>>
      %dma_start3A_48 = arith.constant 0 : i32
      %dma_start3A_49 = tpu.memref_slice %arg8[%add3A_11, %dma_start3A_48] : memref<320000x128xf32, #tpu.memory_space<hbm>> -> memref<200x128xf32, #tpu.memory_space<hbm>>
      tpu.enqueue_dma source(%arg13 : memref<200x128xf32, #tpu.memory_space<vmem>>) target(%dma_start3A_49 : memref<200x128xf32, #tpu.memory_space<hbm>>) target_semaphore(%arg16 : memref<!tpu.dma_semaphore, #tpu.memory_space<semaphore_mem>>)
      %dma_wait3A_50 = arith.constant 0 : i32
      %dma_wait3A_51 = tpu.memref_slice %arg7[%add3A_11, %dma_wait3A_50] : memref<320000x128xf32, #tpu.memory_space<hbm>> -> memref<200x128xf32, #tpu.memory_space<hbm>>
      %dma_wait3A_52 = arith.constant 0 : i32
      %dma_wait3A_53 = tpu.memref_slice %arg7[%add3A_11, %dma_wait3A_52] : memref<320000x128xf32, #tpu.memory_space<hbm>> -> memref<200x128xf32, #tpu.memory_space<hbm>>
      tpu.wait_dma2 semaphore(%arg14 : memref<!tpu.dma_semaphore, #tpu.memory_space<semaphore_mem>>) src(%arg11 : memref<200x128xf32, #tpu.memory_space<vmem>>) dst(%dma_wait3A_53 : memref<200x128xf32, #tpu.memory_space<hbm>>)
      %dma_wait3A_54 = arith.constant 0 : i32
      %dma_wait3A_55 = tpu.memref_slice %arg8[%add3A_11, %dma_wait3A_54] : memref<320000x128xf32, #tpu.memory_space<hbm>> -> memref<200x128xf32, #tpu.memory_space<hbm>>
      %dma_wait3A_56 = arith.constant 0 : i32
      %dma_wait3A_57 = tpu.memref_slice %arg8[%add3A_11, %dma_wait3A_56] : memref<320000x128xf32, #tpu.memory_space<hbm>> -> memref<200x128xf32, #tpu.memory_space<hbm>>
      tpu.wait_dma2 semaphore(%arg16 : memref<!tpu.dma_semaphore, #tpu.memory_space<semaphore_mem>>) src(%arg13 : memref<200x128xf32, #tpu.memory_space<vmem>>) dst(%dma_wait3A_57 : memref<200x128xf32, #tpu.memory_space<hbm>>)
    }
    %scan3A_5 = arith.constant 50 : i32
    return
  }
}

#map = affine_map<(d0, d1) -> (0, 0)>
#map1 = affine_map<(d0, d1) -> (0)>
module attributes {stable_mosaic.version = 14 : i64} {
  func.func @_sc_perm_gather(%arg0: i32, %arg1: i32, %arg2: memref<10000x128xf32, #tpu.memory_space<hbm>>, %arg3: memref<320000x128xf32, #tpu.memory_space<hbm>>, %arg4: memref<800000xi32, #tpu.memory_space<hbm>>, %arg5: memref<800000xi32, #tpu.memory_space<hbm>>, %arg6: memref<800000x128xf32, #tpu.memory_space<hbm>>, %arg7: memref<200xi32, #tpu.memory_space<vmem>>, %arg8: memref<200xi32, #tpu.memory_space<vmem>>, %arg9: memref<200x128xf32, #tpu.memory_space<vmem>>, %arg10: memref<200x128xf32, #tpu.memory_space<vmem>>, %arg11: memref<!tpu.dma_semaphore, #tpu.memory_space<semaphore_mem>>, %arg12: memref<!tpu.dma_semaphore, #tpu.memory_space<semaphore_mem>>) attributes {dimension_semantics = [#tpu.dimension_semantics<core_parallel>, #tpu.dimension_semantics<subcore_parallel>], iteration_bounds = array<i64: 2, 16>, scalar_prefetch = 0 : i64, scratch_operands = 6 : i64, tpu.core_type = #tpu.core_type<sc_vector_subcore>, window_params = [{transform_indices = #map}, {transform_indices = #map}, {transform_indices = #map1}, {transform_indices = #map1}, {transform_indices = #map}]} {
    %mul3A = arith.constant 2 : i32
    %mul3A_0 = arith.muli %arg1, %mul3A : i32
    %add3A = arith.addi %mul3A_0, %arg0 : i32
    %scan3A = arith.constant 0 : i32
    %scan3A_1 = arith.constant 0 : i32
    %scan3A_2 = arith.constant 125 : i32
    %scan3A_3 = arith.addi %scan3A_1, %scan3A_2 : i32
    %scan3A_4 = arith.constant 1 : i32
    scf.for %scan3A_6 = %scan3A_1 to %scan3A_3 step %scan3A_4  : i32 {
      %mul3A_7 = arith.constant 25000 : i32
      %mul3A_8 = arith.muli %add3A, %mul3A_7 : i32
      %mul3A_9 = arith.constant 200 : i32
      %mul3A_10 = arith.muli %scan3A_6, %mul3A_9 : i32
      %add3A_11 = arith.addi %mul3A_8, %mul3A_10 : i32
      %dma_start3A = tpu.memref_slice %arg4[%add3A_11] : memref<800000xi32, #tpu.memory_space<hbm>> -> memref<200xi32, #tpu.memory_space<hbm>>
      %dma_start3A_12 = tpu.memref_slice %arg4[%add3A_11] : memref<800000xi32, #tpu.memory_space<hbm>> -> memref<200xi32, #tpu.memory_space<hbm>>
      tpu.enqueue_dma source(%dma_start3A_12 : memref<200xi32, #tpu.memory_space<hbm>>) target(%arg7 : memref<200xi32, #tpu.memory_space<vmem>>) target_semaphore(%arg11 : memref<!tpu.dma_semaphore, #tpu.memory_space<semaphore_mem>>)
      %dma_start3A_13 = tpu.memref_slice %arg5[%add3A_11] : memref<800000xi32, #tpu.memory_space<hbm>> -> memref<200xi32, #tpu.memory_space<hbm>>
      %dma_start3A_14 = tpu.memref_slice %arg5[%add3A_11] : memref<800000xi32, #tpu.memory_space<hbm>> -> memref<200xi32, #tpu.memory_space<hbm>>
      tpu.enqueue_dma source(%dma_start3A_14 : memref<200xi32, #tpu.memory_space<hbm>>) target(%arg8 : memref<200xi32, #tpu.memory_space<vmem>>) target_semaphore(%arg12 : memref<!tpu.dma_semaphore, #tpu.memory_space<semaphore_mem>>)
      %dma_wait3A = tpu.memref_slice %arg4[%add3A_11] : memref<800000xi32, #tpu.memory_space<hbm>> -> memref<200xi32, #tpu.memory_space<hbm>>
      %dma_wait3A_15 = tpu.memref_slice %arg4[%add3A_11] : memref<800000xi32, #tpu.memory_space<hbm>> -> memref<200xi32, #tpu.memory_space<hbm>>
      tpu.wait_dma2 semaphore(%arg11 : memref<!tpu.dma_semaphore, #tpu.memory_space<semaphore_mem>>) src(%dma_wait3A_15 : memref<200xi32, #tpu.memory_space<hbm>>) dst(%arg7 : memref<200xi32, #tpu.memory_space<vmem>>)
      %dma_wait3A_16 = tpu.memref_slice %arg5[%add3A_11] : memref<800000xi32, #tpu.memory_space<hbm>> -> memref<200xi32, #tpu.memory_space<hbm>>
      %dma_wait3A_17 = tpu.memref_slice %arg5[%add3A_11] : memref<800000xi32, #tpu.memory_space<hbm>> -> memref<200xi32, #tpu.memory_space<hbm>>
      tpu.wait_dma2 semaphore(%arg12 : memref<!tpu.dma_semaphore, #tpu.memory_space<semaphore_mem>>) src(%dma_wait3A_17 : memref<200xi32, #tpu.memory_space<hbm>>) dst(%arg8 : memref<200xi32, #tpu.memory_space<vmem>>)
      %dma_start3A_18 = arith.constant 0 : i32
      %dma_start3A_19 = arith.constant 0 : i32
      %dma_start3A_20 = tpu.memref_slice %arg2[%dma_start3A_18, %dma_start3A_19] : memref<10000x128xf32, #tpu.memory_space<hbm>> -> memref<10000x128xf32, #tpu.memory_space<hbm>>
      tpu.enqueue_indirect_dma source(%dma_start3A_20 : memref<10000x128xf32, #tpu.memory_space<hbm>>) target(%arg9 : memref<200x128xf32, #tpu.memory_space<vmem>>) offsets(%arg7 : memref<200xi32, #tpu.memory_space<vmem>>) semaphore(%arg11 : memref<!tpu.dma_semaphore, #tpu.memory_space<semaphore_mem>>)
      %dma_start3A_21 = arith.constant 0 : i32
      %dma_start3A_22 = arith.constant 0 : i32
      %dma_start3A_23 = tpu.memref_slice %arg3[%dma_start3A_21, %dma_start3A_22] : memref<320000x128xf32, #tpu.memory_space<hbm>> -> memref<320000x128xf32, #tpu.memory_space<hbm>>
      tpu.enqueue_indirect_dma source(%dma_start3A_23 : memref<320000x128xf32, #tpu.memory_space<hbm>>) target(%arg10 : memref<200x128xf32, #tpu.memory_space<vmem>>) offsets(%arg8 : memref<200xi32, #tpu.memory_space<vmem>>) semaphore(%arg12 : memref<!tpu.dma_semaphore, #tpu.memory_space<semaphore_mem>>)
      %dma_wait3A_24 = arith.constant 0 : i32
      %dma_wait3A_25 = arith.constant 0 : i32
      %dma_wait3A_26 = tpu.memref_slice %arg2[%dma_wait3A_24, %dma_wait3A_25] : memref<10000x128xf32, #tpu.memory_space<hbm>> -> memref<10000x128xf32, #tpu.memory_space<hbm>>
      tpu.wait_indirect_dma semaphore(%arg11 : memref<!tpu.dma_semaphore, #tpu.memory_space<semaphore_mem>>) src(%dma_wait3A_26 : memref<10000x128xf32, #tpu.memory_space<hbm>>) dst(%arg9 : memref<200x128xf32, #tpu.memory_space<vmem>>)
      %dma_wait3A_27 = arith.constant 0 : i32
      %dma_wait3A_28 = arith.constant 0 : i32
      %dma_wait3A_29 = tpu.memref_slice %arg3[%dma_wait3A_27, %dma_wait3A_28] : memref<320000x128xf32, #tpu.memory_space<hbm>> -> memref<320000x128xf32, #tpu.memory_space<hbm>>
      tpu.wait_indirect_dma semaphore(%arg12 : memref<!tpu.dma_semaphore, #tpu.memory_space<semaphore_mem>>) src(%dma_wait3A_29 : memref<320000x128xf32, #tpu.memory_space<hbm>>) dst(%arg10 : memref<200x128xf32, #tpu.memory_space<vmem>>)
      %scan3A_30 = arith.constant 0 : i32
      %scan3A_31 = arith.constant 0 : i32
      %scan3A_32 = arith.constant 200 : i32
      %scan3A_33 = arith.addi %scan3A_31, %scan3A_32 : i32
      %scan3A_34 = arith.constant 1 : i32
      scf.for %scan3A_36 = %scan3A_31 to %scan3A_33 step %scan3A_34  : i32 {
        %get3A = arith.index_cast %scan3A_36 : i32 to index
        %get3A_37 = arith.constant 0 : index
        %get3A_38 = tpu.vector_load %arg9[%get3A, %get3A_37] {strides = array<i32>} : memref<200x128xf32, #tpu.memory_space<vmem>>, vector<1x16xf32>,
        %get3A_39 = vector.shape_cast %get3A_38 : vector<1x16xf32> to vector<16xf32>
        %get3A_40 = arith.index_cast %scan3A_36 : i32 to index
        %get3A_41 = arith.constant 0 : index
        %get3A_42 = tpu.vector_load %arg10[%get3A_40, %get3A_41] {strides = array<i32>} : memref<200x128xf32, #tpu.memory_space<vmem>>, vector<1x16xf32>,
        %get3A_43 = vector.shape_cast %get3A_42 : vector<1x16xf32> to vector<16xf32>
        %add3A_44 = arith.addf %get3A_39, %get3A_43 : vector<16xf32>
        %swap3A = arith.index_cast %scan3A_36 : i32 to index
        %swap3A_45 = arith.constant 0 : index
        %swap3A_46 = tpu.vector_load %arg9[%swap3A, %swap3A_45] {strides = array<i32>} : memref<200x128xf32, #tpu.memory_space<vmem>>, vector<1x16xf32>,
        %swap3A_47 = vector.shape_cast %swap3A_46 : vector<1x16xf32> to vector<16xf32>
        %swap3A_48 = vector.shape_cast %add3A_44 : vector<16xf32> to vector<1x16xf32>
        tpu.vector_store %arg9[%swap3A, %swap3A_45], %swap3A_48 {strides = array<i32>} : memref<200x128xf32, #tpu.memory_space<vmem>>, vector<1x16xf32>,
        %get3A_49 = arith.index_cast %scan3A_36 : i32 to index
        %get3A_50 = arith.constant 16 : index
        %get3A_51 = tpu.vector_load %arg9[%get3A_49, %get3A_50] {strides = array<i32>} : memref<200x128xf32, #tpu.memory_space<vmem>>, vector<1x16xf32>,
        %get3A_52 = vector.shape_cast %get3A_51 : vector<1x16xf32> to vector<16xf32>
        %get3A_53 = arith.index_cast %scan3A_36 : i32 to index
        %get3A_54 = arith.constant 16 : index
        %get3A_55 = tpu.vector_load %arg10[%get3A_53, %get3A_54] {strides = array<i32>} : memref<200x128xf32, #tpu.memory_space<vmem>>, vector<1x16xf32>,
        %get3A_56 = vector.shape_cast %get3A_55 : vector<1x16xf32> to vector<16xf32>
        %add3A_57 = arith.addf %get3A_52, %get3A_56 : vector<16xf32>
        %swap3A_58 = arith.index_cast %scan3A_36 : i32 to index
        %swap3A_59 = arith.constant 16 : index
        %swap3A_60 = tpu.vector_load %arg9[%swap3A_58, %swap3A_59] {strides = array<i32>} : memref<200x128xf32, #tpu.memory_space<vmem>>, vector<1x16xf32>,
        %swap3A_61 = vector.shape_cast %swap3A_60 : vector<1x16xf32> to vector<16xf32>
        %swap3A_62 = vector.shape_cast %add3A_57 : vector<16xf32> to vector<1x16xf32>
        tpu.vector_store %arg9[%swap3A_58, %swap3A_59], %swap3A_62 {strides = array<i32>} : memref<200x128xf32, #tpu.memory_space<vmem>>, vector<1x16xf32>,
        %get3A_63 = arith.index_cast %scan3A_36 : i32 to index
        %get3A_64 = arith.constant 32 : index
        %get3A_65 = tpu.vector_load %arg9[%get3A_63, %get3A_64] {strides = array<i32>} : memref<200x128xf32, #tpu.memory_space<vmem>>, vector<1x16xf32>,
        %get3A_66 = vector.shape_cast %get3A_65 : vector<1x16xf32> to vector<16xf32>
        %get3A_67 = arith.index_cast %scan3A_36 : i32 to index
        %get3A_68 = arith.constant 32 : index
        %get3A_69 = tpu.vector_load %arg10[%get3A_67, %get3A_68] {strides = array<i32>} : memref<200x128xf32, #tpu.memory_space<vmem>>, vector<1x16xf32>,
        %get3A_70 = vector.shape_cast %get3A_69 : vector<1x16xf32> to vector<16xf32>
        %add3A_71 = arith.addf %get3A_66, %get3A_70 : vector<16xf32>
        %swap3A_72 = arith.index_cast %scan3A_36 : i32 to index
        %swap3A_73 = arith.constant 32 : index
        %swap3A_74 = tpu.vector_load %arg9[%swap3A_72, %swap3A_73] {strides = array<i32>} : memref<200x128xf32, #tpu.memory_space<vmem>>, vector<1x16xf32>,
        %swap3A_75 = vector.shape_cast %swap3A_74 : vector<1x16xf32> to vector<16xf32>
        %swap3A_76 = vector.shape_cast %add3A_71 : vector<16xf32> to vector<1x16xf32>
        tpu.vector_store %arg9[%swap3A_72, %swap3A_73], %swap3A_76 {strides = array<i32>} : memref<200x128xf32, #tpu.memory_space<vmem>>, vector<1x16xf32>,
        %get3A_77 = arith.index_cast %scan3A_36 : i32 to index
        %get3A_78 = arith.constant 48 : index
        %get3A_79 = tpu.vector_load %arg9[%get3A_77, %get3A_78] {strides = array<i32>} : memref<200x128xf32, #tpu.memory_space<vmem>>, vector<1x16xf32>,
        %get3A_80 = vector.shape_cast %get3A_79 : vector<1x16xf32> to vector<16xf32>
        %get3A_81 = arith.index_cast %scan3A_36 : i32 to index
        %get3A_82 = arith.constant 48 : index
        %get3A_83 = tpu.vector_load %arg10[%get3A_81, %get3A_82] {strides = array<i32>} : memref<200x128xf32, #tpu.memory_space<vmem>>, vector<1x16xf32>,
        %get3A_84 = vector.shape_cast %get3A_83 : vector<1x16xf32> to vector<16xf32>
        %add3A_85 = arith.addf %get3A_80, %get3A_84 : vector<16xf32>
        %swap3A_86 = arith.index_cast %scan3A_36 : i32 to index
        %swap3A_87 = arith.constant 48 : index
        %swap3A_88 = tpu.vector_load %arg9[%swap3A_86, %swap3A_87] {strides = array<i32>} : memref<200x128xf32, #tpu.memory_space<vmem>>, vector<1x16xf32>,
        %swap3A_89 = vector.shape_cast %swap3A_88 : vector<1x16xf32> to vector<16xf32>
        %swap3A_90 = vector.shape_cast %add3A_85 : vector<16xf32> to vector<1x16xf32>
        tpu.vector_store %arg9[%swap3A_86, %swap3A_87], %swap3A_90 {strides = array<i32>} : memref<200x128xf32, #tpu.memory_space<vmem>>, vector<1x16xf32>,
        %get3A_91 = arith.index_cast %scan3A_36 : i32 to index
        %get3A_92 = arith.constant 64 : index
        %get3A_93 = tpu.vector_load %arg9[%get3A_91, %get3A_92] {strides = array<i32>} : memref<200x128xf32, #tpu.memory_space<vmem>>, vector<1x16xf32>,
        %get3A_94 = vector.shape_cast %get3A_93 : vector<1x16xf32> to vector<16xf32>
        %get3A_95 = arith.index_cast %scan3A_36 : i32 to index
        %get3A_96 = arith.constant 64 : index
        %get3A_97 = tpu.vector_load %arg10[%get3A_95, %get3A_96] {strides = array<i32>} : memref<200x128xf32, #tpu.memory_space<vmem>>, vector<1x16xf32>,
        %get3A_98 = vector.shape_cast %get3A_97 : vector<1x16xf32> to vector<16xf32>
        %add3A_99 = arith.addf %get3A_94, %get3A_98 : vector<16xf32>
        %swap3A_100 = arith.index_cast %scan3A_36 : i32 to index
        %swap3A_101 = arith.constant 64 : index
        %swap3A_102 = tpu.vector_load %arg9[%swap3A_100, %swap3A_101] {strides = array<i32>} : memref<200x128xf32, #tpu.memory_space<vmem>>, vector<1x16xf32>,
        %swap3A_103 = vector.shape_cast %swap3A_102 : vector<1x16xf32> to vector<16xf32>
        %swap3A_104 = vector.shape_cast %add3A_99 : vector<16xf32> to vector<1x16xf32>
        tpu.vector_store %arg9[%swap3A_100, %swap3A_101], %swap3A_104 {strides = array<i32>} : memref<200x128xf32, #tpu.memory_space<vmem>>, vector<1x16xf32>,
        %get3A_105 = arith.index_cast %scan3A_36 : i32 to index
        %get3A_106 = arith.constant 80 : index
        %get3A_107 = tpu.vector_load %arg9[%get3A_105, %get3A_106] {strides = array<i32>} : memref<200x128xf32, #tpu.memory_space<vmem>>, vector<1x16xf32>,
        %get3A_108 = vector.shape_cast %get3A_107 : vector<1x16xf32> to vector<16xf32>
        %get3A_109 = arith.index_cast %scan3A_36 : i32 to index
        %get3A_110 = arith.constant 80 : index
        %get3A_111 = tpu.vector_load %arg10[%get3A_109, %get3A_110] {strides = array<i32>} : memref<200x128xf32, #tpu.memory_space<vmem>>, vector<1x16xf32>,
        %get3A_112 = vector.shape_cast %get3A_111 : vector<1x16xf32> to vector<16xf32>
        %add3A_113 = arith.addf %get3A_108, %get3A_112 : vector<16xf32>
        %swap3A_114 = arith.index_cast %scan3A_36 : i32 to index
        %swap3A_115 = arith.constant 80 : index
        %swap3A_116 = tpu.vector_load %arg9[%swap3A_114, %swap3A_115] {strides = array<i32>} : memref<200x128xf32, #tpu.memory_space<vmem>>, vector<1x16xf32>,
        %swap3A_117 = vector.shape_cast %swap3A_116 : vector<1x16xf32> to vector<16xf32>
        %swap3A_118 = vector.shape_cast %add3A_113 : vector<16xf32> to vector<1x16xf32>
        tpu.vector_store %arg9[%swap3A_114, %swap3A_115], %swap3A_118 {strides = array<i32>} : memref<200x128xf32, #tpu.memory_space<vmem>>, vector<1x16xf32>,
        %get3A_119 = arith.index_cast %scan3A_36 : i32 to index
        %get3A_120 = arith.constant 96 : index
        %get3A_121 = tpu.vector_load %arg9[%get3A_119, %get3A_120] {strides = array<i32>} : memref<200x128xf32, #tpu.memory_space<vmem>>, vector<1x16xf32>,
        %get3A_122 = vector.shape_cast %get3A_121 : vector<1x16xf32> to vector<16xf32>
        %get3A_123 = arith.index_cast %scan3A_36 : i32 to index
        %get3A_124 = arith.constant 96 : index
        %get3A_125 = tpu.vector_load %arg10[%get3A_123, %get3A_124] {strides = array<i32>} : memref<200x128xf32, #tpu.memory_space<vmem>>, vector<1x16xf32>,
        %get3A_126 = vector.shape_cast %get3A_125 : vector<1x16xf32> to vector<16xf32>
        %add3A_127 = arith.addf %get3A_122, %get3A_126 : vector<16xf32>
        %swap3A_128 = arith.index_cast %scan3A_36 : i32 to index
        %swap3A_129 = arith.constant 96 : index
        %swap3A_130 = tpu.vector_load %arg9[%swap3A_128, %swap3A_129] {strides = array<i32>} : memref<200x128xf32, #tpu.memory_space<vmem>>, vector<1x16xf32>,
        %swap3A_131 = vector.shape_cast %swap3A_130 : vector<1x16xf32> to vector<16xf32>
        %swap3A_132 = vector.shape_cast %add3A_127 : vector<16xf32> to vector<1x16xf32>
        tpu.vector_store %arg9[%swap3A_128, %swap3A_129], %swap3A_132 {strides = array<i32>} : memref<200x128xf32, #tpu.memory_space<vmem>>, vector<1x16xf32>,
        %get3A_133 = arith.index_cast %scan3A_36 : i32 to index
        %get3A_134 = arith.constant 112 : index
        %get3A_135 = tpu.vector_load %arg9[%get3A_133, %get3A_134] {strides = array<i32>} : memref<200x128xf32, #tpu.memory_space<vmem>>, vector<1x16xf32>,
        %get3A_136 = vector.shape_cast %get3A_135 : vector<1x16xf32> to vector<16xf32>
        %get3A_137 = arith.index_cast %scan3A_36 : i32 to index
        %get3A_138 = arith.constant 112 : index
        %get3A_139 = tpu.vector_load %arg10[%get3A_137, %get3A_138] {strides = array<i32>} : memref<200x128xf32, #tpu.memory_space<vmem>>, vector<1x16xf32>,
        %get3A_140 = vector.shape_cast %get3A_139 : vector<1x16xf32> to vector<16xf32>
        %add3A_141 = arith.addf %get3A_136, %get3A_140 : vector<16xf32>
        %swap3A_142 = arith.index_cast %scan3A_36 : i32 to index
        %swap3A_143 = arith.constant 112 : index
        %swap3A_144 = tpu.vector_load %arg9[%swap3A_142, %swap3A_143] {strides = array<i32>} : memref<200x128xf32, #tpu.memory_space<vmem>>, vector<1x16xf32>,
        %swap3A_145 = vector.shape_cast %swap3A_144 : vector<1x16xf32> to vector<16xf32>
        %swap3A_146 = vector.shape_cast %add3A_141 : vector<16xf32> to vector<1x16xf32>
        tpu.vector_store %arg9[%swap3A_142, %swap3A_143], %swap3A_146 {strides = array<i32>} : memref<200x128xf32, #tpu.memory_space<vmem>>, vector<1x16xf32>,
      }
      %scan3A_35 = arith.constant 200 : i32
      "tpu.region"() ({
        %run_scoped3A = tpu.sem_alloc : memref<!tpu.dma_semaphore, #tpu.memory_space<semaphore_mem>>
        %dma_start3A_36 = arith.constant 0 : i32
        %dma_start3A_37 = tpu.memref_slice %arg6[%add3A_11, %dma_start3A_36] : memref<800000x128xf32, #tpu.memory_space<hbm>> -> memref<200x128xf32, #tpu.memory_space<hbm>>
        %dma_start3A_38 = arith.constant 0 : i32
        %dma_start3A_39 = tpu.memref_slice %arg6[%add3A_11, %dma_start3A_38] : memref<800000x128xf32, #tpu.memory_space<hbm>> -> memref<200x128xf32, #tpu.memory_space<hbm>>
        tpu.enqueue_dma source(%arg9 : memref<200x128xf32, #tpu.memory_space<vmem>>) target(%dma_start3A_39 : memref<200x128xf32, #tpu.memory_space<hbm>>) target_semaphore(%run_scoped3A : memref<!tpu.dma_semaphore, #tpu.memory_space<semaphore_mem>>)
        %dma_wait3A_40 = arith.constant 0 : i32
        %dma_wait3A_41 = tpu.memref_slice %arg6[%add3A_11, %dma_wait3A_40] : memref<800000x128xf32, #tpu.memory_space<hbm>> -> memref<200x128xf32, #tpu.memory_space<hbm>>
        %dma_wait3A_42 = arith.constant 0 : i32
        %dma_wait3A_43 = tpu.memref_slice %arg6[%add3A_11, %dma_wait3A_42] : memref<800000x128xf32, #tpu.memory_space<hbm>> -> memref<200x128xf32, #tpu.memory_space<hbm>>
        tpu.wait_dma2 semaphore(%run_scoped3A : memref<!tpu.dma_semaphore, #tpu.memory_space<semaphore_mem>>) src(%arg9 : memref<200x128xf32, #tpu.memory_space<vmem>>) dst(%dma_wait3A_43 : memref<200x128xf32, #tpu.memory_space<hbm>>)
        tpu.yield
      }) : () -> ()
    }
    %scan3A_5 = arith.constant 125 : i32
    return
  }
}

module attributes {stable_mosaic.version = 14 : i64} {
  func.func @_tc_prep_body(%arg0: memref<10000x128xf32, #tpu.memory_space<vmem>>, %arg1: memref<128x128xf32, #tpu.memory_space<vmem>>, %arg2: memref<128x128xf32, #tpu.memory_space<vmem>>, %arg3: memref<5120x128xf32, #tpu.memory_space<vmem>>, %arg4: memref<5120x128xf32, #tpu.memory_space<vmem>>, %arg5: memref<10000x128xf32, #tpu.memory_space<vmem>>, %arg6: memref<10000x128xf32, #tpu.memory_space<vmem>>, %arg7: memref<10000x128xf32, #tpu.memory_space<vmem>>) attributes {dimension_semantics = [], scalar_prefetch = 0 : i64, scratch_operands = 0 : i64, tpu.core_type = #tpu.core_type<tc>} {
    %get3A = arith.constant 0 : index
    %get3A_0 = arith.constant 0 : index
    %get3A_1 = vector.load %arg0[%get3A, %get3A_0] : memref<10000x128xf32, #tpu.memory_space<vmem>>, vector<10000x128xf32>
    %get3A_2 = arith.constant 0 : index
    %get3A_3 = arith.constant 0 : index
    %get3A_4 = vector.load %arg1[%get3A_2, %get3A_3] : memref<128x128xf32, #tpu.memory_space<vmem>>, vector<128x128xf32>
    %dot_general3A = arith.constant dense<0.000000e+00> : vector<10000x128xf32>
    %dot_general3A_5 = tpu.matmul %get3A_1, %get3A_4, %dot_general3A {dimension_numbers = #tpu.dot_dimension_numbers<[1], [0], [0], [1], [0, 0, 1, 1], [], []>, transpose_lhs_hint = false} : vector<10000x128xf32>, vector<128x128xf32>, vector<10000x128xf32> -> vector<10000x128xf32>
    %swap3A = arith.constant 0 : index
    %swap3A_6 = arith.constant 0 : index
    %swap3A_7 = vector.load %arg5[%swap3A, %swap3A_6] : memref<10000x128xf32, #tpu.memory_space<vmem>>, vector<10000x128xf32>
    tpu.vector_store %arg5[%swap3A, %swap3A_6], %dot_general3A_5 {strides = array<i32>} : memref<10000x128xf32, #tpu.memory_space<vmem>>, vector<10000x128xf32>,
    %get3A_8 = arith.constant 0 : index
    %get3A_9 = arith.constant 0 : index
    %get3A_10 = vector.load %arg2[%get3A_8, %get3A_9] : memref<128x128xf32, #tpu.memory_space<vmem>>, vector<128x128xf32>
    %dot_general3A_11 = arith.constant dense<0.000000e+00> : vector<10000x128xf32>
    %dot_general3A_12 = tpu.matmul %get3A_1, %get3A_10, %dot_general3A_11 {dimension_numbers = #tpu.dot_dimension_numbers<[1], [0], [0], [1], [0, 0, 1, 1], [], []>, transpose_lhs_hint = false} : vector<10000x128xf32>, vector<128x128xf32>, vector<10000x128xf32> -> vector<10000x128xf32>
    %swap3A_13 = arith.constant 0 : index
    %swap3A_14 = arith.constant 0 : index
    %swap3A_15 = vector.load %arg6[%swap3A_13, %swap3A_14] : memref<10000x128xf32, #tpu.memory_space<vmem>>, vector<10000x128xf32>
    tpu.vector_store %arg6[%swap3A_13, %swap3A_14], %dot_general3A_12 {strides = array<i32>} : memref<10000x128xf32, #tpu.memory_space<vmem>>, vector<10000x128xf32>,
    %get3A_16 = arith.constant 0 : index
    %get3A_17 = arith.constant 0 : index
    %get3A_18 = vector.load %arg3[%get3A_16, %get3A_17] : memref<5120x128xf32, #tpu.memory_space<vmem>>, vector<5120x128xf32>
    %get3A_19 = arith.constant 0 : index
    %get3A_20 = arith.constant 0 : index
    %get3A_21 = vector.load %arg4[%get3A_19, %get3A_20] : memref<5120x128xf32, #tpu.memory_space<vmem>>, vector<5120x128xf32>
    %concatenate3A = tpu.concatenate %get3A_18, %get3A_21 in 0 : vector<5120x128xf32>, vector<5120x128xf32> -> vector<10240x128xf32>
    %slice3A = vector.extract_strided_slice %concatenate3A {offsets = [0, 0], sizes = [10000, 1], strides = [1, 1]} : vector<10240x128xf32> to vector<10000x1xf32>
    %add3A = arith.constant 1.000000e+00 : f32
    %add3A_22 = vector.broadcast %add3A : f32 to vector<10000x1xf32>
    %add3A_23 = arith.addf %add3A_22, %slice3A : vector<10000x1xf32>
    %log3A = math.log %add3A_23 : vector<10000x1xf32>
    %mul3A = arith.constant 1.44269502 : f32
    %mul3A_24 = vector.broadcast %mul3A : f32 to vector<10000x1xf32>
    %mul3A_25 = arith.mulf %log3A, %mul3A_24 : vector<10000x1xf32>
    %add3A_26 = arith.constant 1.000000e+00 : f32
    %add3A_27 = vector.broadcast %add3A_26 : f32 to vector<10000x1xf32>
    %add3A_28 = arith.addf %add3A_27, %mul3A_25 : vector<10000x1xf32>
    %mul3A_29 = arith.constant 2.000000e+00 : f32
    %mul3A_30 = vector.broadcast %mul3A_29 : f32 to vector<10000x1xf32>
    %mul3A_31 = arith.mulf %mul3A_30, %add3A_28 : vector<10000x1xf32>
    %broadcast_in_dim3A = vector.shape_cast %mul3A_31 : vector<10000x1xf32> to vector<10000x1xf32>
    %broadcast_in_dim3A_32 = vector.broadcast %broadcast_in_dim3A : vector<10000x1xf32> to vector<10000x128xf32>
    %swap3A_33 = arith.constant 0 : index
    %swap3A_34 = arith.constant 0 : index
    %swap3A_35 = vector.load %arg7[%swap3A_33, %swap3A_34] : memref<10000x128xf32, #tpu.memory_space<vmem>>, vector<10000x128xf32>
    tpu.vector_store %arg7[%swap3A_33, %swap3A_34], %broadcast_in_dim3A_32 {strides = array<i32>} : memref<10000x128xf32, #tpu.memory_space<vmem>>, vector<10000x128xf32>,
    return
  }
}

module attributes {stable_mosaic.version = 14 : i64} {
  func.func @_tc_node_body(%arg0: memref<10000x128xf32, #tpu.memory_space<vmem>>, %arg1: memref<5120x128xf32, #tpu.memory_space<vmem>>, %arg2: memref<5120x128xf32, #tpu.memory_space<vmem>>, %arg3: memref<128x128xf32, #tpu.memory_space<vmem>>, %arg4: memref<128x128xf32, #tpu.memory_space<vmem>>, %arg5: memref<1x128xf32, #tpu.memory_space<vmem>>, %arg6: memref<128x128xf32, #tpu.memory_space<vmem>>, %arg7: memref<1x128xf32, #tpu.memory_space<vmem>>, %arg8: memref<1x128xf32, #tpu.memory_space<vmem>>, %arg9: memref<1x128xf32, #tpu.memory_space<vmem>>, %arg10: memref<128x128xf32, #tpu.memory_space<vmem>>, %arg11: memref<1x128xf32, #tpu.memory_space<vmem>>, %arg12: memref<10000x128xf32, #tpu.memory_space<vmem>>) attributes {dimension_semantics = [], scalar_prefetch = 0 : i64, scratch_operands = 0 : i64, tpu.core_type = #tpu.core_type<tc>} {
    %get3A = arith.constant 0 : index
    %get3A_0 = arith.constant 0 : index
    %get3A_1 = vector.load %arg0[%get3A, %get3A_0] : memref<10000x128xf32, #tpu.memory_space<vmem>>, vector<10000x128xf32>
    %get3A_2 = arith.constant 0 : index
    %get3A_3 = arith.constant 0 : index
    %get3A_4 = vector.load %arg1[%get3A_2, %get3A_3] : memref<5120x128xf32, #tpu.memory_space<vmem>>, vector<5120x128xf32>
    %get3A_5 = arith.constant 0 : index
    %get3A_6 = arith.constant 0 : index
    %get3A_7 = vector.load %arg2[%get3A_5, %get3A_6] : memref<5120x128xf32, #tpu.memory_space<vmem>>, vector<5120x128xf32>
    %concatenate3A = tpu.concatenate %get3A_4, %get3A_7 in 0 : vector<5120x128xf32>, vector<5120x128xf32> -> vector<10240x128xf32>
    %slice3A = vector.extract_strided_slice %concatenate3A {offsets = [0, 0], sizes = [10000, 128], strides = [1, 1]} : vector<10240x128xf32> to vector<10000x128xf32>
    %get3A_8 = arith.constant 0 : index
    %get3A_9 = arith.constant 0 : index
    %get3A_10 = vector.load %arg4[%get3A_8, %get3A_9] : memref<128x128xf32, #tpu.memory_space<vmem>>, vector<128x128xf32>
    %dot_general3A = arith.constant dense<0.000000e+00> : vector<10000x128xf32>
    %dot_general3A_11 = tpu.matmul %get3A_1, %get3A_10, %dot_general3A {dimension_numbers = #tpu.dot_dimension_numbers<[1], [0], [0], [1], [0, 0, 1, 1], [], []>, transpose_lhs_hint = false} : vector<10000x128xf32>, vector<128x128xf32>, vector<10000x128xf32> -> vector<10000x128xf32>
    %get3A_12 = arith.constant 0 : index
    %get3A_13 = arith.constant 0 : index
    %get3A_14 = vector.load %arg3[%get3A_12, %get3A_13] : memref<128x128xf32, #tpu.memory_space<vmem>>, vector<128x128xf32>
    %dot_general3A_15 = arith.constant dense<0.000000e+00> : vector<10000x128xf32>
    %dot_general3A_16 = tpu.matmul %slice3A, %get3A_14, %dot_general3A_15 {dimension_numbers = #tpu.dot_dimension_numbers<[1], [0], [0], [1], [0, 0, 1, 1], [], []>, transpose_lhs_hint = false} : vector<10000x128xf32>, vector<128x128xf32>, vector<10000x128xf32> -> vector<10000x128xf32>
    %sub3A = arith.subf %dot_general3A_11, %dot_general3A_16 : vector<10000x128xf32>
    %get3A_17 = arith.constant 0 : index
    %get3A_18 = arith.constant 0 : index
    %get3A_19 = vector.load %arg5[%get3A_17, %get3A_18] : memref<1x128xf32, #tpu.memory_space<vmem>>, vector<1x128xf32>
    %add3A = vector.broadcast %get3A_19 : vector<1x128xf32> to vector<10000x128xf32>
    %add3A_20 = arith.addf %sub3A, %add3A : vector<10000x128xf32>
    %get3A_21 = arith.constant 0 : index
    %get3A_22 = arith.constant 0 : index
    %get3A_23 = vector.load %arg6[%get3A_21, %get3A_22] : memref<128x128xf32, #tpu.memory_space<vmem>>, vector<128x128xf32>
    %dot_general3A_24 = arith.constant dense<0.000000e+00> : vector<10000x128xf32>
    %dot_general3A_25 = tpu.matmul %add3A_20, %get3A_23, %dot_general3A_24 {dimension_numbers = #tpu.dot_dimension_numbers<[1], [0], [0], [1], [0, 0, 1, 1], [], []>, transpose_lhs_hint = false} : vector<10000x128xf32>, vector<128x128xf32>, vector<10000x128xf32> -> vector<10000x128xf32>
    %get3A_26 = arith.constant 0 : index
    %get3A_27 = arith.constant 0 : index
    %get3A_28 = vector.load %arg7[%get3A_26, %get3A_27] : memref<1x128xf32, #tpu.memory_space<vmem>>, vector<1x128xf32>
    %add3A_29 = vector.broadcast %get3A_28 : vector<1x128xf32> to vector<10000x128xf32>
    %add3A_30 = arith.addf %dot_general3A_25, %add3A_29 : vector<10000x128xf32>
    %reduce_sum3A = arith.constant dense<0.000000e+00> : vector<128xf32>
    %reduce_sum3A_31 = vector.multi_reduction <add>, %add3A_30, %reduce_sum3A [0] : vector<10000x128xf32> to vector<128xf32>
    %broadcast_in_dim3A = vector.shape_cast %reduce_sum3A_31 : vector<128xf32> to vector<1x128xf32>
    %div3A = arith.constant 1.000000e+04 : f32
    %div3A_32 = vector.broadcast %div3A : f32 to vector<1x128xf32>
    %div3A_33 = arith.divf %broadcast_in_dim3A, %div3A_32 : vector<1x128xf32>
    %sub3A_34 = vector.broadcast %div3A_33 : vector<1x128xf32> to vector<10000x128xf32>
    %sub3A_35 = arith.subf %add3A_30, %sub3A_34 : vector<10000x128xf32>
    %integer_pow3A = arith.mulf %sub3A_35, %sub3A_35 : vector<10000x128xf32>
    %reduce_sum3A_36 = arith.constant dense<0.000000e+00> : vector<128xf32>
    %reduce_sum3A_37 = vector.multi_reduction <add>, %integer_pow3A, %reduce_sum3A_36 [0] : vector<10000x128xf32> to vector<128xf32>
    %broadcast_in_dim3A_38 = vector.shape_cast %reduce_sum3A_37 : vector<128xf32> to vector<1x128xf32>
    %div3A_39 = arith.constant 1.000000e+04 : f32
    %div3A_40 = vector.broadcast %div3A_39 : f32 to vector<1x128xf32>
    %div3A_41 = arith.divf %broadcast_in_dim3A_38, %div3A_40 : vector<1x128xf32>
    %sub3A_42 = vector.broadcast %div3A_33 : vector<1x128xf32> to vector<10000x128xf32>
    %sub3A_43 = arith.subf %add3A_30, %sub3A_42 : vector<10000x128xf32>
    %add3A_44 = arith.constant 9.99999974E-6 : f32
    %add3A_45 = vector.broadcast %add3A_44 : f32 to vector<1x128xf32>
    %add3A_46 = arith.addf %div3A_41, %add3A_45 : vector<1x128xf32>
    %rsqrt3A = math.rsqrt %add3A_46 : vector<1x128xf32>
    %mul3A = vector.broadcast %rsqrt3A : vector<1x128xf32> to vector<10000x128xf32>
    %mul3A_47 = arith.mulf %sub3A_43, %mul3A : vector<10000x128xf32>
    %get3A_48 = arith.constant 0 : index
    %get3A_49 = arith.constant 0 : index
    %get3A_50 = vector.load %arg8[%get3A_48, %get3A_49] : memref<1x128xf32, #tpu.memory_space<vmem>>, vector<1x128xf32>
    %mul3A_51 = vector.broadcast %get3A_50 : vector<1x128xf32> to vector<10000x128xf32>
    %mul3A_52 = arith.mulf %mul3A_47, %mul3A_51 : vector<10000x128xf32>
    %get3A_53 = arith.constant 0 : index
    %get3A_54 = arith.constant 0 : index
    %get3A_55 = vector.load %arg9[%get3A_53, %get3A_54] : memref<1x128xf32, #tpu.memory_space<vmem>>, vector<1x128xf32>
    %add3A_56 = vector.broadcast %get3A_55 : vector<1x128xf32> to vector<10000x128xf32>
    %add3A_57 = arith.addf %mul3A_52, %add3A_56 : vector<10000x128xf32>
    %max3A = arith.constant 0.000000e+00 : f32
    %max3A_58 = vector.broadcast %max3A : f32 to vector<10000x128xf32>
    %max3A_59 = arith.maximumf %add3A_57, %max3A_58 : vector<10000x128xf32>
    %get3A_60 = arith.constant 0 : index
    %get3A_61 = arith.constant 0 : index
    %get3A_62 = vector.load %arg10[%get3A_60, %get3A_61] : memref<128x128xf32, #tpu.memory_space<vmem>>, vector<128x128xf32>
    %dot_general3A_63 = arith.constant dense<0.000000e+00> : vector<10000x128xf32>
    %dot_general3A_64 = tpu.matmul %max3A_59, %get3A_62, %dot_general3A_63 {dimension_numbers = #tpu.dot_dimension_numbers<[1], [0], [0], [1], [0, 0, 1, 1], [], []>, transpose_lhs_hint = false} : vector<10000x128xf32>, vector<128x128xf32>, vector<10000x128xf32> -> vector<10000x128xf32>
    %get3A_65 = arith.constant 0 : index
    %get3A_66 = arith.constant 0 : index
    %get3A_67 = vector.load %arg11[%get3A_65, %get3A_66] : memref<1x128xf32, #tpu.memory_space<vmem>>, vector<1x128xf32>
    %add3A_68 = vector.broadcast %get3A_67 : vector<1x128xf32> to vector<10000x128xf32>
    %add3A_69 = arith.addf %dot_general3A_64, %add3A_68 : vector<10000x128xf32>
    %swap3A = arith.constant 0 : index
    %swap3A_70 = arith.constant 0 : index
    %swap3A_71 = vector.load %arg12[%swap3A, %swap3A_70] : memref<10000x128xf32, #tpu.memory_space<vmem>>, vector<10000x128xf32>
    tpu.vector_store %arg12[%swap3A, %swap3A_70], %add3A_69 {strides = array<i32>} : memref<10000x128xf32, #tpu.memory_space<vmem>>, vector<10000x128xf32>,
    return
  }
}

module attributes {stable_mosaic.version = 14 : i64} {
  func.func @_tc_e1_body(%arg0: i32, %arg1: memref<2560x128xf32, #tpu.memory_space<vmem>>, %arg2: memref<2560x128xf32, #tpu.memory_space<vmem>>, %arg3: memref<2560x128xf32, #tpu.memory_space<vmem>>, %arg4: memref<128x128xf32, #tpu.memory_space<vmem>>, %arg5: memref<128x128xf32, #tpu.memory_space<vmem>>, %arg6: memref<128x128xf32, #tpu.memory_space<vmem>>, %arg7: memref<1x128xf32, #tpu.memory_space<vmem>>, %arg8: memref<128x128xf32, #tpu.memory_space<vmem>>, %arg9: memref<1x128xf32, #tpu.memory_space<vmem>>, %arg10: memref<2560x128xf32, #tpu.memory_space<vmem>>, %arg11: memref<1x128xf32, #tpu.memory_space<vmem>>, %arg12: memref<1x128xf32, #tpu.memory_space<vmem>>) attributes {dimension_semantics = [#tpu.dimension_semantics<arbitrary>], iteration_bounds = array<i64: 125>, scalar_prefetch = 0 : i64, scratch_operands = 0 : i64, tpu.core_type = #tpu.core_type<tc>, window_params = [{transform_indices = @transform_0, window_bounds = array<i64: 2560, 128>}, {transform_indices = @transform_1, window_bounds = array<i64: 2560, 128>}, {transform_indices = @transform_2, window_bounds = array<i64: 2560, 128>}, {pipeline_mode = #tpu.pipeline_mode<synchronous>, transform_indices = @transform_3, window_bounds = array<i64: 128, 128>}, {pipeline_mode = #tpu.pipeline_mode<synchronous>, transform_indices = @transform_4, window_bounds = array<i64: 128, 128>}, {pipeline_mode = #tpu.pipeline_mode<synchronous>, transform_indices = @transform_5, window_bounds = array<i64: 128, 128>}, {pipeline_mode = #tpu.pipeline_mode<synchronous>, transform_indices = @transform_6, window_bounds = array<i64: 1, 128>}, {pipeline_mode = #tpu.pipeline_mode<synchronous>, transform_indices = @transform_7, window_bounds = array<i64: 128, 128>}, {pipeline_mode = #tpu.pipeline_mode<synchronous>, transform_indices = @transform_8, window_bounds = array<i64: 1, 128>}, {transform_indices = @transform_9, window_bounds = array<i64: 2560, 128>}, {pipeline_mode = #tpu.pipeline_mode<synchronous>, transform_indices = @transform_10, window_bounds = array<i64: 1, 128>}, {pipeline_mode = #tpu.pipeline_mode<synchronous>, transform_indices = @transform_11, window_bounds = array<i64: 1, 128>}]} {
    %get3A = arith.constant 0 : index
    %get3A_0 = arith.constant 0 : index
    %get3A_1 = vector.load %arg1[%get3A, %get3A_0] : memref<2560x128xf32, #tpu.memory_space<vmem>>, vector<2560x128xf32>
    %get3A_2 = arith.constant 0 : index
    %get3A_3 = arith.constant 0 : index
    %get3A_4 = vector.load %arg5[%get3A_2, %get3A_3] : memref<128x128xf32, #tpu.memory_space<vmem>>, vector<128x128xf32>
    %get3A_5 = arith.constant 0 : index
    %get3A_6 = arith.constant 0 : index
    %get3A_7 = vector.load %arg6[%get3A_5, %get3A_6] : memref<128x128xf32, #tpu.memory_space<vmem>>, vector<128x128xf32>
    %sub3A = arith.subf %get3A_4, %get3A_7 : vector<128x128xf32>
    %get3A_8 = arith.constant 0 : index
    %get3A_9 = arith.constant 0 : index
    %get3A_10 = vector.load %arg3[%get3A_8, %get3A_9] : memref<2560x128xf32, #tpu.memory_space<vmem>>, vector<2560x1xf32>
    %get3A_11 = arith.constant 0 : index
    %get3A_12 = arith.constant 0 : index
    %get3A_13 = vector.load %arg4[%get3A_11, %get3A_12] : memref<128x128xf32, #tpu.memory_space<vmem>>, vector<128x128xf32>
    %dot_general3A = arith.constant dense<0.000000e+00> : vector<2560x128xf32>
    %dot_general3A_14 = tpu.matmul %get3A_1, %get3A_13, %dot_general3A {dimension_numbers = #tpu.dot_dimension_numbers<[1], [0], [0], [1], [0, 0, 1, 1], [], []>, transpose_lhs_hint = false} : vector<2560x128xf32>, vector<128x128xf32>, vector<2560x128xf32> -> vector<2560x128xf32>
    %dot_general3A_15 = arith.constant dense<0.000000e+00> : vector<2560x128xf32>
    %dot_general3A_16 = tpu.matmul %get3A_1, %sub3A, %dot_general3A_15 {dimension_numbers = #tpu.dot_dimension_numbers<[1], [0], [0], [1], [0, 0, 1, 1], [], []>, transpose_lhs_hint = false} : vector<2560x128xf32>, vector<128x128xf32>, vector<2560x128xf32> -> vector<2560x128xf32>
    %mul3A = vector.broadcast %get3A_10 : vector<2560x1xf32> to vector<2560x128xf32>
    %mul3A_17 = arith.mulf %mul3A, %dot_general3A_16 : vector<2560x128xf32>
    %add3A = arith.addf %dot_general3A_14, %mul3A_17 : vector<2560x128xf32>
    %get3A_18 = arith.constant 0 : index
    %get3A_19 = arith.constant 0 : index
    %get3A_20 = vector.load %arg2[%get3A_18, %get3A_19] : memref<2560x128xf32, #tpu.memory_space<vmem>>, vector<2560x128xf32>
    %add3A_21 = arith.addf %add3A, %get3A_20 : vector<2560x128xf32>
    %get3A_22 = arith.constant 0 : index
    %get3A_23 = arith.constant 0 : index
    %get3A_24 = vector.load %arg7[%get3A_22, %get3A_23] : memref<1x128xf32, #tpu.memory_space<vmem>>, vector<1x128xf32>
    %add3A_25 = vector.broadcast %get3A_24 : vector<1x128xf32> to vector<2560x128xf32>
    %add3A_26 = arith.addf %add3A_21, %add3A_25 : vector<2560x128xf32>
    %get3A_27 = arith.constant 0 : index
    %get3A_28 = arith.constant 0 : index
    %get3A_29 = vector.load %arg8[%get3A_27, %get3A_28] : memref<128x128xf32, #tpu.memory_space<vmem>>, vector<128x128xf32>
    %dot_general3A_30 = arith.constant dense<0.000000e+00> : vector<2560x128xf32>
    %dot_general3A_31 = tpu.matmul %add3A_26, %get3A_29, %dot_general3A_30 {dimension_numbers = #tpu.dot_dimension_numbers<[1], [0], [0], [1], [0, 0, 1, 1], [], []>, transpose_lhs_hint = false} : vector<2560x128xf32>, vector<128x128xf32>, vector<2560x128xf32> -> vector<2560x128xf32>
    %get3A_32 = arith.constant 0 : index
    %get3A_33 = arith.constant 0 : index
    %get3A_34 = vector.load %arg9[%get3A_32, %get3A_33] : memref<1x128xf32, #tpu.memory_space<vmem>>, vector<1x128xf32>
    %add3A_35 = vector.broadcast %get3A_34 : vector<1x128xf32> to vector<2560x128xf32>
    %add3A_36 = arith.addf %dot_general3A_31, %add3A_35 : vector<2560x128xf32>
    %swap3A = arith.constant 0 : index
    %swap3A_37 = arith.constant 0 : index
    %swap3A_38 = vector.load %arg10[%swap3A, %swap3A_37] : memref<2560x128xf32, #tpu.memory_space<vmem>>, vector<2560x128xf32>
    tpu.vector_store %arg10[%swap3A, %swap3A_37], %add3A_36 {strides = array<i32>} : memref<2560x128xf32, #tpu.memory_space<vmem>>, vector<2560x128xf32>,
    %eq3A = arith.constant 0 : i32
    %eq3A_39 = arith.cmpi eq, %arg0, %eq3A : i32
    %convert_element_type3A = arith.extui %eq3A_39 : i1 to i32
    %cond3A = arith.constant 0 : i32
    %cond3A_40 = arith.cmpi ne, %convert_element_type3A, %cond3A : i32
    scf.if %cond3A_40 {
      %broadcast_in_dim3A_60 = arith.constant 0.000000e+00 : f32
      %broadcast_in_dim3A_61 = vector.broadcast %broadcast_in_dim3A_60 : f32 to vector<1x128xf32>
      %swap3A_62 = arith.constant 0 : index
      %swap3A_63 = arith.constant 0 : index
      %swap3A_64 = vector.load %arg11[%swap3A_62, %swap3A_63] : memref<1x128xf32, #tpu.memory_space<vmem>>, vector<1x128xf32>
      tpu.vector_store %arg11[%swap3A_62, %swap3A_63], %broadcast_in_dim3A_61 {strides = array<i32>} : memref<1x128xf32, #tpu.memory_space<vmem>>, vector<1x128xf32>,
      %broadcast_in_dim3A_65 = arith.constant 0.000000e+00 : f32
      %broadcast_in_dim3A_66 = vector.broadcast %broadcast_in_dim3A_65 : f32 to vector<1x128xf32>
      %swap3A_67 = arith.constant 0 : index
      %swap3A_68 = arith.constant 0 : index
      %swap3A_69 = vector.load %arg12[%swap3A_67, %swap3A_68] : memref<1x128xf32, #tpu.memory_space<vmem>>, vector<1x128xf32>
      tpu.vector_store %arg12[%swap3A_67, %swap3A_68], %broadcast_in_dim3A_66 {strides = array<i32>} : memref<1x128xf32, #tpu.memory_space<vmem>>, vector<1x128xf32>,
    } else {
    }
    %get3A_41 = arith.constant 0 : index
    %get3A_42 = arith.constant 0 : index
    %get3A_43 = vector.load %arg11[%get3A_41, %get3A_42] : memref<1x128xf32, #tpu.memory_space<vmem>>, vector<1x128xf32>
    %reduce_sum3A = arith.constant dense<0.000000e+00> : vector<128xf32>
    %reduce_sum3A_44 = vector.multi_reduction <add>, %add3A_36, %reduce_sum3A [0] : vector<2560x128xf32> to vector<128xf32>
    %broadcast_in_dim3A = vector.shape_cast %reduce_sum3A_44 : vector<128xf32> to vector<1x128xf32>
    %add3A_45 = arith.addf %get3A_43, %broadcast_in_dim3A : vector<1x128xf32>
    %swap3A_46 = arith.constant 0 : index
    %swap3A_47 = arith.constant 0 : index
    %swap3A_48 = vector.load %arg11[%swap3A_46, %swap3A_47] : memref<1x128xf32, #tpu.memory_space<vmem>>, vector<1x128xf32>
    tpu.vector_store %arg11[%swap3A_46, %swap3A_47], %add3A_45 {strides = array<i32>} : memref<1x128xf32, #tpu.memory_space<vmem>>, vector<1x128xf32>,
    %get3A_49 = arith.constant 0 : index
    %get3A_50 = arith.constant 0 : index
    %get3A_51 = vector.load %arg12[%get3A_49, %get3A_50] : memref<1x128xf32, #tpu.memory_space<vmem>>, vector<1x128xf32>
    %mul3A_52 = arith.mulf %add3A_36, %add3A_36 : vector<2560x128xf32>
    %reduce_sum3A_53 = arith.constant dense<0.000000e+00> : vector<128xf32>
    %reduce_sum3A_54 = vector.multi_reduction <add>, %mul3A_52, %reduce_sum3A_53 [0] : vector<2560x128xf32> to vector<128xf32>
    %broadcast_in_dim3A_55 = vector.shape_cast %reduce_sum3A_54 : vector<128xf32> to vector<1x128xf32>
    %add3A_56 = arith.addf %get3A_51, %broadcast_in_dim3A_55 : vector<1x128xf32>
    %swap3A_57 = arith.constant 0 : index
    %swap3A_58 = arith.constant 0 : index
    %swap3A_59 = vector.load %arg12[%swap3A_57, %swap3A_58] : memref<1x128xf32, #tpu.memory_space<vmem>>, vector<1x128xf32>
    tpu.vector_store %arg12[%swap3A_57, %swap3A_58], %add3A_56 {strides = array<i32>} : memref<1x128xf32, #tpu.memory_space<vmem>>, vector<1x128xf32>,
    return
  }
  func.func @transform_0(%arg0: i32) -> (i32, i32) {
    %c0_i32 = arith.constant 0 : i32
    %c0_i32_0 = arith.constant 0 : i32
    return %arg0, %c0_i32 : i32, i32
  }
  func.func @transform_1(%arg0: i32) -> (i32, i32) {
    %c0_i32 = arith.constant 0 : i32
    %c0_i32_0 = arith.constant 0 : i32
    return %arg0, %c0_i32 : i32, i32
  }
  func.func @transform_2(%arg0: i32) -> (i32, i32) {
    %c0_i32 = arith.constant 0 : i32
    %c0_i32_0 = arith.constant 0 : i32
    return %arg0, %c0_i32 : i32, i32
  }
  func.func @transform_3(%arg0: i32) -> (i32, i32) {
    %c0_i32 = arith.constant 0 : i32
    %c0_i32_0 = arith.constant 0 : i32
    %c0_i32_1 = arith.constant 0 : i32
    return %c0_i32, %c0_i32_0 : i32, i32
  }
  func.func @transform_4(%arg0: i32) -> (i32, i32) {
    %c0_i32 = arith.constant 0 : i32
    %c0_i32_0 = arith.constant 0 : i32
    %c0_i32_1 = arith.constant 0 : i32
    return %c0_i32, %c0_i32_0 : i32, i32
  }
  func.func @transform_5(%arg0: i32) -> (i32, i32) {
    %c0_i32 = arith.constant 0 : i32
    %c0_i32_0 = arith.constant 0 : i32
    %c0_i32_1 = arith.constant 0 : i32
    return %c0_i32, %c0_i32_0 : i32, i32
  }
  func.func @transform_6(%arg0: i32) -> (i32, i32) {
    %c0_i32 = arith.constant 0 : i32
    %c0_i32_0 = arith.constant 0 : i32
    %c0_i32_1 = arith.constant 0 : i32
    return %c0_i32, %c0_i32_0 : i32, i32
  }
  func.func @transform_7(%arg0: i32) -> (i32, i32) {
    %c0_i32 = arith.constant 0 : i32
    %c0_i32_0 = arith.constant 0 : i32
    %c0_i32_1 = arith.constant 0 : i32
    return %c0_i32, %c0_i32_0 : i32, i32
  }
  func.func @transform_8(%arg0: i32) -> (i32, i32) {
    %c0_i32 = arith.constant 0 : i32
    %c0_i32_0 = arith.constant 0 : i32
    %c0_i32_1 = arith.constant 0 : i32
    return %c0_i32, %c0_i32_0 : i32, i32
  }
  func.func @transform_9(%arg0: i32) -> (i32, i32) {
    %c0_i32 = arith.constant 0 : i32
    %c0_i32_0 = arith.constant 0 : i32
    return %arg0, %c0_i32 : i32, i32
  }
  func.func @transform_10(%arg0: i32) -> (i32, i32) {
    %c0_i32 = arith.constant 0 : i32
    %c0_i32_0 = arith.constant 0 : i32
    %c0_i32_1 = arith.constant 0 : i32
    return %c0_i32, %c0_i32_0 : i32, i32
  }
  func.func @transform_11(%arg0: i32) -> (i32, i32) {
    %c0_i32 = arith.constant 0 : i32
    %c0_i32_0 = arith.constant 0 : i32
    %c0_i32_1 = arith.constant 0 : i32
    return %c0_i32, %c0_i32_0 : i32, i32
  }
}

module attributes {stable_mosaic.version = 14 : i64} {
  func.func @_tc_e2_body(%arg0: i32, %arg1: memref<2560x128xf32, #tpu.memory_space<vmem>>, %arg2: memref<1x128xf32, #tpu.memory_space<vmem>>, %arg3: memref<1x128xf32, #tpu.memory_space<vmem>>, %arg4: memref<1x128xf32, #tpu.memory_space<vmem>>, %arg5: memref<1x128xf32, #tpu.memory_space<vmem>>, %arg6: memref<128x128xf32, #tpu.memory_space<vmem>>, %arg7: memref<1x128xf32, #tpu.memory_space<vmem>>, %arg8: memref<2560x128xf32, #tpu.memory_space<vmem>>) attributes {dimension_semantics = [#tpu.dimension_semantics<arbitrary>], iteration_bounds = array<i64: 125>, scalar_prefetch = 0 : i64, scratch_operands = 0 : i64, tpu.core_type = #tpu.core_type<tc>, window_params = [{transform_indices = @transform_0, window_bounds = array<i64: 2560, 128>}, {pipeline_mode = #tpu.pipeline_mode<synchronous>, transform_indices = @transform_1, window_bounds = array<i64: 1, 128>}, {pipeline_mode = #tpu.pipeline_mode<synchronous>, transform_indices = @transform_2, window_bounds = array<i64: 1, 128>}, {pipeline_mode = #tpu.pipeline_mode<synchronous>, transform_indices = @transform_3, window_bounds = array<i64: 1, 128>}, {pipeline_mode = #tpu.pipeline_mode<synchronous>, transform_indices = @transform_4, window_bounds = array<i64: 1, 128>}, {pipeline_mode = #tpu.pipeline_mode<synchronous>, transform_indices = @transform_5, window_bounds = array<i64: 128, 128>}, {pipeline_mode = #tpu.pipeline_mode<synchronous>, transform_indices = @transform_6, window_bounds = array<i64: 1, 128>}, {transform_indices = @transform_7, window_bounds = array<i64: 2560, 128>}]} {
    %get3A = arith.constant 0 : index
    %get3A_0 = arith.constant 0 : index
    %get3A_1 = vector.load %arg2[%get3A, %get3A_0] : memref<1x128xf32, #tpu.memory_space<vmem>>, vector<1x128xf32>
    %mul3A = arith.constant 3.125000e-06 : f32
    %mul3A_2 = vector.broadcast %mul3A : f32 to vector<1x128xf32>
    %mul3A_3 = arith.mulf %get3A_1, %mul3A_2 : vector<1x128xf32>
    %get3A_4 = arith.constant 0 : index
    %get3A_5 = arith.constant 0 : index
    %get3A_6 = vector.load %arg3[%get3A_4, %get3A_5] : memref<1x128xf32, #tpu.memory_space<vmem>>, vector<1x128xf32>
    %mul3A_7 = arith.constant 3.125000e-06 : f32
    %mul3A_8 = vector.broadcast %mul3A_7 : f32 to vector<1x128xf32>
    %mul3A_9 = arith.mulf %get3A_6, %mul3A_8 : vector<1x128xf32>
    %mul3A_10 = arith.mulf %mul3A_3, %mul3A_3 : vector<1x128xf32>
    %sub3A = arith.subf %mul3A_9, %mul3A_10 : vector<1x128xf32>
    %get3A_11 = arith.constant 0 : index
    %get3A_12 = arith.constant 0 : index
    %get3A_13 = vector.load %arg1[%get3A_11, %get3A_12] : memref<2560x128xf32, #tpu.memory_space<vmem>>, vector<2560x128xf32>
    %sub3A_14 = vector.broadcast %mul3A_3 : vector<1x128xf32> to vector<2560x128xf32>
    %sub3A_15 = arith.subf %get3A_13, %sub3A_14 : vector<2560x128xf32>
    %add3A = arith.constant 9.99999974E-6 : f32
    %add3A_16 = vector.broadcast %add3A : f32 to vector<1x128xf32>
    %add3A_17 = arith.addf %sub3A, %add3A_16 : vector<1x128xf32>
    %rsqrt3A = math.rsqrt %add3A_17 : vector<1x128xf32>
    %mul3A_18 = vector.broadcast %rsqrt3A : vector<1x128xf32> to vector<2560x128xf32>
    %mul3A_19 = arith.mulf %sub3A_15, %mul3A_18 : vector<2560x128xf32>
    %get3A_20 = arith.constant 0 : index
    %get3A_21 = arith.constant 0 : index
    %get3A_22 = vector.load %arg4[%get3A_20, %get3A_21] : memref<1x128xf32, #tpu.memory_space<vmem>>, vector<1x128xf32>
    %mul3A_23 = vector.broadcast %get3A_22 : vector<1x128xf32> to vector<2560x128xf32>
    %mul3A_24 = arith.mulf %mul3A_19, %mul3A_23 : vector<2560x128xf32>
    %get3A_25 = arith.constant 0 : index
    %get3A_26 = arith.constant 0 : index
    %get3A_27 = vector.load %arg5[%get3A_25, %get3A_26] : memref<1x128xf32, #tpu.memory_space<vmem>>, vector<1x128xf32>
    %add3A_28 = vector.broadcast %get3A_27 : vector<1x128xf32> to vector<2560x128xf32>
    %add3A_29 = arith.addf %mul3A_24, %add3A_28 : vector<2560x128xf32>
    %max3A = arith.constant 0.000000e+00 : f32
    %max3A_30 = vector.broadcast %max3A : f32 to vector<2560x128xf32>
    %max3A_31 = arith.maximumf %add3A_29, %max3A_30 : vector<2560x128xf32>
    %get3A_32 = arith.constant 0 : index
    %get3A_33 = arith.constant 0 : index
    %get3A_34 = vector.load %arg6[%get3A_32, %get3A_33] : memref<128x128xf32, #tpu.memory_space<vmem>>, vector<128x128xf32>
    %dot_general3A = arith.constant dense<0.000000e+00> : vector<2560x128xf32>
    %dot_general3A_35 = tpu.matmul %max3A_31, %get3A_34, %dot_general3A {dimension_numbers = #tpu.dot_dimension_numbers<[1], [0], [0], [1], [0, 0, 1, 1], [], []>, transpose_lhs_hint = false} : vector<2560x128xf32>, vector<128x128xf32>, vector<2560x128xf32> -> vector<2560x128xf32>
    %get3A_36 = arith.constant 0 : index
    %get3A_37 = arith.constant 0 : index
    %get3A_38 = vector.load %arg7[%get3A_36, %get3A_37] : memref<1x128xf32, #tpu.memory_space<vmem>>, vector<1x128xf32>
    %add3A_39 = vector.broadcast %get3A_38 : vector<1x128xf32> to vector<2560x128xf32>
    %add3A_40 = arith.addf %dot_general3A_35, %add3A_39 : vector<2560x128xf32>
    %swap3A = arith.constant 0 : index
    %swap3A_41 = arith.constant 0 : index
    %swap3A_42 = vector.load %arg8[%swap3A, %swap3A_41] : memref<2560x128xf32, #tpu.memory_space<vmem>>, vector<2560x128xf32>
    tpu.vector_store %arg8[%swap3A, %swap3A_41], %add3A_40 {strides = array<i32>} : memref<2560x128xf32, #tpu.memory_space<vmem>>, vector<2560x128xf32>,
    return
  }
  func.func @transform_0(%arg0: i32) -> (i32, i32) {
    %c0_i32 = arith.constant 0 : i32
    %c0_i32_0 = arith.constant 0 : i32
    return %arg0, %c0_i32 : i32, i32
  }
  func.func @transform_1(%arg0: i32) -> (i32, i32) {
    %c0_i32 = arith.constant 0 : i32
    %c0_i32_0 = arith.constant 0 : i32
    %c0_i32_1 = arith.constant 0 : i32
    return %c0_i32, %c0_i32_0 : i32, i32
  }
  func.func @transform_2(%arg0: i32) -> (i32, i32) {
    %c0_i32 = arith.constant 0 : i32
    %c0_i32_0 = arith.constant 0 : i32
    %c0_i32_1 = arith.constant 0 : i32
    return %c0_i32, %c0_i32_0 : i32, i32
  }
  func.func @transform_3(%arg0: i32) -> (i32, i32) {
    %c0_i32 = arith.constant 0 : i32
    %c0_i32_0 = arith.constant 0 : i32
    %c0_i32_1 = arith.constant 0 : i32
    return %c0_i32, %c0_i32_0 : i32, i32
  }
  func.func @transform_4(%arg0: i32) -> (i32, i32) {
    %c0_i32 = arith.constant 0 : i32
    %c0_i32_0 = arith.constant 0 : i32
    %c0_i32_1 = arith.constant 0 : i32
    return %c0_i32, %c0_i32_0 : i32, i32
  }
  func.func @transform_5(%arg0: i32) -> (i32, i32) {
    %c0_i32 = arith.constant 0 : i32
    %c0_i32_0 = arith.constant 0 : i32
    %c0_i32_1 = arith.constant 0 : i32
    return %c0_i32, %c0_i32_0 : i32, i32
  }
  func.func @transform_6(%arg0: i32) -> (i32, i32) {
    %c0_i32 = arith.constant 0 : i32
    %c0_i32_0 = arith.constant 0 : i32
    %c0_i32_1 = arith.constant 0 : i32
    return %c0_i32, %c0_i32_0 : i32, i32
  }
  func.func @transform_7(%arg0: i32) -> (i32, i32) {
    %c0_i32 = arith.constant 0 : i32
    %c0_i32_0 = arith.constant 0 : i32
    return %arg0, %c0_i32 : i32, i32
  }
}

module attributes {stable_mosaic.version = 14 : i64} {
  func.func @_tc_lrp_body(%arg0: i32, %arg1: memref<400x2048xf32, #tpu.memory_space<vmem>>, %arg2: memref<2048x128xf32, #tpu.memory_space<vmem>>, %arg3: memref<1x128xf32, #tpu.memory_space<vmem>>, %arg4: memref<1x1x400xi32, #tpu.memory_space<vmem>>, %arg5: memref<256x128xf32, #tpu.memory_space<vmem>>) attributes {dimension_semantics = [#tpu.dimension_semantics<arbitrary>], iteration_bounds = array<i64: 125>, scalar_prefetch = 0 : i64, scratch_operands = 0 : i64, tpu.core_type = #tpu.core_type<tc>, window_params = [{transform_indices = @transform_0, window_bounds = array<i64: 400, 2048>}, {pipeline_mode = #tpu.pipeline_mode<synchronous>, transform_indices = @transform_1, window_bounds = array<i64: 2048, 128>}, {pipeline_mode = #tpu.pipeline_mode<synchronous>, transform_indices = @transform_2, window_bounds = array<i64: 1, 128>}, {transform_indices = @transform_3, window_bounds = array<i64: 1, 1, 400>}, {pipeline_mode = #tpu.pipeline_mode<synchronous>, transform_indices = @transform_4, window_bounds = array<i64: 256, 128>}]} {
    %get3A = arith.constant 0 : index
    %get3A_0 = arith.constant 0 : index
    %get3A_1 = vector.load %arg1[%get3A, %get3A_0] : memref<400x2048xf32, #tpu.memory_space<vmem>>, vector<400x2048xf32>
    %get3A_2 = arith.constant 0 : index
    %get3A_3 = arith.constant 0 : index
    %get3A_4 = vector.load %arg2[%get3A_2, %get3A_3] : memref<2048x128xf32, #tpu.memory_space<vmem>>, vector<2048x128xf32>
    %dot_general3A = arith.constant dense<0.000000e+00> : vector<400x128xf32>
    %dot_general3A_5 = tpu.matmul %get3A_1, %get3A_4, %dot_general3A {dimension_numbers = #tpu.dot_dimension_numbers<[1], [0], [0], [1], [0, 0, 1, 1], [], []>, transpose_lhs_hint = false} : vector<400x2048xf32>, vector<2048x128xf32>, vector<400x128xf32> -> vector<400x128xf32>
    %get3A_6 = arith.constant 0 : index
    %get3A_7 = arith.constant 0 : index
    %get3A_8 = vector.load %arg3[%get3A_6, %get3A_7] : memref<1x128xf32, #tpu.memory_space<vmem>>, vector<1x128xf32>
    %add3A = vector.broadcast %get3A_8 : vector<1x128xf32> to vector<400x128xf32>
    %add3A_9 = arith.addf %dot_general3A_5, %add3A : vector<400x128xf32>
    %get3A_10 = arith.constant 0 : index
    %get3A_11 = arith.constant 0 : index
    %get3A_12 = arith.constant 0 : index
    %get3A_13 = vector.load %arg4[%get3A_10, %get3A_11, %get3A_12] : memref<1x1x400xi32, #tpu.memory_space<vmem>>, vector<1x1x400xi32>
    %get3A_14 = vector.shape_cast %get3A_13 : vector<1x1x400xi32> to vector<400xi32>
    %broadcast_in_dim3A = vector.shape_cast %get3A_14 : vector<400xi32> to vector<400x1xi32>
    %iota3A = tpu.iota {dimensions = array<i32: 1>} : vector<400x256xi32>
    %eq3A = vector.broadcast %broadcast_in_dim3A : vector<400x1xi32> to vector<400x256xi32>
    %eq3A_15 = arith.cmpi eq, %eq3A, %iota3A : vector<400x256xi32>
    %convert_element_type3A = arith.extui %eq3A_15 : vector<400x256xi1> to vector<400x256xi32>
    %convert_element_type3A_16 = arith.sitofp %convert_element_type3A : vector<400x256xi32> to vector<400x256xf32>
    %dot_general3A_17 = arith.constant dense<0.000000e+00> : vector<256x128xf32>
    %dot_general3A_18 = tpu.matmul %convert_element_type3A_16, %add3A_9, %dot_general3A_17 {dimension_numbers = #tpu.dot_dimension_numbers<[0], [0], [1], [1], [0, 1, 1, 1], [], []>, transpose_lhs_hint = false} : vector<400x256xf32>, vector<400x128xf32>, vector<256x128xf32> -> vector<256x128xf32>
    %eq3A_19 = arith.constant 0 : i32
    %eq3A_20 = arith.cmpi eq, %arg0, %eq3A_19 : i32
    %convert_element_type3A_21 = arith.extui %eq3A_20 : i1 to i32
    %cond3A = arith.constant 0 : i32
    %cond3A_22 = arith.cmpi ne, %convert_element_type3A_21, %cond3A : i32
    scf.if %cond3A_22 {
      %broadcast_in_dim3A_29 = arith.constant 0.000000e+00 : f32
      %broadcast_in_dim3A_30 = vector.broadcast %broadcast_in_dim3A_29 : f32 to vector<256x128xf32>
      %swap3A_31 = arith.constant 0 : index
      %swap3A_32 = arith.constant 0 : index
      %swap3A_33 = vector.load %arg5[%swap3A_31, %swap3A_32] : memref<256x128xf32, #tpu.memory_space<vmem>>, vector<256x128xf32>
      tpu.vector_store %arg5[%swap3A_31, %swap3A_32], %broadcast_in_dim3A_30 {strides = array<i32>} : memref<256x128xf32, #tpu.memory_space<vmem>>, vector<256x128xf32>,
    } else {
    }
    %get3A_23 = arith.constant 0 : index
    %get3A_24 = arith.constant 0 : index
    %get3A_25 = vector.load %arg5[%get3A_23, %get3A_24] : memref<256x128xf32, #tpu.memory_space<vmem>>, vector<256x128xf32>
    %add3A_26 = arith.addf %get3A_25, %dot_general3A_18 : vector<256x128xf32>
    %swap3A = arith.constant 0 : index
    %swap3A_27 = arith.constant 0 : index
    %swap3A_28 = vector.load %arg5[%swap3A, %swap3A_27] : memref<256x128xf32, #tpu.memory_space<vmem>>, vector<256x128xf32>
    tpu.vector_store %arg5[%swap3A, %swap3A_27], %add3A_26 {strides = array<i32>} : memref<256x128xf32, #tpu.memory_space<vmem>>, vector<256x128xf32>,
    return
  }
  func.func @transform_0(%arg0: i32) -> (i32, i32) {
    %c0_i32 = arith.constant 0 : i32
    %c0_i32_0 = arith.constant 0 : i32
    return %arg0, %c0_i32 : i32, i32
  }
  func.func @transform_1(%arg0: i32) -> (i32, i32) {
    %c0_i32 = arith.constant 0 : i32
    %c0_i32_0 = arith.constant 0 : i32
    %c0_i32_1 = arith.constant 0 : i32
    return %c0_i32, %c0_i32_0 : i32, i32
  }
  func.func @transform_2(%arg0: i32) -> (i32, i32) {
    %c0_i32 = arith.constant 0 : i32
    %c0_i32_0 = arith.constant 0 : i32
    %c0_i32_1 = arith.constant 0 : i32
    return %c0_i32, %c0_i32_0 : i32, i32
  }
  func.func @transform_3(%arg0: i32) -> (i32, i32, i32) {
    %c0_i32 = arith.constant 0 : i32
    %c0_i32_0 = arith.constant 0 : i32
    %c0_i32_1 = arith.constant 0 : i32
    return %arg0, %c0_i32, %c0_i32_0 : i32, i32, i32
  }
  func.func @transform_4(%arg0: i32) -> (i32, i32) {
    %c0_i32 = arith.constant 0 : i32
    %c0_i32_0 = arith.constant 0 : i32
    %c0_i32_1 = arith.constant 0 : i32
    return %c0_i32, %c0_i32_0 : i32, i32
  }
}

</mosaic_0001>

<sc_bundles>
// kernel: kernel.12.cloned.1.call-start
scs
__scs_entry_jumppad:
0x0: {  	(pc) =	sbr.rel $0x88, $3  }
0x1: {  	(tag) =	ssettag $0x0;
	lr =	simm.s32 $0x1  }
0x2: {  	[smem:$0x3F86] =	sst lr;
	_ =	strace $0xD0000000  }
0x3: {  	_ = 	snop  }
0x4: {  	_ = 	snop  }
0x5: {  	_ = 	snop  }
0x6: {  	_ = 	snop  }
0x7: {  	_ = 	snop  }
__scs_overlays_trampoline_lowered:
0x8: {  	[smem:$0x3F95] =	sst s0  }
0x9: {  	[smem:$0x3F96] =	sst s1  }
0xa: {  	[smem:$0x3F97] =	sst s2  }
0xb: {  	[smem:$0x3F98] =	sst s3  }
0xc: {  	[smem:$0x3F99] =	sst s4  }
0xd: {  	[smem:$0x3F9A] =	sst s5  }
0xe: {  	[smem:$0x3F9B] =	sst s6  }
0xf: {  	[smem:$0x3F9C] =	sst s7  }
0x10: {  	[smem:$0x3F9D] =	sst s8  }
0x11: {  	[smem:$0x3F9E] =	sst s9;
	s0 =	simm.s32 @!p0 $0x0  }
0x12: {  	s1 =	sld [smem:$0x3F84];
	s0 =	simm.s32 @p0 $0x1  }
0x13: {  	[smem:$0x3F9F] =	sst s0;
	s0 =	simm.s32 @!p1 $0x0  }
0x14: {  	s2 =	sld [smem:$0x3F83];
	s0 =	simm.s32 @p1 $0x1  }
0x15: {  	[smem:$0x3FA0] =	sst s0;
	s0 =	simm.s32 @!p2 $0x0  }
0x16: {  	s3 =	sld [smem:$0x3FDB];
	s0 =	simm.s32 @p2 $0x1  }
0x17: {  	s4 =	simm.s32 $0x1BF5;
	[smem:$0x3FA2] =	sst s0  }
0x18: {  	s0 =	sld [smem:$0x3F85];
	_ =	swait.ge [sflag:s4], $0x0  }
0x19: {  	s7 =	sld [smem:$0x3F86]  }
0x1a: {  	s8 =	sadd.s32 $0xFFFFE003, lr  }
0x1b: {  	s9 =	sadd.s32 $0xFFFFFEF7, lr;
	s5 =	simm.s32 $0xFFFFFFFF;
	p2 =	slt.u32 s8, $0xFFFFF086  }
0x1c: {  	p1 =	slt.u32 s9, $0xF7A;
	s5 =	simm.s32 @!p2 $0x0  }
0x1d: {  	s5 =	simm.s32 @p1 $0x1;
	p0 =	seq.s32 s7, s2  }
0x1e: {  	s7 =	smul.u32 @!p0 $0xF7A, s2;
	p2 =	seq.s32 @!p0 s5, $0x0  }
0x1f: {  	s9 =	smul.u32 $0xF7A, s1;
	s8 =	simm.s32 @!p0 $0x1BF5;
	p2 =	por !p2, p0  }
0x20: {  	[sflag:s8] =	ssyncset.s32 @!p0 $0xFFFFF086;
	s6 =	sadd.s32 @!p0 s3, s7;
	s7 =	simm.s32 @!p0 $0x108  }
0x21: {  	s3 =	sadd.s32 s3, s9;
	s6 =	sadd.s32 @!p0 $0x88, s6;
	s7 =	simm.s32 @p2 $0x1082  }
0x22: {  	[simem:s7], [sflag:s8] =	dma.local @!p0 [hbm:s6], $0xF7A  }
0x23: {  	s9 =	sor.u32 $0xD0000000, s2;
	s6 =	simm.s32 $0x108;
	_ =	swait.ge @!p0 [sflag:s8], $0x0  }
0x24: {  	s3 =	sadd.s32 $0x88, s3;
	s6 =	simm.s32 @!p1 $0x1082;
	[sflag:s4] =	ssyncset.s32 $0xFFFFF086  }
0x25: {  	[simem:s6], [sflag:s4] =	dma.local [hbm:s3], $0xF7A  }
0x26: {  	[smem:$0x3F86] =	sst s1;
	(tag) =	ssettag s2;
	_ =	strace s9  }
0x27: {  	s1 =	sld [smem:$0x3F96]  }
0x28: {  	s2 =	sld [smem:$0x3F97]  }
0x29: {  	s4 =	sld [smem:$0x3F99]  }
0x2a: {  	p0 =	seq.s32 s5, $0x0;
	s5 =	sld [smem:$0x3F9A]  }
0x2b: {  	s6 =	sld [smem:$0x3F9B]  }
0x2c: {  	s7 =	sld [smem:$0x3F9C]  }
0x2d: {  	s3 =	simm.s32 $0x108;
	s8 =	sld [smem:$0x3F9D]  }
0x2e: {  	s3 =	simm.s32 @!p0 $0x1082;
	s9 =	sld [smem:$0x3F9E]  }
0x2f: {  	lr =	sadd.s32 s0, s3;
	s0 =	sld [smem:$0x3F95]  }
0x30: {  	s3 =	sld [smem:$0x3F98]  }
0x31: {  	[smem:$0x3FA1] =	sst s10  }
0x32: {  	s10 =	sld [smem:$0x3F9F];
	_ =	sdelay $0x3  }
0x33: {  	p0 =	seq.s32 s10, $0x1;
	s10 =	sld [smem:$0x3FA1];
	_ =	sdelay $0x3  }
0x34: {  	[smem:$0x3FA1] =	sst s10  }
0x35: {  	s10 =	sld [smem:$0x3FA0];
	_ =	sdelay $0x3  }
0x36: {  	p1 =	seq.s32 s10, $0x1;
	s10 =	sld [smem:$0x3FA1];
	_ =	sdelay $0x3  }
0x37: {  	[smem:$0x3FA1] =	sst s10  }
0x38: {  	s10 =	sld [smem:$0x3FA2]  }
0x39: {  	_ = 	snop;
	(pc) =	sbr.ind lr, $3  }
0x3a: {  	_ = 	snop  }
0x3b: {  	_ = 	snop  }
0x3c: {  	p2 =	seq.s32 s10, $0x1;
	s10 =	sld [smem:$0x3FA1]  }
0x3d: {  	_ =	shalt  }
0x3e: {  	_ =	shalt  }
0x3f: {  	_ =	shalt  }
0x40: {  	_ =	shalt  }
0x41: {  	_ =	shalt  }
0x42: {  	_ =	shalt  }
0x43: {  	_ =	shalt  }
0x44: {  	_ =	shalt  }
0x45: {  	_ =	shalt  }
0x46: {  	_ =	shalt  }
0x47: {  	_ =	shalt  }
0x48: {  	_ =	shalt  }
0x49: {  	_ =	shalt  }
0x4a: {  	_ =	shalt  }
0x4b: {  	_ =	shalt  }
0x4c: {  	_ =	shalt  }
0x4d: {  	_ =	shalt  }
0x4e: {  	_ =	shalt  }
0x4f: {  	_ =	shalt  }
0x50: {  	_ =	shalt  }
0x51: {  	_ =	shalt  }
0x52: {  	_ =	shalt  }
0x53: {  	_ =	shalt  }
0x54: {  	_ =	shalt  }
0x55: {  	_ =	shalt  }
0x56: {  	_ =	shalt  }
0x57: {  	_ =	shalt  }
0x58: {  	_ =	shalt  }
0x59: {  	_ =	shalt  }
0x5a: {  	_ =	shalt  }
0x5b: {  	_ =	shalt  }
0x5c: {  	_ =	shalt  }
0x5d: {  	_ =	shalt  }
0x5e: {  	_ =	shalt  }
0x5f: {  	_ =	shalt  }
0x60: {  	_ =	shalt  }
0x61: {  	_ =	shalt  }
0x62: {  	_ =	shalt  }
0x63: {  	_ =	shalt  }
0x64: {  	_ =	shalt  }
0x65: {  	_ =	shalt  }
0x66: {  	_ =	shalt  }
0x67: {  	_ =	shalt  }
0x68: {  	_ =	shalt  }
0x69: {  	_ =	shalt  }
0x6a: {  	_ =	shalt  }
0x6b: {  	_ =	shalt  }
0x6c: {  	_ =	shalt  }
0x6d: {  	_ =	shalt  }
0x6e: {  	_ =	shalt  }
0x6f: {  	_ =	shalt  }
0x70: {  	_ =	shalt  }
0x71: {  	_ =	shalt  }
0x72: {  	_ =	shalt  }
0x73: {  	_ =	shalt  }
0x74: {  	_ =	shalt  }
0x75: {  	_ =	shalt  }
0x76: {  	_ =	shalt  }
0x77: {  	_ =	shalt  }
0x78: {  	_ =	shalt  }
0x79: {  	_ =	shalt  }
0x7a: {  	_ =	shalt  }
0x7b: {  	_ =	shalt  }
0x7c: {  	_ =	shalt  }
0x7d: {  	_ =	shalt  }
0x7e: {  	_ =	shalt  }
0x7f: {  	_ =	shalt  }
0x80: {  	_ =	shalt  }
0x81: {  	_ =	shalt  }
0x82: {  	_ =	shalt  }
0x83: {  	_ =	shalt  }
0x84: {  	_ =	shalt  }
0x85: {  	_ =	shalt  }
0x86: {  	_ =	shalt  }
0x87: {  	_ =	shalt  }
.Lfunc_end0:
.L_simem_size_0:
called_computation.5_lowered:
.L_overlay_start_0:
0x88: {  	s2 =	sld [smem:$0x3FD9]  }
0x89: {  	s3 =	sld [smem:$0x3FFE];
	_ =	sdelay $0x1  }
0x8a: {  	s1 =	srdreg.scid  }
0x8b: {  	s0 =	sand.u32 $0x1, s1  }
0x8c: {  	s14 =	sshll.u32 s0, $0xA;
	s2 =	sadd.s32 s3, s2  }
0x8d: {  	s2 =	sadd.s32 s2, s14  }
0x8e: {  	[smem:$0x3FAD] =	sst s2  }
0x8f: {  	_ = 	snop  }
0x90: {  	s2 =	sld [smem:$0x3FD0];
	_ =	sdelay $0x1  }
0x91: {  	s15 =	sld [smem:$0x3FB1]  }
0x92: {  	s5 =	simm.s32 $0xD;
	s6 =	simm.s32 $0x10;
	s4 =	sld [smem:$0x3FB0]  }
0x93: {  	[smem:s6], [sflag:s5] =	dma.local [hbm:s2], $0x1  }
0x94: {  	_ =	swait.eq [sflag:s5], $0x1  }
0x95: {  	[sflag:s5] =	ssyncset.done $0x0  }
0x96: {  	[sflag:s5] =	ssyncadd.s32 $0xFFFFFFFF  }
0x97: {  	s16 =	sld [smem:$0x11];
	(tm) =	ssettm $0x1  }
0x98: {  	s17 =	sld [smem:$0x3FFB];
	_ =	sdelay $0x3  }
0x99: {  	_ =	strace s17  }
0x9a: {  	s5 =	sld [smem:$0x3FFC];
	_ =	sdelay $0x3  }
0x9b: {  	_ =	strace s5  }
0x9c: {  	s5 =	sld [smem:$0x3FFD];
	_ =	sdelay $0x3  }
0x9d: {  	_ =	strace s5  }
0x9e: {  	_ =	strace $0x8FFFFFFF  }
0x9f: {  	s18 =	sld [smem:$0x3FDB];
	_ =	sdelay $0x1  }
0xa0: {  	s19 =	simm.s32 $_scs_section_size  }
0xa1: {  	s7 =	simm.s32 $_size__tile_overlayer_lowered;
	s8 =	simm.s32 $_tile_overlayer_lowered  }
0xa2: {  	s22 =	simm.s32 $0x1BFF;
	s21 =	sshll.u32 s8, $0x1;
	s5 =	sadd.s32 s19, s18  }
0xa3: {  	s9 =	simm.s32 $0x0;
	s20 =	sshll.u32 s7, $0x1;
	s7 =	sadd.s32 s21, s5  }
0xa4: {  	[timem:s9], [sflag:s22] =	dma.local [hbm:s7], s20  }
0xa5: {  	_ =	swait.ge [sflag:s22], s20  }
0xa6: {  	s6 =	ssub.s32 $0x0, s20;
	[sflag:s22] =	ssyncset.done $0x0  }
0xa7: {  	[sflag:s22] =	ssyncadd.s32 s6;
	_ =	sdelay $0x1  }
0xa8: {  	s23 =	simm.s32 $0x1B8B  }
0xa9: {  	_ =	swait.ge [sflag:s23], $0x1  }
0xaa: {  	[sflag:s23] =	ssyncset.done $0x0  }
0xab: {  	s25 =	simm.s32 $0x1B8E;
	s24 =	sld [smem:$0x3FFE];
	[sflag:s23] =	ssyncadd.s32 $0xFFFFFFFF  }
0xac: {  	s26 =	simm.s32 $execute0_lowered;
	[smem:$0x3FD2] =	sst s25  }
0xad: {  	s7 =	sshll.u32 s26, $0x1;
	_ =	strace $0x80000055;
	[dreg:$0x1] =	wrdreg $0xFFFFFFFF  }
0xae: {  	s28 =	simm.s32 $_size_execute0_lowered;
	s5 =	sadd.s32 s5, s7;
	[dreg:$0x0] =	wrdreg $0x0  }
0xaf: {  	s7 =	sshll.u32 s28, $0x1;
	[dreg:$0x2] =	wrdreg s5  }
0xb0: {  	[dreg:$0x3] =	wrdreg s7  }
0xb1: {  	[dreg:$0x4] =	wrdreg $0xC0  }
0xb2: {  	_ =	task [dreg:s9], $0x5FFFF  }
0xb3: {  	[dreg:$0x1] =	wrdreg $0xFFFFFFFF  }
0xb4: {  	[dreg:$0x0] =	wrdreg $0x60  }
0xb5: {  	[dreg:$0x2] =	wrdreg s24  }
0xb6: {  	[dreg:$0x3] =	wrdreg s16  }
0xb7: {  	[dreg:$0x4] =	wrdreg s15  }
0xb8: {  	[dreg:$0x5] =	wrdreg s4  }
0xb9: {  	[dreg:$0x6] =	wrdreg $0x9  }
0xba: {  	_ =	task.clear_ibuf [dreg:s9], $0x7FFFF;
	_ =	strace $0x90000055  }
0xbb: {  	s29 =	simm.s32 $0x9;
	_ =	strace $0x80000057  }
0xbc: {  	_ =	swait.ge [sflag:s29], $0x1  }
0xbd: {  	[sflag:s29] =	ssyncadd.s32 $0xFFFFFFFF  }
0xbe: {  	_ =	strace $0x90000057  }
0xbf: {  	_ =	sfence  }
0xc0: {  	s30 =	sld [smem:$0x0];
	_ =	sdelay $0x2  }
0xc1: {  	s31 =	sshll.u32 s1, $0xD;
	s1 =	sshrl.u32 s1, $0x2  }
0xc2: {  	s3 =	sand.u32 $0x4000, s31;
	s1 =	sadd.s32 s1, s30  }
0xc3: {  	s0 =	sor.u32 s3, s0;
	s1 =	sshll.u32 s1, $0x11  }
0xc4: {  	s0 =	sor.u32 s1, s0  }
0xc5: {  	s0 =	sadd.s32 $0x8F2B, s0  }
0xc6: {  	[sflag:s0] =	ssyncadd.remote.s32 $0x1  }
0xc7: {  	_ =	sfence.sel $0xFFFF  }
0xc8: {  	[dreg:$0x0] =	wrdreg $0xFFFFFFFF;
	(pc) =	sbr.abs _section_cstart, $3  }
0xc9: {  	[dreg:$0x1] =	wrdreg $0xFFFFFFFF  }
0xca: {  	_ =	task.clear_ibuf [dreg:s9], $0x2FFFF;
	_ =	strace $0x9FFFFFFF  }
0xcb: {  	(tm) =	ssettm $0x7FFFFFFF  }
tec
execute0_lowered:
.L_overlay_start_1:
0x0: {  	(tag) =	ssettag $0x1  }
0x1: {  	s7 =	rddreg [dreg:$0x0]  }
0x2: {  	s1 =	rddreg [dreg:$0x1]  }
0x3: {  	s2 =	rddreg [dreg:$0x2]  }
0x4: {  	s3 =	rddreg [dreg:$0x3]  }
0x5: {  	s0 =	rddreg [dreg:$0x4];
	s5 =	simm.s32 $0x0;
	s6 =	srdreg.scid  }
0x6: {  	s4 =	stileid.u32;
	s12 =	simm.s32 $0x2;
	s13 =	simm.s32 $0xC8  }
0x7: {  	s14 =	simm.s32 $0x200;
	s15 =	simm.s32 $0x6600;
	s16 =	simm.s32 $0x3  }
0x8: {  	s17 =	simm.s32 $0x0;
	[smem:$0x7FF] =	sst s5;
	s8 =	sand.u32 $0x1, s6  }
0x9: {  	s10 =	sshll.u32 s4, $0x1;
	s6 =	sadd.s32 $0x19C00, s7;
	s9 =	ssub.s32 $0x2, s8  }
0xa: {  	s7 =	sadd.s32 $0x40E00, s7;
	_ =	strace $0x80000056;
	s11 =	sshrl.u32 s9, $0x1  }
0xb: {  	s8 =	sor.u32 s8, s10;
	s10 =	simm.s32 $0x100;
	s9 =	ssub.s32 s9, s11  }
0xc: {  	s8 =	smul.u32 $0x61A8, s8;
	s11 =	simm.s32 $0x1;
	s9 =	smax.u32 s9, $0x1  }
.LBB2_1:
0xd: {  	s18 =	simm.s32 $0x0  }
.LBB2_2:
0xe: {  	s19 =	smul.u32 $0xC8, s18;
	_ =	sdelay $0x1  }
0xf: {  	s19 =	sadd.s32 s8, s19  }
0x10: {  	s20 =	sshrl.u32 s19, $0x3  }
0x11: {  	s22 =	simm.s32 $0x0;
	s21 =	sadd.s32 s2, s20  }
0x12: {  	[tilespmem:s22], [sflag:$0x1] =	stream.linear.gather [hbm4b:s21+s22], $0xC8, $0x38;
	[tilespmem:$0xCA00] =	vst v63  }
0x13: {  	s20 =	sadd.s32 s3, s20  }
0x14: {  	[tilespmem:s10], [sflag:$0x2] =	stream.linear.gather [hbm4b:s20+s22], $0xC8, $0x38;
	[tilespmem:$0xCA00] =	vst v63  }
0x15: {  	_ =	swait.ge [sflag:s11], $0xC8  }
0x16: {  	[sflag:s11] =	ssyncset.done $0x0  }
0x17: {  	[sflag:s11] =	ssyncadd.s32 $0xFFFFFF38  }
0x18: {  	_ =	swait.ge [sflag:s12], $0xC8  }
0x19: {  	[sflag:s12] =	ssyncset.done $0x0  }
0x1a: {  	[sflag:s12] =	ssyncadd.s32 $0xFFFFFF38  }
0x1b: {  	[tilespmem:s14], [sflag:$0x1] =	stream.indirect.gather [hbm4b:s6+s13], $0x80, s22, s13, $0xb8;
	[tilespmem:$0xCA00] =	vst v63  }
0x1c: {  	_ = 	snop  }
0x1d: {  	[tilespmem:s15], [sflag:$0x2] =	stream.indirect.gather [hbm4b:s1+s13], $0x80, s10, s13, $0xb8;
	[tilespmem:$0xCA00] =	vst v63  }
0x1e: {  	_ =	swait.ge [sflag:s11], $0x6400  }
0x1f: {  	[sflag:s11] =	ssyncset.done $0x0  }
0x20: {  	[sflag:s11] =	ssyncadd.s32 $0xFFFF9C00  }
0x21: {  	_ =	swait.ge [sflag:s12], $0x6400  }
0x22: {  	[sflag:s12] =	ssyncset.done $0x0  }
0x23: {  	s20 =	simm.s32 $0x0;
	[sflag:s12] =	ssyncadd.s32 $0xFFFF9C00  }
0x24: {  	v7 =	vld [tilespmem:s20+$0x6600]  }
0x25: {  	v11 =	vld [tilespmem:s20+$0x6610]  }
0x26: {  	v5 =	vld [tilespmem:s20+$0x6620]  }
0x27: {  	v4 =	vld [tilespmem:s20+$0x6630]  }
0x28: {  	v3 =	vld [tilespmem:s20+$0x6640]  }
0x29: {  	v2 =	vld [tilespmem:s20+$0x6650]  }
0x2a: {  	v1 =	vld [tilespmem:s20+$0x6660]  }
0x2b: {  	v0 =	vld [tilespmem:s20+$0x6670]  }
0x2c: {  	v12 =	vld [tilespmem:s20+$0x200]  }
0x2d: {  	v13 =	vld [tilespmem:s20+$0x210]  }
0x2e: {  	v10 =	vld [tilespmem:s20+$0x220]  }
0x2f: {  	v9 =	vld [tilespmem:s20+$0x230]  }
0x30: {  	v8 =	vld [tilespmem:s20+$0x240]  }
0x31: {  	v6 =	vld [tilespmem:s20+$0x250];
	v12 =	vadd.f32 v7, v12  }
0x32: {  	s21 =	simm.s32 $0x200;
	v11 =	vadd.f32 v11, v13;
	v7 =	vld [tilespmem:s20+$0x260]  }
.LBB2_3:
0x33: {  	s22 =	sshra.s32 s21, $0x2;
	p0 =	sne.s32 s21, $0x18E00;
	[tilespmem:s20+$0x200] =	vst v12;
	v5 =	vadd.f32 v5, v10;
	v10 =	vld [tilespmem:s20+$0x270]  }
0x34: {  	v12 =	vld [tilespmem:s22+$0x6600];
	[tilespmem:s20+$0x210] =	vst v11;
	v4 =	vadd.f32 v4, v9  }
0x35: {  	v11 =	vld [tilespmem:s22+$0x6610];
	[tilespmem:s20+$0x220] =	vst v5;
	v3 =	vadd.f32 v3, v8  }
0x36: {  	v5 =	vld [tilespmem:s22+$0x6620];
	[tilespmem:s20+$0x230] =	vst v4;
	v2 =	vadd.f32 v2, v6  }
0x37: {  	v4 =	vld [tilespmem:s22+$0x6630];
	[tilespmem:s20+$0x240] =	vst v3;
	v1 =	vadd.f32 v1, v7  }
0x38: {  	v3 =	vld [tilespmem:s22+$0x6640];
	[tilespmem:s20+$0x250] =	vst v2;
	v0 =	vadd.f32 v0, v10  }
0x39: {  	v2 =	vld [tilespmem:s22+$0x6650];
	[tilespmem:s20+$0x260] =	vst v1  }
0x3a: {  	v1 =	vld [tilespmem:s22+$0x6660];
	[tilespmem:s20+$0x270] =	vst v0;
	s20 =	smov.u32 s22  }
0x3b: {  	v0 =	vld [tilespmem:s20+$0x6670]  }
0x3c: {  	v6 =	vld [tilespmem:s20+$0x200]  }
0x3d: {  	v7 =	vld [tilespmem:s20+$0x210]  }
.Ltmp0:
0x3e: {  	v10 =	vld [tilespmem:s20+$0x220];
	(pc) =	sbr.rel @p0 .LBB2_3-.Ltmp0, $4  }
0x3f: {  	v9 =	vld [tilespmem:s20+$0x230]  }
0x40: {  	v8 =	vld [tilespmem:s20+$0x240]  }
0x41: {  	v12 =	vadd.f32 v12, v6;
	v6 =	vld [tilespmem:s20+$0x250]  }
0x42: {  	s21 =	sadd.s32 $0x200, s21;
	v11 =	vadd.f32 v11, v7;
	v7 =	vld [tilespmem:s20+$0x260]  }
0x43: {  	[tilespmem:s20+$0x200] =	vst v12;
	v5 =	vadd.f32 v5, v10;
	v63 =	vld [tilespmem:s20+$0x270]  }
0x44: {  	[tilespmem:s20+$0x210] =	vst v11;
	v4 =	vadd.f32 v4, v9  }
0x45: {  	[tilespmem:s20+$0x220] =	vst v5;
	v3 =	vadd.f32 v3, v8  }
0x46: {  	[tilespmem:s20+$0x230] =	vst v4;
	v2 =	vadd.f32 v2, v6  }
0x47: {  	[tilespmem:s20+$0x240] =	vst v3;
	v1 =	vadd.f32 v1, v7  }
0x48: {  	s18 =	sadd.s32 $0x1, s18;
	[tilespmem:s20+$0x250] =	vst v2;
	v0 =	vadd.f32 v0, v63  }
0x49: {  	s19 =	sshll.u32 s19, $0x4;
	p0 =	sne.s32 s18, $0x7D;
	[tilespmem:s20+$0x260] =	vst v1  }
.Ltmp1:
0x4a: {  	s19 =	sadd.s32 s7, s19;
	[tilespmem:s20+$0x270] =	vst v0;
	(pc) =	sbr.rel @p0 .LBB2_2-.Ltmp1, $4  }
0x4b: {  	[hbm4b:s19+s5] =	stream.linear.scatter [tilespmem:s14], [sflag:$0x3], $0x6400, $0x38;
	[tilespmem:$0xCA00] =	vst v63  }
0x4c: {  	_ =	swait.ge [sflag:s16], $0x6400  }
0x4d: {  	[sflag:s16] =	ssyncset.done $0x0  }
0x4e: {  	[sflag:s16] =	ssyncadd.s32 $0xFFFF9C00  }
0x4f: {  	s17 =	sadd.s32 $0x1, s17  }
0x50: {  	p0 =	sne.s32 s17, s9  }
.Ltmp2:
0x51: {  	_ = 	snop;
	(pc) =	sbr.rel @p0 .LBB2_1-.Ltmp2, $1  }
0x52: {  	_ =	sdelay $0x3  }
0x53: {  	_ =	sfence.sel $0x180000  }
0x54: {  	[bflag:$0x0] =	sbarrier.arrive $0xFFFF  }
0x55: {  	p0 =	sne.s32 s4, $0x0;
	_ =	strace $0x90000056  }
0x56: {  	s0 =	sadd.s32 @!p0 $0x100000, s0;
	[bflag:$0x2] =	sbarrier.arrive $0xFFFF  }
0x57: {  	[sflag:s0] =	ssyncadd.tile.s32 @!p0 $0x1;
	_ =	shalt  }
.Lfunc_end2:
_tile_overlayer_lowered:
.L_overlay_start_2:
0x58: {  	(tag) =	ssettag $0x2  }
0x59: {  	s0 =	rddreg [dreg:$0x0];
	s2 =	stileid.u32  }
0x5a: {  	s1 =	rddreg [dreg:$0x1];
	p0 =	sne.s32 s2, $0x0  }
0x5b: {  	s3 =	rddreg [dreg:$0x2];
	[bflag:$0x3] =	sbarrier.arrive $0xFFFF;
	s2 =	simm.s32 @!p0 $0x1C03  }
0x5c: {  	[timem:s3], [sflag:s2] =	dma.local @!p0 [hbm:s0], s1  }
0x5d: {  	s0 =	simm.s32 @!p0 $0x3  }
0x5e: {  	_ =	swait.ge @!p0 [sflag:s0], s1  }
0x5f: {  	s1 =	ssub.s32 @!p0 $0x0, s1;
	[sflag:s0] =	ssyncset.done @!p0 $0x0  }
0x60: {  	[sflag:s0] =	ssyncadd.s32 @!p0 s1  }
0x61: {  	[bflag:$0x3] =	sbarrier.arrive $0xFFFF  }
0x62: {  	_ =	shalt  }

// kernel: kernel.9.cloned.1.call-start
scs
__scs_entry_jumppad:
0x0: {  	(pc) =	sbr.rel $0x88, $3  }
0x1: {  	(tag) =	ssettag $0x0;
	lr =	simm.s32 $0x1  }
0x2: {  	[smem:$0x3F86] =	sst lr;
	_ =	strace $0xD0000000  }
0x3: {  	_ = 	snop  }
0x4: {  	_ = 	snop  }
0x5: {  	_ = 	snop  }
0x6: {  	_ = 	snop  }
0x7: {  	_ = 	snop  }
__scs_overlays_trampoline_lowered:
0x8: {  	[smem:$0x3F95] =	sst s0  }
0x9: {  	[smem:$0x3F96] =	sst s1  }
0xa: {  	[smem:$0x3F97] =	sst s2  }
0xb: {  	[smem:$0x3F98] =	sst s3  }
0xc: {  	[smem:$0x3F99] =	sst s4  }
0xd: {  	[smem:$0x3F9A] =	sst s5  }
0xe: {  	[smem:$0x3F9B] =	sst s6  }
0xf: {  	[smem:$0x3F9C] =	sst s7  }
0x10: {  	[smem:$0x3F9D] =	sst s8  }
0x11: {  	[smem:$0x3F9E] =	sst s9;
	s0 =	simm.s32 @!p0 $0x0  }
0x12: {  	s1 =	sld [smem:$0x3F84];
	s0 =	simm.s32 @p0 $0x1  }
0x13: {  	[smem:$0x3F9F] =	sst s0;
	s0 =	simm.s32 @!p1 $0x0  }
0x14: {  	s2 =	sld [smem:$0x3F83];
	s0 =	simm.s32 @p1 $0x1  }
0x15: {  	[smem:$0x3FA0] =	sst s0;
	s0 =	simm.s32 @!p2 $0x0  }
0x16: {  	s3 =	sld [smem:$0x3FDB];
	s0 =	simm.s32 @p2 $0x1  }
0x17: {  	s4 =	simm.s32 $0x1BF5;
	[smem:$0x3FA2] =	sst s0  }
0x18: {  	s0 =	sld [smem:$0x3F85];
	_ =	swait.ge [sflag:s4], $0x0  }
0x19: {  	s7 =	sld [smem:$0x3F86]  }
0x1a: {  	s8 =	sadd.s32 $0xFFFFE003, lr  }
0x1b: {  	s9 =	sadd.s32 $0xFFFFFEF7, lr;
	s5 =	simm.s32 $0xFFFFFFFF;
	p2 =	slt.u32 s8, $0xFFFFF086  }
0x1c: {  	p1 =	slt.u32 s9, $0xF7A;
	s5 =	simm.s32 @!p2 $0x0  }
0x1d: {  	s5 =	simm.s32 @p1 $0x1;
	p0 =	seq.s32 s7, s2  }
0x1e: {  	s7 =	smul.u32 @!p0 $0xF7A, s2;
	p2 =	seq.s32 @!p0 s5, $0x0  }
0x1f: {  	s9 =	smul.u32 $0xF7A, s1;
	s8 =	simm.s32 @!p0 $0x1BF5;
	p2 =	por !p2, p0  }
0x20: {  	[sflag:s8] =	ssyncset.s32 @!p0 $0xFFFFF086;
	s6 =	sadd.s32 @!p0 s3, s7;
	s7 =	simm.s32 @!p0 $0x108  }
0x21: {  	s3 =	sadd.s32 s3, s9;
	s6 =	sadd.s32 @!p0 $0x88, s6;
	s7 =	simm.s32 @p2 $0x1082  }
0x22: {  	[simem:s7], [sflag:s8] =	dma.local @!p0 [hbm:s6], $0xF7A  }
0x23: {  	s9 =	sor.u32 $0xD0000000, s2;
	s6 =	simm.s32 $0x108;
	_ =	swait.ge @!p0 [sflag:s8], $0x0  }
0x24: {  	s3 =	sadd.s32 $0x88, s3;
	s6 =	simm.s32 @!p1 $0x1082;
	[sflag:s4] =	ssyncset.s32 $0xFFFFF086  }
0x25: {  	[simem:s6], [sflag:s4] =	dma.local [hbm:s3], $0xF7A  }
0x26: {  	[smem:$0x3F86] =	sst s1;
	(tag) =	ssettag s2;
	_ =	strace s9  }
0x27: {  	s1 =	sld [smem:$0x3F96]  }
0x28: {  	s2 =	sld [smem:$0x3F97]  }
0x29: {  	s4 =	sld [smem:$0x3F99]  }
0x2a: {  	p0 =	seq.s32 s5, $0x0;
	s5 =	sld [smem:$0x3F9A]  }
0x2b: {  	s6 =	sld [smem:$0x3F9B]  }
0x2c: {  	s7 =	sld [smem:$0x3F9C]  }
0x2d: {  	s3 =	simm.s32 $0x108;
	s8 =	sld [smem:$0x3F9D]  }
0x2e: {  	s3 =	simm.s32 @!p0 $0x1082;
	s9 =	sld [smem:$0x3F9E]  }
0x2f: {  	lr =	sadd.s32 s0, s3;
	s0 =	sld [smem:$0x3F95]  }
0x30: {  	s3 =	sld [smem:$0x3F98]  }
0x31: {  	[smem:$0x3FA1] =	sst s10  }
0x32: {  	s10 =	sld [smem:$0x3F9F];
	_ =	sdelay $0x3  }
0x33: {  	p0 =	seq.s32 s10, $0x1;
	s10 =	sld [smem:$0x3FA1];
	_ =	sdelay $0x3  }
0x34: {  	[smem:$0x3FA1] =	sst s10  }
0x35: {  	s10 =	sld [smem:$0x3FA0];
	_ =	sdelay $0x3  }
0x36: {  	p1 =	seq.s32 s10, $0x1;
	s10 =	sld [smem:$0x3FA1];
	_ =	sdelay $0x3  }
0x37: {  	[smem:$0x3FA1] =	sst s10  }
0x38: {  	s10 =	sld [smem:$0x3FA2]  }
0x39: {  	_ = 	snop;
	(pc) =	sbr.ind lr, $3  }
0x3a: {  	_ = 	snop  }
0x3b: {  	_ = 	snop  }
0x3c: {  	p2 =	seq.s32 s10, $0x1;
	s10 =	sld [smem:$0x3FA1]  }
0x3d: {  	_ =	shalt  }
0x3e: {  	_ =	shalt  }
0x3f: {  	_ =	shalt  }
0x40: {  	_ =	shalt  }
0x41: {  	_ =	shalt  }
0x42: {  	_ =	shalt  }
0x43: {  	_ =	shalt  }
0x44: {  	_ =	shalt  }
0x45: {  	_ =	shalt  }
0x46: {  	_ =	shalt  }
0x47: {  	_ =	shalt  }
0x48: {  	_ =	shalt  }
0x49: {  	_ =	shalt  }
0x4a: {  	_ =	shalt  }
0x4b: {  	_ =	shalt  }
0x4c: {  	_ =	shalt  }
0x4d: {  	_ =	shalt  }
0x4e: {  	_ =	shalt  }
0x4f: {  	_ =	shalt  }
0x50: {  	_ =	shalt  }
0x51: {  	_ =	shalt  }
0x52: {  	_ =	shalt  }
0x53: {  	_ =	shalt  }
0x54: {  	_ =	shalt  }
0x55: {  	_ =	shalt  }
0x56: {  	_ =	shalt  }
0x57: {  	_ =	shalt  }
0x58: {  	_ =	shalt  }
0x59: {  	_ =	shalt  }
0x5a: {  	_ =	shalt  }
0x5b: {  	_ =	shalt  }
0x5c: {  	_ =	shalt  }
0x5d: {  	_ =	shalt  }
0x5e: {  	_ =	shalt  }
0x5f: {  	_ =	shalt  }
0x60: {  	_ =	shalt  }
0x61: {  	_ =	shalt  }
0x62: {  	_ =	shalt  }
0x63: {  	_ =	shalt  }
0x64: {  	_ =	shalt  }
0x65: {  	_ =	shalt  }
0x66: {  	_ =	shalt  }
0x67: {  	_ =	shalt  }
0x68: {  	_ =	shalt  }
0x69: {  	_ =	shalt  }
0x6a: {  	_ =	shalt  }
0x6b: {  	_ =	shalt  }
0x6c: {  	_ =	shalt  }
0x6d: {  	_ =	shalt  }
0x6e: {  	_ =	shalt  }
0x6f: {  	_ =	shalt  }
0x70: {  	_ =	shalt  }
0x71: {  	_ =	shalt  }
0x72: {  	_ =	shalt  }
0x73: {  	_ =	shalt  }
0x74: {  	_ =	shalt  }
0x75: {  	_ =	shalt  }
0x76: {  	_ =	shalt  }
0x77: {  	_ =	shalt  }
0x78: {  	_ =	shalt  }
0x79: {  	_ =	shalt  }
0x7a: {  	_ =	shalt  }
0x7b: {  	_ =	shalt  }
0x7c: {  	_ =	shalt  }
0x7d: {  	_ =	shalt  }
0x7e: {  	_ =	shalt  }
0x7f: {  	_ =	shalt  }
0x80: {  	_ =	shalt  }
0x81: {  	_ =	shalt  }
0x82: {  	_ =	shalt  }
0x83: {  	_ =	shalt  }
0x84: {  	_ =	shalt  }
0x85: {  	_ =	shalt  }
0x86: {  	_ =	shalt  }
0x87: {  	_ =	shalt  }
.Lfunc_end0:
.L_simem_size_0:
called_computation.4_lowered:
.L_overlay_start_0:
0x88: {  	s2 =	sld [smem:$0x3FD9]  }
0x89: {  	s3 =	sld [smem:$0x3FFE];
	_ =	sdelay $0x1  }
0x8a: {  	s1 =	srdreg.scid  }
0x8b: {  	s0 =	sand.u32 $0x1, s1  }
0x8c: {  	s15 =	sshll.u32 s0, $0xA;
	s2 =	sadd.s32 s3, s2  }
0x8d: {  	s2 =	sadd.s32 s2, s15  }
0x8e: {  	[smem:$0x3FAD] =	sst s2  }
0x8f: {  	_ = 	snop  }
0x90: {  	s2 =	sld [smem:$0x3FD0];
	_ =	sdelay $0x2  }
0x91: {  	s16 =	simm.s32 $0xD;
	s4 =	simm.s32 $0x10  }
0x92: {  	[smem:s4], [sflag:s16] =	dma.local [hbm:s2], $0x1  }
0x93: {  	_ =	swait.eq [sflag:s16], $0x1  }
0x94: {  	[sflag:s16] =	ssyncset.done $0x0  }
0x95: {  	[sflag:s16] =	ssyncadd.s32 $0xFFFFFFFF  }
0x96: {  	s17 =	sld [smem:$0x11];
	(tm) =	ssettm $0x1  }
0x97: {  	s18 =	sld [smem:$0x3FFB];
	_ =	sdelay $0x3  }
0x98: {  	_ =	strace s18  }
0x99: {  	s2 =	sld [smem:$0x3FFC];
	_ =	sdelay $0x3  }
0x9a: {  	_ =	strace s2  }
0x9b: {  	s2 =	sld [smem:$0x3FFD];
	_ =	sdelay $0x3  }
0x9c: {  	_ =	strace s2  }
0x9d: {  	_ =	strace $0x8FFFFFFF  }
0x9e: {  	s19 =	sld [smem:$0x3FDB];
	_ =	sdelay $0x1  }
0x9f: {  	s20 =	simm.s32 $_scs_section_size  }
0xa0: {  	s5 =	simm.s32 $_size__tile_overlayer_lowered;
	s6 =	simm.s32 $_tile_overlayer_lowered  }
0xa1: {  	s7 =	simm.s32 $0x1BFF;
	s21 =	sshll.u32 s6, $0x1;
	s4 =	sadd.s32 s20, s19  }
0xa2: {  	s22 =	simm.s32 $0x0;
	s5 =	sshll.u32 s5, $0x1;
	s6 =	sadd.s32 s21, s4  }
0xa3: {  	[timem:s22], [sflag:s7] =	dma.local [hbm:s6], s5  }
0xa4: {  	_ =	swait.ge [sflag:s7], s5  }
0xa5: {  	s5 =	ssub.s32 $0x0, s5;
	[sflag:s7] =	ssyncset.done $0x0  }
0xa6: {  	[sflag:s7] =	ssyncadd.s32 s5;
	_ =	sdelay $0x1  }
0xa7: {  	s23 =	simm.s32 $0x1B8B  }
0xa8: {  	_ =	swait.ge [sflag:s23], $0x1  }
0xa9: {  	[sflag:s23] =	ssyncset.done $0x0  }
0xaa: {  	[sflag:s23] =	ssyncadd.s32 $0xFFFFFFFF  }
0xab: {  	s5 =	sld [smem:$0x0]  }
0xac: {  	s6 =	sand.u32 $0xFFFFFFFE, s1  }
0xad: {  	p0 =	sne.s32 s1, s6  }
0xae: {  	s6 =	sshll.u32 @p0 s6, $0xE  }
0xaf: {  	s6 =	sadd.s32 @p0 $0x11B8D, s6;
	s7 =	sshll.u32 @p0 s5, $0x11  }
0xb0: {  	s6 =	sor.u32 @p0 s7, s6  }
0xb1: {  	[sflag:s6] =	ssyncadd.remote.s32 @p0 $0x1;
	_ =	sdelay $0x1  }
0xb2: {  	s6 =	simm.s32 @p0 $0x1B8D  }
0xb3: {  	_ =	swait.eq @p0 [sflag:s6], $0x1  }
0xb4: {  	[sflag:s6] =	ssyncadd.s32 @p0 $0xFFFFFFFF  }
0xb5: {  	s7 =	sshll.u32 @!p0 s1, $0xE  }
0xb6: {  	s7 =	sor.u32 @!p0 $0x4000, s7;
	s6 =	simm.s32 @!p0 $0x1B8D  }
0xb7: {  	s5 =	sshll.u32 @!p0 s5, $0x11;
	s7 =	sadd.s32 @!p0 $0x11B8D, s7;
	_ =	swait.eq @!p0 [sflag:s6], $0x1  }
0xb8: {  	s5 =	sor.u32 @!p0 s5, s7;
	[sflag:s6] =	ssyncadd.s32 @!p0 $0xFFFFFFFF  }
0xb9: {  	s25 =	simm.s32 $0x1B8E;
	s24 =	sld [smem:$0x3FFE];
	[sflag:s5] =	ssyncadd.remote.s32 @!p0 $0x1  }
0xba: {  	s26 =	simm.s32 $execute0_lowered;
	[smem:$0x3FD2] =	sst s25  }
0xbb: {  	s6 =	sshll.u32 s26, $0x1;
	_ =	strace $0x80000052;
	[dreg:$0x1] =	wrdreg $0xFFFFFFFF  }
0xbc: {  	s28 =	simm.s32 $_size_execute0_lowered;
	s4 =	sadd.s32 s4, s6;
	[dreg:$0x0] =	wrdreg $0x0  }
0xbd: {  	s6 =	sshll.u32 s28, $0x1;
	[dreg:$0x2] =	wrdreg s4  }
0xbe: {  	[dreg:$0x3] =	wrdreg s6  }
0xbf: {  	[dreg:$0x4] =	wrdreg $0xC0  }
0xc0: {  	_ =	task [dreg:s22], $0x5FFFF  }
0xc1: {  	[dreg:$0x1] =	wrdreg $0xFFFFFFFF  }
0xc2: {  	[dreg:$0x0] =	wrdreg $0x60  }
0xc3: {  	[dreg:$0x2] =	wrdreg s24  }
0xc4: {  	[dreg:$0x3] =	wrdreg s17  }
0xc5: {  	[dreg:$0x4] =	wrdreg $0xB  }
0xc6: {  	_ =	task.clear_ibuf [dreg:s22], $0x5FFFF;
	_ =	strace $0x90000052  }
0xc7: {  	s29 =	simm.s32 $0xB;
	_ =	strace $0x80000054  }
0xc8: {  	_ =	swait.ge [sflag:s29], $0x1  }
0xc9: {  	[sflag:s29] =	ssyncadd.s32 $0xFFFFFFFF  }
0xca: {  	_ =	strace $0x90000054  }
0xcb: {  	_ =	sfence  }
0xcc: {  	s30 =	sld [smem:$0x0];
	_ =	sdelay $0x2  }
0xcd: {  	s31 =	sshll.u32 s1, $0xD;
	s1 =	sshrl.u32 s1, $0x2  }
0xce: {  	s4 =	sand.u32 $0x4000, s31;
	s1 =	sadd.s32 s1, s30  }
0xcf: {  	s0 =	sor.u32 s4, s0;
	s1 =	sshll.u32 s1, $0x11  }
0xd0: {  	s0 =	sor.u32 s1, s0  }
0xd1: {  	s0 =	sadd.s32 $0x8F2B, s0  }
0xd2: {  	[sflag:s0] =	ssyncadd.remote.s32 $0x1  }
0xd3: {  	_ =	sfence.sel $0xFFFF  }
0xd4: {  	[dreg:$0x0] =	wrdreg $0xFFFFFFFF;
	(pc) =	sbr.abs _section_cstart, $3  }
0xd5: {  	[dreg:$0x1] =	wrdreg $0xFFFFFFFF  }
0xd6: {  	_ =	task.clear_ibuf [dreg:s22], $0x2FFFF;
	_ =	strace $0x9FFFFFFF  }
0xd7: {  	(tm) =	ssettm $0x7FFFFFFF  }
tec
execute0_lowered:
.L_overlay_start_1:
0x0: {  	(tag) =	ssettag $0x1  }
0x1: {  	s9 =	rddreg [dreg:$0x0]  }
0x2: {  	s1 =	rddreg [dreg:$0x1]  }
0x3: {  	s0 =	rddreg [dreg:$0x2];
	s2 =	simm.s32 $0x0  }
0x4: {  	s3 =	srdreg.scid;
	s14 =	simm.s32 $0x2;
	s15 =	simm.s32 $0xC8  }
0x5: {  	s16 =	simm.s32 $0x200;
	s17 =	simm.s32 $0x6600;
	s18 =	simm.s32 $0xCA00  }
0x6: {  	s19 =	simm.s32 $0x3;
	s20 =	simm.s32 $0x0;
	[smem:$0x7FF] =	sst s2  }
0x7: {  	s4 =	sadd.s32 $0x61E00, s9;
	s5 =	sadd.s32 $0x89000, s9;
	s10 =	sand.u32 $0x1, s3  }
0x8: {  	s6 =	sadd.s32 $0xB0200, s9;
	s3 =	stileid.u32;
	s7 =	sadd.s32 $0x6000, s9  }
0x9: {  	s8 =	sadd.s32 $0xFE00, s9;
	s9 =	sadd.s32 $0xD7400, s9;
	s11 =	ssub.s32 $0x2, s10  }
0xa: {  	_ =	strace $0x80000053;
	s13 =	sshll.u32 s3, $0x1;
	s12 =	sshrl.u32 s11, $0x1  }
0xb: {  	s10 =	sor.u32 s10, s13;
	s13 =	simm.s32 $0x1;
	s11 =	ssub.s32 s11, s12  }
0xc: {  	s10 =	smul.u32 $0x2710, s10;
	s12 =	simm.s32 $0x100;
	s11 =	smax.u32 s11, $0x1  }
.LBB2_1:
0xd: {  	s21 =	simm.s32 $0x0  }
.LBB2_2:
0xe: {  	s22 =	smul.u32 $0xC8, s21;
	_ =	sdelay $0x1  }
0xf: {  	s22 =	sadd.s32 s10, s22  }
0x10: {  	s23 =	sshrl.u32 s22, $0x3  }
0x11: {  	s25 =	simm.s32 $0x0;
	s24 =	sadd.s32 s8, s23  }
0x12: {  	[tilespmem:s25], [sflag:$0x1] =	stream.linear.gather [hbm4b:s24+s25], $0xC8, $0x38;
	[tilespmem:$0x12E00] =	vst v63  }
0x13: {  	s23 =	sadd.s32 s7, s23  }
0x14: {  	[tilespmem:s12], [sflag:$0x2] =	stream.linear.gather [hbm4b:s23+s25], $0xC8, $0x38;
	[tilespmem:$0x12E00] =	vst v63  }
0x15: {  	_ =	swait.ge [sflag:s13], $0xC8  }
0x16: {  	[sflag:s13] =	ssyncset.done $0x0  }
0x17: {  	[sflag:s13] =	ssyncadd.s32 $0xFFFFFF38  }
0x18: {  	_ =	swait.ge [sflag:s14], $0xC8  }
0x19: {  	[sflag:s14] =	ssyncset.done $0x0  }
0x1a: {  	[sflag:s14] =	ssyncadd.s32 $0xFFFFFF38  }
0x1b: {  	[tilespmem:s16], [sflag:$0x1] =	stream.indirect.gather [hbm4b:s4+s15], $0x80, s25, s15, $0xb8;
	[tilespmem:$0x12E00] =	vst v63  }
0x1c: {  	_ = 	snop  }
0x1d: {  	[tilespmem:s17], [sflag:$0x2] =	stream.indirect.gather [hbm4b:s5+s15], $0x80, s12, s15, $0xb8;
	[tilespmem:$0x12E00] =	vst v63  }
0x1e: {  	_ = 	snop  }
0x1f: {  	[tilespmem:s18], [sflag:$0x3] =	stream.indirect.gather [hbm4b:s6+s15], $0x80, s25, s15, $0xb8;
	[tilespmem:$0x12E00] =	vst v63  }
0x20: {  	_ =	swait.ge [sflag:s13], $0x6400  }
0x21: {  	[sflag:s13] =	ssyncset.done $0x0  }
0x22: {  	[sflag:s13] =	ssyncadd.s32 $0xFFFF9C00  }
0x23: {  	_ =	swait.ge [sflag:s14], $0x6400  }
0x24: {  	[sflag:s14] =	ssyncset.done $0x0  }
0x25: {  	[sflag:s14] =	ssyncadd.s32 $0xFFFF9C00  }
0x26: {  	_ =	swait.ge [sflag:s19], $0x6400  }
0x27: {  	[sflag:s19] =	ssyncset.done $0x0  }
0x28: {  	s23 =	simm.s32 $0x0;
	[sflag:s19] =	ssyncadd.s32 $0xFFFF9C00  }
0x29: {  	v7 =	vld [tilespmem:s23+$0x6600]  }
0x2a: {  	v11 =	vld [tilespmem:s23+$0x6610]  }
0x2b: {  	v5 =	vld [tilespmem:s23+$0x6620]  }
0x2c: {  	v4 =	vld [tilespmem:s23+$0x6630]  }
0x2d: {  	v3 =	vld [tilespmem:s23+$0x6640]  }
0x2e: {  	v2 =	vld [tilespmem:s23+$0x6650]  }
0x2f: {  	v1 =	vld [tilespmem:s23+$0x6660]  }
0x30: {  	v0 =	vld [tilespmem:s23+$0x6670]  }
0x31: {  	v12 =	vld [tilespmem:s23+$0x200]  }
0x32: {  	v13 =	vld [tilespmem:s23+$0x210]  }
0x33: {  	v10 =	vld [tilespmem:s23+$0x220]  }
0x34: {  	v9 =	vld [tilespmem:s23+$0x230]  }
0x35: {  	v8 =	vld [tilespmem:s23+$0x240]  }
0x36: {  	v6 =	vld [tilespmem:s23+$0x250];
	v12 =	vsub.f32 v12, v7  }
0x37: {  	s24 =	simm.s32 $0x200;
	v11 =	vsub.f32 v13, v11;
	v7 =	vld [tilespmem:s23+$0x260]  }
.LBB2_3:
0x38: {  	s25 =	sshra.s32 s24, $0x2;
	p0 =	sne.s32 s24, $0x18E00;
	[tilespmem:s23+$0x200] =	vst v12;
	v5 =	vsub.f32 v10, v5;
	v10 =	vld [tilespmem:s23+$0x270]  }
0x39: {  	v12 =	vld [tilespmem:s25+$0x6600];
	[tilespmem:s23+$0x210] =	vst v11;
	v4 =	vsub.f32 v9, v4  }
0x3a: {  	v11 =	vld [tilespmem:s25+$0x6610];
	[tilespmem:s23+$0x220] =	vst v5;
	v3 =	vsub.f32 v8, v3  }
0x3b: {  	v5 =	vld [tilespmem:s25+$0x6620];
	[tilespmem:s23+$0x230] =	vst v4;
	v2 =	vsub.f32 v6, v2  }
0x3c: {  	v4 =	vld [tilespmem:s25+$0x6630];
	[tilespmem:s23+$0x240] =	vst v3;
	v1 =	vsub.f32 v7, v1  }
0x3d: {  	v3 =	vld [tilespmem:s25+$0x6640];
	[tilespmem:s23+$0x250] =	vst v2;
	v0 =	vsub.f32 v10, v0  }
0x3e: {  	v2 =	vld [tilespmem:s25+$0x6650];
	[tilespmem:s23+$0x260] =	vst v1  }
0x3f: {  	v1 =	vld [tilespmem:s25+$0x6660];
	[tilespmem:s23+$0x270] =	vst v0;
	s23 =	smov.u32 s25  }
0x40: {  	v0 =	vld [tilespmem:s23+$0x6670]  }
0x41: {  	v6 =	vld [tilespmem:s23+$0x200]  }
0x42: {  	v7 =	vld [tilespmem:s23+$0x210]  }
.Ltmp0:
0x43: {  	v10 =	vld [tilespmem:s23+$0x220];
	(pc) =	sbr.rel @p0 .LBB2_3-.Ltmp0, $4  }
0x44: {  	v9 =	vld [tilespmem:s23+$0x230]  }
0x45: {  	v8 =	vld [tilespmem:s23+$0x240]  }
0x46: {  	v12 =	vsub.f32 v6, v12;
	v6 =	vld [tilespmem:s23+$0x250]  }
0x47: {  	s24 =	sadd.s32 $0x200, s24;
	v11 =	vsub.f32 v7, v11;
	v7 =	vld [tilespmem:s23+$0x260]  }
0x48: {  	[tilespmem:s23+$0x200] =	vst v12;
	v5 =	vsub.f32 v10, v5;
	v63 =	vld [tilespmem:s23+$0x270]  }
0x49: {  	[tilespmem:s23+$0x210] =	vst v11;
	v4 =	vsub.f32 v9, v4  }
0x4a: {  	[tilespmem:s23+$0x220] =	vst v5;
	v3 =	vsub.f32 v8, v3  }
0x4b: {  	[tilespmem:s23+$0x230] =	vst v4;
	v2 =	vsub.f32 v6, v2  }
0x4c: {  	[tilespmem:s23+$0x240] =	vst v3;
	v1 =	vsub.f32 v7, v1  }
0x4d: {  	[tilespmem:s23+$0x250] =	vst v2;
	v0 =	vsub.f32 v63, v0  }
0x4e: {  	s22 =	sshll.u32 s22, $0x4;
	[tilespmem:s23+$0x260] =	vst v1  }
0x4f: {  	s31 =	sadd.s32 s1, s22;
	[tilespmem:s23+$0x270] =	vst v0  }
0x50: {  	[hbm4b:s31+s2] =	stream.linear.scatter [tilespmem:s16], [sflag:$0x1], $0x6400, $0x38;
	[tilespmem:$0x12E00] =	vst v63  }
0x51: {  	s21 =	sadd.s32 $0x1, s21;
	s22 =	sadd.s32 s9, s22  }
0x52: {  	[hbm4b:s22+s2] =	stream.linear.scatter [tilespmem:s18], [sflag:$0x3], $0x6400, $0x38;
	[tilespmem:$0x12E00] =	vst v63  }
0x53: {  	p0 =	sne.s32 s21, $0x32;
	_ =	swait.ge [sflag:s13], $0x6400  }
.Ltmp1:
0x54: {  	[sflag:s13] =	ssyncset.done $0x0;
	(pc) =	sbr.rel @p0 .LBB2_2-.Ltmp1, $4  }
0x55: {  	[sflag:s13] =	ssyncadd.s32 $0xFFFF9C00  }
0x56: {  	_ =	swait.ge [sflag:s19], $0x6400  }
0x57: {  	[sflag:s19] =	ssyncset.done $0x0  }
0x58: {  	[sflag:s19] =	ssyncadd.s32 $0xFFFF9C00  }
0x59: {  	s20 =	sadd.s32 $0x1, s20  }
0x5a: {  	p0 =	sne.s32 s20, s11  }
.Ltmp2:
0x5b: {  	_ = 	snop;
	(pc) =	sbr.rel @p0 .LBB2_1-.Ltmp2, $1  }
0x5c: {  	_ =	sdelay $0x3  }
0x5d: {  	_ =	sfence.sel $0x180000  }
0x5e: {  	[bflag:$0x0] =	sbarrier.arrive $0xFFFF  }
0x5f: {  	p0 =	sne.s32 s3, $0x0;
	_ =	strace $0x90000053  }
0x60: {  	s0 =	sadd.s32 @!p0 $0x100000, s0;
	[bflag:$0x2] =	sbarrier.arrive $0xFFFF  }
0x61: {  	[sflag:s0] =	ssyncadd.tile.s32 @!p0 $0x1;
	_ =	shalt  }
.Lfunc_end2:
_tile_overlayer_lowered:
.L_overlay_start_2:
0x62: {  	(tag) =	ssettag $0x2  }
0x63: {  	s0 =	rddreg [dreg:$0x0];
	s2 =	stileid.u32  }
0x64: {  	s1 =	rddreg [dreg:$0x1];
	p0 =	sne.s32 s2, $0x0  }
0x65: {  	s3 =	rddreg [dreg:$0x2];
	[bflag:$0x3] =	sbarrier.arrive $0xFFFF;
	s2 =	simm.s32 @!p0 $0x1C04  }
0x66: {  	[timem:s3], [sflag:s2] =	dma.local @!p0 [hbm:s0], s1  }
0x67: {  	s0 =	simm.s32 @!p0 $0x4  }
0x68: {  	_ =	swait.ge @!p0 [sflag:s0], s1  }
0x69: {  	s1 =	ssub.s32 @!p0 $0x0, s1;
	[sflag:s0] =	ssyncset.done @!p0 $0x0  }
0x6a: {  	[sflag:s0] =	ssyncadd.s32 @!p0 s1  }
0x6b: {  	[bflag:$0x3] =	sbarrier.arrive $0xFFFF  }
0x6c: {  	_ =	shalt  }

// kernel: sc_deg_q0.3.cloned.1.call-start
scs
__scs_entry_jumppad:
0x0: {  	(pc) =	sbr.rel $0x88, $3  }
0x1: {  	(tag) =	ssettag $0x0;
	lr =	simm.s32 $0x1  }
0x2: {  	[smem:$0x3F86] =	sst lr;
	_ =	strace $0xD0000000  }
0x3: {  	_ = 	snop  }
0x4: {  	_ = 	snop  }
0x5: {  	_ = 	snop  }
0x6: {  	_ = 	snop  }
0x7: {  	_ = 	snop  }
__scs_overlays_trampoline_lowered:
0x8: {  	[smem:$0x3F95] =	sst s0  }
0x9: {  	[smem:$0x3F96] =	sst s1  }
0xa: {  	[smem:$0x3F97] =	sst s2  }
0xb: {  	[smem:$0x3F98] =	sst s3  }
0xc: {  	[smem:$0x3F99] =	sst s4  }
0xd: {  	[smem:$0x3F9A] =	sst s5  }
0xe: {  	[smem:$0x3F9B] =	sst s6  }
0xf: {  	[smem:$0x3F9C] =	sst s7  }
0x10: {  	[smem:$0x3F9D] =	sst s8  }
0x11: {  	[smem:$0x3F9E] =	sst s9;
	s0 =	simm.s32 @!p0 $0x0  }
0x12: {  	s1 =	sld [smem:$0x3F84];
	s0 =	simm.s32 @p0 $0x1  }
0x13: {  	[smem:$0x3F9F] =	sst s0;
	s0 =	simm.s32 @!p1 $0x0  }
0x14: {  	s2 =	sld [smem:$0x3F83];
	s0 =	simm.s32 @p1 $0x1  }
0x15: {  	[smem:$0x3FA0] =	sst s0;
	s0 =	simm.s32 @!p2 $0x0  }
0x16: {  	s3 =	sld [smem:$0x3FDB];
	s0 =	simm.s32 @p2 $0x1  }
0x17: {  	s4 =	simm.s32 $0x1BF5;
	[smem:$0x3FA2] =	sst s0  }
0x18: {  	s0 =	sld [smem:$0x3F85];
	_ =	swait.ge [sflag:s4], $0x0  }
0x19: {  	s7 =	sld [smem:$0x3F86]  }
0x1a: {  	s8 =	sadd.s32 $0xFFFFE003, lr  }
0x1b: {  	s9 =	sadd.s32 $0xFFFFFEF7, lr;
	s5 =	simm.s32 $0xFFFFFFFF;
	p2 =	slt.u32 s8, $0xFFFFF086  }
0x1c: {  	p1 =	slt.u32 s9, $0xF7A;
	s5 =	simm.s32 @!p2 $0x0  }
0x1d: {  	s5 =	simm.s32 @p1 $0x1;
	p0 =	seq.s32 s7, s2  }
0x1e: {  	s7 =	smul.u32 @!p0 $0xF7A, s2;
	p2 =	seq.s32 @!p0 s5, $0x0  }
0x1f: {  	s9 =	smul.u32 $0xF7A, s1;
	s8 =	simm.s32 @!p0 $0x1BF5;
	p2 =	por !p2, p0  }
0x20: {  	[sflag:s8] =	ssyncset.s32 @!p0 $0xFFFFF086;
	s6 =	sadd.s32 @!p0 s3, s7;
	s7 =	simm.s32 @!p0 $0x108  }
0x21: {  	s3 =	sadd.s32 s3, s9;
	s6 =	sadd.s32 @!p0 $0x88, s6;
	s7 =	simm.s32 @p2 $0x1082  }
0x22: {  	[simem:s7], [sflag:s8] =	dma.local @!p0 [hbm:s6], $0xF7A  }
0x23: {  	s9 =	sor.u32 $0xD0000000, s2;
	s6 =	simm.s32 $0x108;
	_ =	swait.ge @!p0 [sflag:s8], $0x0  }
0x24: {  	s3 =	sadd.s32 $0x88, s3;
	s6 =	simm.s32 @!p1 $0x1082;
	[sflag:s4] =	ssyncset.s32 $0xFFFFF086  }
0x25: {  	[simem:s6], [sflag:s4] =	dma.local [hbm:s3], $0xF7A  }
0x26: {  	[smem:$0x3F86] =	sst s1;
	(tag) =	ssettag s2;
	_ =	strace s9  }
0x27: {  	s1 =	sld [smem:$0x3F96]  }
0x28: {  	s2 =	sld [smem:$0x3F97]  }
0x29: {  	s4 =	sld [smem:$0x3F99]  }
0x2a: {  	p0 =	seq.s32 s5, $0x0;
	s5 =	sld [smem:$0x3F9A]  }
0x2b: {  	s6 =	sld [smem:$0x3F9B]  }
0x2c: {  	s7 =	sld [smem:$0x3F9C]  }
0x2d: {  	s3 =	simm.s32 $0x108;
	s8 =	sld [smem:$0x3F9D]  }
0x2e: {  	s3 =	simm.s32 @!p0 $0x1082;
	s9 =	sld [smem:$0x3F9E]  }
0x2f: {  	lr =	sadd.s32 s0, s3;
	s0 =	sld [smem:$0x3F95]  }
0x30: {  	s3 =	sld [smem:$0x3F98]  }
0x31: {  	[smem:$0x3FA1] =	sst s10  }
0x32: {  	s10 =	sld [smem:$0x3F9F];
	_ =	sdelay $0x3  }
0x33: {  	p0 =	seq.s32 s10, $0x1;
	s10 =	sld [smem:$0x3FA1];
	_ =	sdelay $0x3  }
0x34: {  	[smem:$0x3FA1] =	sst s10  }
0x35: {  	s10 =	sld [smem:$0x3FA0];
	_ =	sdelay $0x3  }
0x36: {  	p1 =	seq.s32 s10, $0x1;
	s10 =	sld [smem:$0x3FA1];
	_ =	sdelay $0x3  }
0x37: {  	[smem:$0x3FA1] =	sst s10  }
0x38: {  	s10 =	sld [smem:$0x3FA2]  }
0x39: {  	_ = 	snop;
	(pc) =	sbr.ind lr, $3  }
0x3a: {  	_ = 	snop  }
0x3b: {  	_ = 	snop  }
0x3c: {  	p2 =	seq.s32 s10, $0x1;
	s10 =	sld [smem:$0x3FA1]  }
0x3d: {  	_ =	shalt  }
0x3e: {  	_ =	shalt  }
0x3f: {  	_ =	shalt  }
0x40: {  	_ =	shalt  }
0x41: {  	_ =	shalt  }
0x42: {  	_ =	shalt  }
0x43: {  	_ =	shalt  }
0x44: {  	_ =	shalt  }
0x45: {  	_ =	shalt  }
0x46: {  	_ =	shalt  }
0x47: {  	_ =	shalt  }
0x48: {  	_ =	shalt  }
0x49: {  	_ =	shalt  }
0x4a: {  	_ =	shalt  }
0x4b: {  	_ =	shalt  }
0x4c: {  	_ =	shalt  }
0x4d: {  	_ =	shalt  }
0x4e: {  	_ =	shalt  }
0x4f: {  	_ =	shalt  }
0x50: {  	_ =	shalt  }
0x51: {  	_ =	shalt  }
0x52: {  	_ =	shalt  }
0x53: {  	_ =	shalt  }
0x54: {  	_ =	shalt  }
0x55: {  	_ =	shalt  }
0x56: {  	_ =	shalt  }
0x57: {  	_ =	shalt  }
0x58: {  	_ =	shalt  }
0x59: {  	_ =	shalt  }
0x5a: {  	_ =	shalt  }
0x5b: {  	_ =	shalt  }
0x5c: {  	_ =	shalt  }
0x5d: {  	_ =	shalt  }
0x5e: {  	_ =	shalt  }
0x5f: {  	_ =	shalt  }
0x60: {  	_ =	shalt  }
0x61: {  	_ =	shalt  }
0x62: {  	_ =	shalt  }
0x63: {  	_ =	shalt  }
0x64: {  	_ =	shalt  }
0x65: {  	_ =	shalt  }
0x66: {  	_ =	shalt  }
0x67: {  	_ =	shalt  }
0x68: {  	_ =	shalt  }
0x69: {  	_ =	shalt  }
0x6a: {  	_ =	shalt  }
0x6b: {  	_ =	shalt  }
0x6c: {  	_ =	shalt  }
0x6d: {  	_ =	shalt  }
0x6e: {  	_ =	shalt  }
0x6f: {  	_ =	shalt  }
0x70: {  	_ =	shalt  }
0x71: {  	_ =	shalt  }
0x72: {  	_ =	shalt  }
0x73: {  	_ =	shalt  }
0x74: {  	_ =	shalt  }
0x75: {  	_ =	shalt  }
0x76: {  	_ =	shalt  }
0x77: {  	_ =	shalt  }
0x78: {  	_ =	shalt  }
0x79: {  	_ =	shalt  }
0x7a: {  	_ =	shalt  }
0x7b: {  	_ =	shalt  }
0x7c: {  	_ =	shalt  }
0x7d: {  	_ =	shalt  }
0x7e: {  	_ =	shalt  }
0x7f: {  	_ =	shalt  }
0x80: {  	_ =	shalt  }
0x81: {  	_ =	shalt  }
0x82: {  	_ =	shalt  }
0x83: {  	_ =	shalt  }
0x84: {  	_ =	shalt  }
0x85: {  	_ =	shalt  }
0x86: {  	_ =	shalt  }
0x87: {  	_ =	shalt  }
.Lfunc_end0:
.L_simem_size_0:
called_computation.2_lowered:
.L_overlay_start_0:
0x88: {  	s2 =	sld [smem:$0x3FD9]  }
0x89: {  	s3 =	sld [smem:$0x3FFE];
	_ =	sdelay $0x1  }
0x8a: {  	s1 =	srdreg.scid  }
0x8b: {  	s0 =	sand.u32 $0x1, s1  }
0x8c: {  	s16 =	sshll.u32 s0, $0xA;
	s2 =	sadd.s32 s3, s2  }
0x8d: {  	s2 =	sadd.s32 s2, s16  }
0x8e: {  	[smem:$0x3FAD] =	sst s2  }
0x8f: {  	_ = 	snop  }
0x90: {  	(tm) =	ssettm $0x1  }
0x91: {  	s17 =	sld [smem:$0x3FFB];
	_ =	sdelay $0x3  }
0x92: {  	_ =	strace s17  }
0x93: {  	s2 =	sld [smem:$0x3FFC];
	_ =	sdelay $0x3  }
0x94: {  	_ =	strace s2  }
0x95: {  	s2 =	sld [smem:$0x3FFD];
	_ =	sdelay $0x3  }
0x96: {  	_ =	strace s2  }
0x97: {  	_ =	strace $0x8FFFFFFF  }
0x98: {  	s18 =	sld [smem:$0x3FDB];
	_ =	sdelay $0x1  }
0x99: {  	s19 =	simm.s32 $_scs_section_size  }
0x9a: {  	s4 =	simm.s32 $_size__tile_overlayer_lowered;
	s5 =	simm.s32 $_tile_overlayer_lowered  }
0x9b: {  	s22 =	simm.s32 $0x1BFF;
	s21 =	sshll.u32 s5, $0x1;
	s2 =	sadd.s32 s19, s18  }
0x9c: {  	s6 =	simm.s32 $0x0;
	s20 =	sshll.u32 s4, $0x1;
	s4 =	sadd.s32 s21, s2  }
0x9d: {  	[timem:s6], [sflag:s22] =	dma.local [hbm:s4], s20  }
0x9e: {  	_ =	swait.ge [sflag:s22], s20  }
0x9f: {  	s3 =	ssub.s32 $0x0, s20;
	[sflag:s22] =	ssyncset.done $0x0  }
0xa0: {  	[sflag:s22] =	ssyncadd.s32 s3;
	_ =	sdelay $0x1  }
0xa1: {  	s23 =	simm.s32 $0x1B8B  }
0xa2: {  	_ =	swait.ge [sflag:s23], $0x1  }
0xa3: {  	[sflag:s23] =	ssyncset.done $0x0  }
0xa4: {  	s25 =	simm.s32 $0x1B8E;
	s24 =	sld [smem:$0x3FFE];
	[sflag:s23] =	ssyncadd.s32 $0xFFFFFFFF  }
0xa5: {  	s26 =	simm.s32 $execute0_lowered;
	[smem:$0x3FD2] =	sst s25  }
0xa6: {  	s4 =	sshll.u32 s26, $0x1;
	_ =	strace $0x80000046;
	[dreg:$0x1] =	wrdreg $0xFFFFFFFF  }
0xa7: {  	s28 =	simm.s32 $_size_execute0_lowered;
	s2 =	sadd.s32 s2, s4;
	[dreg:$0x0] =	wrdreg $0x0  }
0xa8: {  	s4 =	sshll.u32 s28, $0x1;
	[dreg:$0x2] =	wrdreg s2  }
0xa9: {  	[dreg:$0x3] =	wrdreg s4  }
0xaa: {  	[dreg:$0x4] =	wrdreg $0xC0  }
0xab: {  	_ =	task [dreg:s6], $0x5FFFF  }
0xac: {  	[dreg:$0x1] =	wrdreg $0xFFFFFFFF  }
0xad: {  	[dreg:$0x0] =	wrdreg $0x60  }
0xae: {  	[dreg:$0x2] =	wrdreg s24  }
0xaf: {  	[dreg:$0x3] =	wrdreg $0xCA000  }
0xb0: {  	[dreg:$0x4] =	wrdreg $0xB  }
0xb1: {  	_ =	task.clear_ibuf [dreg:s6], $0x5FFFF;
	_ =	strace $0x90000046  }
0xb2: {  	s29 =	simm.s32 $0xB;
	_ =	strace $0x80000048  }
0xb3: {  	_ =	swait.ge [sflag:s29], $0x1  }
0xb4: {  	[sflag:s29] =	ssyncadd.s32 $0xFFFFFFFF  }
0xb5: {  	_ =	strace $0x90000048  }
0xb6: {  	_ =	sfence  }
0xb7: {  	s30 =	sld [smem:$0x0];
	_ =	sdelay $0x2  }
0xb8: {  	s31 =	sshll.u32 s1, $0xD;
	s1 =	sshrl.u32 s1, $0x2  }
0xb9: {  	s3 =	sand.u32 $0x4000, s31;
	s1 =	sadd.s32 s1, s30  }
0xba: {  	s0 =	sor.u32 s3, s0;
	s1 =	sshll.u32 s1, $0x11  }
0xbb: {  	s0 =	sor.u32 s1, s0  }
0xbc: {  	s0 =	sadd.s32 $0x8F2B, s0  }
0xbd: {  	[sflag:s0] =	ssyncadd.remote.s32 $0x1  }
0xbe: {  	_ =	sfence.sel $0xFFFF  }
0xbf: {  	[dreg:$0x0] =	wrdreg $0xFFFFFFFF;
	(pc) =	sbr.abs _section_cstart, $3  }
0xc0: {  	[dreg:$0x1] =	wrdreg $0xFFFFFFFF  }
0xc1: {  	_ =	task.clear_ibuf [dreg:s6], $0x2FFFF;
	_ =	strace $0x9FFFFFFF  }
0xc2: {  	(tm) =	ssettm $0x7FFFFFFF  }
0xc3: {  	_ =	shalt  }
tec
execute0_lowered:
.L_overlay_start_1:
0x0: {  	(tag) =	ssettag $0x1  }
0x1: {  	s6 =	rddreg [dreg:$0x0]  }
0x2: {  	s0 =	stileid.u32;
	s1 =	srdreg.scid  }
0x3: {  	s2 =	rddreg [dreg:$0x1];
	s3 =	simm.s32 $0x0;
	s5 =	smul.u32 $0xA80, s0  }
0x4: {  	s7 =	sand.u32 $0x1, s1;
	s1 =	rddreg [dreg:$0x2];
	s8 =	smul.u32 $0xA0, s0  }
0x5: {  	s16 =	simm.s32 $0x0;
	[smem:$0x7FF] =	sst s3;
	s10 =	smul.u32 $0x15000, s0  }
0x6: {  	s4 =	sadd.s32 $0x6000, s6;
	s29 =	smul.u32 $0x14000, s0;
	s30 =	sshll.u32 s0, $0x6  }
0x7: {  	s14 =	smul.u32 $0xA00, s7;
	_ =	strace $0x80000047;
	s7 =	ssub.s32 $0x2, s7  }
0x8: {  	s9 =	sadd.s32 s5, s6;
	s5 =	sadd.s32 $0x24400, s6;
	s26 =	sshrl.u32 s7, $0x1  }
0x9: {  	s28 =	sshrl.u32 s10, $0x2;
	s31 =	sshrl.u32 s29, $0x2;
	s25 =	sadd.s32 s8, s14  }
0xa: {  	s12 =	ssub.s32 s7, s26;
	s13 =	sadd.s32 s28, s2;
	s7 =	sor.u32 $0x1C01, s30  }
0xb: {  	s15 =	sadd.s32 s31, s2;
	v0 =	vmov s14;
	s14 =	simm.s32 $0x190;
	s8 =	sshll.u32 s25, $0x4  }
0xc: {  	s10 =	smax.u32 s12, $0x1;
	s12 =	simm.s32 $0x1;
	s15 =	sshrl.u32 s15, $0x3  }
0xd: {  	s11 =	sadd.s32 s8, s6;
	s6 =	sadd.s32 $0x19C00, s9;
	s8 =	smul.u32 $0x4E20, s0  }
0xe: {  	s9 =	sadd.s32 $0x25E00, s11;
	s11 =	sshrl.u32 s13, $0x3;
	s13 =	simm.s32 $0x200  }
.LBB2_1:
0xf: {  	[spmem:s11], [sflag:s7] =	dma.local [hbm:s6], $0xA80  }
0x10: {  	_ =	swait.ge [sflag:s12], $0xA80  }
0x11: {  	[sflag:s12] =	ssyncset.done $0x0  }
0x12: {  	[sflag:s12] =	ssyncadd.s32 $0xFFFFF580  }
0x13: {  	[tilespmem:s13], [sflag:$0x1] =	stream.linear.gather [hbm4b:s5+s3], $0xC800, $0x38;
	[tilespmem:$0x11E00] =	vst v63  }
0x14: {  	_ =	swait.ge [sflag:s12], $0xC800  }
0x15: {  	[sflag:s12] =	ssyncset.done $0x0  }
0x16: {  	[sflag:s12] =	ssyncadd.s32 $0xFFFF3800  }
0x17: {  	s17 =	simm.s32 $0x0;
	[bflag:$0x0] =	sbarrier.arrive $0xFFFF  }
.LBB2_2:
0x18: {  	s18 =	smul.u32 $0x190, s17;
	_ =	sdelay $0x1  }
0x19: {  	s18 =	sadd.s32 s8, s18  }
0x1a: {  	s18 =	sshrl.u32 s18, $0x3  }
0x1b: {  	s19 =	simm.s32 $0x0;
	s18 =	sadd.s32 s4, s18  }
0x1c: {  	[tilespmem:s19], [sflag:$0x1] =	stream.linear.gather [hbm4b:s18+s19], $0x190, $0x38;
	[tilespmem:$0x11E00] =	vst v63  }
0x1d: {  	_ =	swait.ge [sflag:s12], $0x190  }
0x1e: {  	[sflag:s12] =	ssyncset.done $0x0  }
0x1f: {  	s18 =	simm.s32 $0x0;
	s19 =	simm.s32 $0x40;
	[sflag:s12] =	ssyncadd.s32 $0xFFFFFE70  }
.LBB2_3:
0x20: {  	p0 =	sne.s32 s19, $0x600;
	v1 =	vld [tilespmem:s18+$0x0];
	_ =	sdelay $0x2  }
.Ltmp0:
0x21: {  	(pc) =	sbr.rel @p0 .LBB2_3-.Ltmp0, $4  }
0x22: {  	_ = 	snop  }
0x23: {  	v1 =	vsub.s32 v1, v0  }
0x24: {  	v1 =	vmin.u32 v1, $0xA00  }
0x25: {  	[tilespmem:s18+$0x0] =	vst v1;
	s18 =	sshra.s32 s19, $0x2;
	s19 =	sadd.s32 $0x40, s19  }
0x26: {  	v1 =	vld [tilespmem:s18+$0x0];
	_ =	sdelay $0x4  }
0x27: {  	s17 =	sadd.s32 $0x1, s17;
	v1 =	vsub.s32 v1, v0  }
0x28: {  	p0 =	sne.s32 s17, $0x32;
	v1 =	vmin.u32 v1, $0xA00  }
.Ltmp1:
0x29: {  	[tilespmem:s18+$0x0] =	vst v1;
	(pc) =	sbr.rel @p0 .LBB2_2-.Ltmp1, $4  }
0x2a: {  	[spmem:s2] =	stream.indirect.scatter.add.f32 [tilespmem:s13], [sflag:$0x1], $0x80, s3, s14, $0xb8;
	[tilespmem:$0x11E00] =	vst v63  }
0x2b: {  	_ =	swait.ge [sflag:s12], $0xC800  }
0x2c: {  	[sflag:s12] =	ssyncset.done $0x0  }
0x2d: {  	[sflag:s12] =	ssyncadd.s32 $0xFFFF3800  }
0x2e: {  	s16 =	sadd.s32 $0x1, s16  }
0x2f: {  	p0 =	sne.s32 s16, s10  }
.Ltmp2:
0x30: {  	[bflag:$0x0] =	sbarrier.arrive $0xFFFF;
	(pc) =	sbr.rel @p0 .LBB2_1-.Ltmp2, $4  }
0x31: {  	[hbm:s9], [sflag:s7] =	dma.local [spmem:s15], $0xA00  }
0x32: {  	_ =	swait.ge [sflag:s12], $0xA00  }
0x33: {  	[sflag:s12] =	ssyncset.done $0x0  }
0x34: {  	[sflag:s12] =	ssyncadd.s32 $0xFFFFF600  }
0x35: {  	_ =	sfence.sel $0x180000  }
0x36: {  	[bflag:$0x0] =	sbarrier.arrive $0xFFFF  }
0x37: {  	p0 =	sne.s32 s0, $0x0;
	_ =	strace $0x90000047  }
0x38: {  	s0 =	sadd.s32 @!p0 $0x100000, s1;
	[bflag:$0x2] =	sbarrier.arrive $0xFFFF  }
0x39: {  	[sflag:s0] =	ssyncadd.tile.s32 @!p0 $0x1;
	_ =	shalt  }
.Lfunc_end2:
_tile_overlayer_lowered:
.L_overlay_start_2:
0x3a: {  	(tag) =	ssettag $0x2  }
0x3b: {  	s0 =	rddreg [dreg:$0x0];
	s2 =	stileid.u32  }
0x3c: {  	s1 =	rddreg [dreg:$0x1];
	p0 =	sne.s32 s2, $0x0  }
0x3d: {  	s3 =	rddreg [dreg:$0x2];
	[bflag:$0x3] =	sbarrier.arrive $0xFFFF;
	s2 =	simm.s32 @!p0 $0x1C01  }
0x3e: {  	[timem:s3], [sflag:s2] =	dma.local @!p0 [hbm:s0], s1  }
0x3f: {  	s0 =	simm.s32 @!p0 $0x1  }
0x40: {  	_ =	swait.ge @!p0 [sflag:s0], s1  }
0x41: {  	s1 =	ssub.s32 @!p0 $0x0, s1;
	[sflag:s0] =	ssyncset.done @!p0 $0x0  }
0x42: {  	[sflag:s0] =	ssyncadd.s32 @!p0 s1  }
0x43: {  	[bflag:$0x3] =	sbarrier.arrive $0xFFFF  }
0x44: {  	_ =	shalt  }

// kernel: sc_deg_q1.3.cloned.1.call-start
scs
__scs_entry_jumppad:
0x0: {  	(pc) =	sbr.rel $0x88, $3  }
0x1: {  	(tag) =	ssettag $0x0;
	lr =	simm.s32 $0x1  }
0x2: {  	[smem:$0x3F86] =	sst lr;
	_ =	strace $0xD0000000  }
0x3: {  	_ = 	snop  }
0x4: {  	_ = 	snop  }
0x5: {  	_ = 	snop  }
0x6: {  	_ = 	snop  }
0x7: {  	_ = 	snop  }
__scs_overlays_trampoline_lowered:
0x8: {  	[smem:$0x3F95] =	sst s0  }
0x9: {  	[smem:$0x3F96] =	sst s1  }
0xa: {  	[smem:$0x3F97] =	sst s2  }
0xb: {  	[smem:$0x3F98] =	sst s3  }
0xc: {  	[smem:$0x3F99] =	sst s4  }
0xd: {  	[smem:$0x3F9A] =	sst s5  }
0xe: {  	[smem:$0x3F9B] =	sst s6  }
0xf: {  	[smem:$0x3F9C] =	sst s7  }
0x10: {  	[smem:$0x3F9D] =	sst s8  }
0x11: {  	[smem:$0x3F9E] =	sst s9;
	s0 =	simm.s32 @!p0 $0x0  }
0x12: {  	s1 =	sld [smem:$0x3F84];
	s0 =	simm.s32 @p0 $0x1  }
0x13: {  	[smem:$0x3F9F] =	sst s0;
	s0 =	simm.s32 @!p1 $0x0  }
0x14: {  	s2 =	sld [smem:$0x3F83];
	s0 =	simm.s32 @p1 $0x1  }
0x15: {  	[smem:$0x3FA0] =	sst s0;
	s0 =	simm.s32 @!p2 $0x0  }
0x16: {  	s3 =	sld [smem:$0x3FDB];
	s0 =	simm.s32 @p2 $0x1  }
0x17: {  	s4 =	simm.s32 $0x1BF5;
	[smem:$0x3FA2] =	sst s0  }
0x18: {  	s0 =	sld [smem:$0x3F85];
	_ =	swait.ge [sflag:s4], $0x0  }
0x19: {  	s7 =	sld [smem:$0x3F86]  }
0x1a: {  	s8 =	sadd.s32 $0xFFFFE003, lr  }
0x1b: {  	s9 =	sadd.s32 $0xFFFFFEF7, lr;
	s5 =	simm.s32 $0xFFFFFFFF;
	p2 =	slt.u32 s8, $0xFFFFF086  }
0x1c: {  	p1 =	slt.u32 s9, $0xF7A;
	s5 =	simm.s32 @!p2 $0x0  }
0x1d: {  	s5 =	simm.s32 @p1 $0x1;
	p0 =	seq.s32 s7, s2  }
0x1e: {  	s7 =	smul.u32 @!p0 $0xF7A, s2;
	p2 =	seq.s32 @!p0 s5, $0x0  }
0x1f: {  	s9 =	smul.u32 $0xF7A, s1;
	s8 =	simm.s32 @!p0 $0x1BF5;
	p2 =	por !p2, p0  }
0x20: {  	[sflag:s8] =	ssyncset.s32 @!p0 $0xFFFFF086;
	s6 =	sadd.s32 @!p0 s3, s7;
	s7 =	simm.s32 @!p0 $0x108  }
0x21: {  	s3 =	sadd.s32 s3, s9;
	s6 =	sadd.s32 @!p0 $0x88, s6;
	s7 =	simm.s32 @p2 $0x1082  }
0x22: {  	[simem:s7], [sflag:s8] =	dma.local @!p0 [hbm:s6], $0xF7A  }
0x23: {  	s9 =	sor.u32 $0xD0000000, s2;
	s6 =	simm.s32 $0x108;
	_ =	swait.ge @!p0 [sflag:s8], $0x0  }
0x24: {  	s3 =	sadd.s32 $0x88, s3;
	s6 =	simm.s32 @!p1 $0x1082;
	[sflag:s4] =	ssyncset.s32 $0xFFFFF086  }
0x25: {  	[simem:s6], [sflag:s4] =	dma.local [hbm:s3], $0xF7A  }
0x26: {  	[smem:$0x3F86] =	sst s1;
	(tag) =	ssettag s2;
	_ =	strace s9  }
0x27: {  	s1 =	sld [smem:$0x3F96]  }
0x28: {  	s2 =	sld [smem:$0x3F97]  }
0x29: {  	s4 =	sld [smem:$0x3F99]  }
0x2a: {  	p0 =	seq.s32 s5, $0x0;
	s5 =	sld [smem:$0x3F9A]  }
0x2b: {  	s6 =	sld [smem:$0x3F9B]  }
0x2c: {  	s7 =	sld [smem:$0x3F9C]  }
0x2d: {  	s3 =	simm.s32 $0x108;
	s8 =	sld [smem:$0x3F9D]  }
0x2e: {  	s3 =	simm.s32 @!p0 $0x1082;
	s9 =	sld [smem:$0x3F9E]  }
0x2f: {  	lr =	sadd.s32 s0, s3;
	s0 =	sld [smem:$0x3F95]  }
0x30: {  	s3 =	sld [smem:$0x3F98]  }
0x31: {  	[smem:$0x3FA1] =	sst s10  }
0x32: {  	s10 =	sld [smem:$0x3F9F];
	_ =	sdelay $0x3  }
0x33: {  	p0 =	seq.s32 s10, $0x1;
	s10 =	sld [smem:$0x3FA1];
	_ =	sdelay $0x3  }
0x34: {  	[smem:$0x3FA1] =	sst s10  }
0x35: {  	s10 =	sld [smem:$0x3FA0];
	_ =	sdelay $0x3  }
0x36: {  	p1 =	seq.s32 s10, $0x1;
	s10 =	sld [smem:$0x3FA1];
	_ =	sdelay $0x3  }
0x37: {  	[smem:$0x3FA1] =	sst s10  }
0x38: {  	s10 =	sld [smem:$0x3FA2]  }
0x39: {  	_ = 	snop;
	(pc) =	sbr.ind lr, $3  }
0x3a: {  	_ = 	snop  }
0x3b: {  	_ = 	snop  }
0x3c: {  	p2 =	seq.s32 s10, $0x1;
	s10 =	sld [smem:$0x3FA1]  }
0x3d: {  	_ =	shalt  }
0x3e: {  	_ =	shalt  }
0x3f: {  	_ =	shalt  }
0x40: {  	_ =	shalt  }
0x41: {  	_ =	shalt  }
0x42: {  	_ =	shalt  }
0x43: {  	_ =	shalt  }
0x44: {  	_ =	shalt  }
0x45: {  	_ =	shalt  }
0x46: {  	_ =	shalt  }
0x47: {  	_ =	shalt  }
0x48: {  	_ =	shalt  }
0x49: {  	_ =	shalt  }
0x4a: {  	_ =	shalt  }
0x4b: {  	_ =	shalt  }
0x4c: {  	_ =	shalt  }
0x4d: {  	_ =	shalt  }
0x4e: {  	_ =	shalt  }
0x4f: {  	_ =	shalt  }
0x50: {  	_ =	shalt  }
0x51: {  	_ =	shalt  }
0x52: {  	_ =	shalt  }
0x53: {  	_ =	shalt  }
0x54: {  	_ =	shalt  }
0x55: {  	_ =	shalt  }
0x56: {  	_ =	shalt  }
0x57: {  	_ =	shalt  }
0x58: {  	_ =	shalt  }
0x59: {  	_ =	shalt  }
0x5a: {  	_ =	shalt  }
0x5b: {  	_ =	shalt  }
0x5c: {  	_ =	shalt  }
0x5d: {  	_ =	shalt  }
0x5e: {  	_ =	shalt  }
0x5f: {  	_ =	shalt  }
0x60: {  	_ =	shalt  }
0x61: {  	_ =	shalt  }
0x62: {  	_ =	shalt  }
0x63: {  	_ =	shalt  }
0x64: {  	_ =	shalt  }
0x65: {  	_ =	shalt  }
0x66: {  	_ =	shalt  }
0x67: {  	_ =	shalt  }
0x68: {  	_ =	shalt  }
0x69: {  	_ =	shalt  }
0x6a: {  	_ =	shalt  }
0x6b: {  	_ =	shalt  }
0x6c: {  	_ =	shalt  }
0x6d: {  	_ =	shalt  }
0x6e: {  	_ =	shalt  }
0x6f: {  	_ =	shalt  }
0x70: {  	_ =	shalt  }
0x71: {  	_ =	shalt  }
0x72: {  	_ =	shalt  }
0x73: {  	_ =	shalt  }
0x74: {  	_ =	shalt  }
0x75: {  	_ =	shalt  }
0x76: {  	_ =	shalt  }
0x77: {  	_ =	shalt  }
0x78: {  	_ =	shalt  }
0x79: {  	_ =	shalt  }
0x7a: {  	_ =	shalt  }
0x7b: {  	_ =	shalt  }
0x7c: {  	_ =	shalt  }
0x7d: {  	_ =	shalt  }
0x7e: {  	_ =	shalt  }
0x7f: {  	_ =	shalt  }
0x80: {  	_ =	shalt  }
0x81: {  	_ =	shalt  }
0x82: {  	_ =	shalt  }
0x83: {  	_ =	shalt  }
0x84: {  	_ =	shalt  }
0x85: {  	_ =	shalt  }
0x86: {  	_ =	shalt  }
0x87: {  	_ =	shalt  }
.Lfunc_end0:
.L_simem_size_0:
called_computation.3_lowered:
.L_overlay_start_0:
0x88: {  	s2 =	sld [smem:$0x3FD9]  }
0x89: {  	s3 =	sld [smem:$0x3FFE];
	_ =	sdelay $0x1  }
0x8a: {  	s1 =	srdreg.scid  }
0x8b: {  	s0 =	sand.u32 $0x1, s1  }
0x8c: {  	s15 =	sshll.u32 s0, $0xA;
	s2 =	sadd.s32 s3, s2  }
0x8d: {  	s2 =	sadd.s32 s2, s15  }
0x8e: {  	[smem:$0x3FAD] =	sst s2  }
0x8f: {  	_ = 	snop  }
0x90: {  	s2 =	sld [smem:$0x3FD0];
	_ =	sdelay $0x2  }
0x91: {  	s16 =	simm.s32 $0xD;
	s4 =	simm.s32 $0x10  }
0x92: {  	[smem:s4], [sflag:s16] =	dma.local [hbm:s2], $0x1  }
0x93: {  	_ =	swait.eq [sflag:s16], $0x1  }
0x94: {  	[sflag:s16] =	ssyncset.done $0x0  }
0x95: {  	[sflag:s16] =	ssyncadd.s32 $0xFFFFFFFF  }
0x96: {  	s17 =	sld [smem:$0x11];
	(tm) =	ssettm $0x1  }
0x97: {  	s18 =	sld [smem:$0x3FFB];
	_ =	sdelay $0x3  }
0x98: {  	_ =	strace s18  }
0x99: {  	s2 =	sld [smem:$0x3FFC];
	_ =	sdelay $0x3  }
0x9a: {  	_ =	strace s2  }
0x9b: {  	s2 =	sld [smem:$0x3FFD];
	_ =	sdelay $0x3  }
0x9c: {  	_ =	strace s2  }
0x9d: {  	_ =	strace $0x8FFFFFFF  }
0x9e: {  	s19 =	sld [smem:$0x3FDB];
	_ =	sdelay $0x1  }
0x9f: {  	s20 =	simm.s32 $_scs_section_size  }
0xa0: {  	s5 =	simm.s32 $_size__tile_overlayer_lowered;
	s6 =	simm.s32 $_tile_overlayer_lowered  }
0xa1: {  	s7 =	simm.s32 $0x1BFF;
	s21 =	sshll.u32 s6, $0x1;
	s4 =	sadd.s32 s20, s19  }
0xa2: {  	s22 =	simm.s32 $0x0;
	s5 =	sshll.u32 s5, $0x1;
	s6 =	sadd.s32 s21, s4  }
0xa3: {  	[timem:s22], [sflag:s7] =	dma.local [hbm:s6], s5  }
0xa4: {  	_ =	swait.ge [sflag:s7], s5  }
0xa5: {  	s5 =	ssub.s32 $0x0, s5;
	[sflag:s7] =	ssyncset.done $0x0  }
0xa6: {  	[sflag:s7] =	ssyncadd.s32 s5;
	_ =	sdelay $0x1  }
0xa7: {  	s23 =	simm.s32 $0x1B8B  }
0xa8: {  	_ =	swait.ge [sflag:s23], $0x1  }
0xa9: {  	[sflag:s23] =	ssyncset.done $0x0  }
0xaa: {  	[sflag:s23] =	ssyncadd.s32 $0xFFFFFFFF  }
0xab: {  	s5 =	sld [smem:$0x0]  }
0xac: {  	s6 =	sand.u32 $0xFFFFFFFE, s1  }
0xad: {  	p0 =	sne.s32 s1, s6  }
0xae: {  	s6 =	sshll.u32 @p0 s6, $0xE  }
0xaf: {  	s6 =	sadd.s32 @p0 $0x11B8D, s6;
	s7 =	sshll.u32 @p0 s5, $0x11  }
0xb0: {  	s6 =	sor.u32 @p0 s7, s6  }
0xb1: {  	[sflag:s6] =	ssyncadd.remote.s32 @p0 $0x1;
	_ =	sdelay $0x1  }
0xb2: {  	s6 =	simm.s32 @p0 $0x1B8D  }
0xb3: {  	_ =	swait.eq @p0 [sflag:s6], $0x1  }
0xb4: {  	[sflag:s6] =	ssyncadd.s32 @p0 $0xFFFFFFFF  }
0xb5: {  	s7 =	sshll.u32 @!p0 s1, $0xE  }
0xb6: {  	s7 =	sor.u32 @!p0 $0x4000, s7;
	s6 =	simm.s32 @!p0 $0x1B8D  }
0xb7: {  	s5 =	sshll.u32 @!p0 s5, $0x11;
	s7 =	sadd.s32 @!p0 $0x11B8D, s7;
	_ =	swait.eq @!p0 [sflag:s6], $0x1  }
0xb8: {  	s5 =	sor.u32 @!p0 s5, s7;
	[sflag:s6] =	ssyncadd.s32 @!p0 $0xFFFFFFFF  }
0xb9: {  	s25 =	simm.s32 $0x1B8E;
	s24 =	sld [smem:$0x3FFE];
	[sflag:s5] =	ssyncadd.remote.s32 @!p0 $0x1  }
0xba: {  	s26 =	simm.s32 $execute0_lowered;
	[smem:$0x3FD2] =	sst s25  }
0xbb: {  	s6 =	sshll.u32 s26, $0x1;
	_ =	strace $0x80000049;
	[dreg:$0x1] =	wrdreg $0xFFFFFFFF  }
0xbc: {  	s28 =	simm.s32 $_size_execute0_lowered;
	s4 =	sadd.s32 s4, s6;
	[dreg:$0x0] =	wrdreg $0x0  }
0xbd: {  	s6 =	sshll.u32 s28, $0x1;
	[dreg:$0x2] =	wrdreg s4  }
0xbe: {  	[dreg:$0x3] =	wrdreg s6  }
0xbf: {  	[dreg:$0x4] =	wrdreg $0xC0  }
0xc0: {  	_ =	task [dreg:s22], $0x5FFFF  }
0xc1: {  	[dreg:$0x1] =	wrdreg $0xFFFFFFFF  }
0xc2: {  	[dreg:$0x0] =	wrdreg $0x60  }
0xc3: {  	[dreg:$0x2] =	wrdreg s24  }
0xc4: {  	[dreg:$0x3] =	wrdreg s17  }
0xc5: {  	[dreg:$0x4] =	wrdreg $0xCA000  }
0xc6: {  	[dreg:$0x5] =	wrdreg $0xC  }
0xc7: {  	_ =	task.clear_ibuf [dreg:s22], $0x6FFFF;
	_ =	strace $0x90000049  }
0xc8: {  	s29 =	simm.s32 $0xC;
	_ =	strace $0x8000004B  }
0xc9: {  	_ =	swait.ge [sflag:s29], $0x1  }
0xca: {  	[sflag:s29] =	ssyncadd.s32 $0xFFFFFFFF  }
0xcb: {  	_ =	strace $0x9000004B  }
0xcc: {  	_ =	sfence  }
0xcd: {  	s30 =	sld [smem:$0x0];
	_ =	sdelay $0x2  }
0xce: {  	s31 =	sshll.u32 s1, $0xD;
	s1 =	sshrl.u32 s1, $0x2  }
0xcf: {  	s4 =	sand.u32 $0x4000, s31;
	s1 =	sadd.s32 s1, s30  }
0xd0: {  	s0 =	sor.u32 s4, s0;
	s1 =	sshll.u32 s1, $0x11  }
0xd1: {  	s0 =	sor.u32 s1, s0  }
0xd2: {  	s0 =	sadd.s32 $0x8F2B, s0  }
0xd3: {  	[sflag:s0] =	ssyncadd.remote.s32 $0x1  }
0xd4: {  	_ =	sfence.sel $0xFFFF  }
0xd5: {  	[dreg:$0x0] =	wrdreg $0xFFFFFFFF;
	(pc) =	sbr.abs _section_cstart, $3  }
0xd6: {  	[dreg:$0x1] =	wrdreg $0xFFFFFFFF  }
0xd7: {  	_ =	task.clear_ibuf [dreg:s22], $0x2FFFF;
	_ =	strace $0x9FFFFFFF  }
0xd8: {  	(tm) =	ssettm $0x7FFFFFFF  }
0xd9: {  	_ =	shalt  }
tec
execute0_lowered:
.L_overlay_start_1:
0x0: {  	(tag) =	ssettag $0x1  }
0x1: {  	s5 =	rddreg [dreg:$0x0]  }
0x2: {  	s9 =	rddreg [dreg:$0x1];
	s1 =	stileid.u32  }
0x3: {  	s2 =	rddreg [dreg:$0x2];
	s6 =	smul.u32 $0xA80, s1  }
0x4: {  	s0 =	rddreg [dreg:$0x3];
	s11 =	smul.u32 $0x15000, s1  }
0x5: {  	s3 =	simm.s32 $0x0;
	s4 =	srdreg.scid;
	s13 =	smul.u32 $0x14000, s1  }
0x6: {  	[smem:$0x7FF] =	sst s3;
	s7 =	sand.u32 $0x1, s4;
	s31 =	smul.u32 $0xA00, s1  }
0x7: {  	s4 =	sadd.s32 $0x6000, s5;
	s30 =	sshll.u32 s1, $0x6;
	s8 =	smul.u32 $0xFFFFF600, s7  }
0x8: {  	_ =	strace $0x8000004A;
	s10 =	ssub.s32 $0x2, s7;
	s28 =	smul.u32 $0xA000, s7  }
0x9: {  	s7 =	sor.u32 $0x1C01, s30;
	s6 =	sadd.s32 s6, s5;
	s5 =	sadd.s32 $0x24400, s5  }
0xa: {  	s12 =	sshrl.u32 s10, $0x1;
	s29 =	sshrl.u32 s11, $0x2;
	s13 =	sshrl.u32 s13, $0x2  }
0xb: {  	s10 =	ssub.s32 s10, s12;
	s14 =	sadd.s32 $0xFFFFEC00, s8;
	s15 =	sadd.s32 s29, s2  }
0xc: {  	s6 =	sadd.s32 $0x19C00, s6;
	s8 =	smul.u32 $0x4E20, s1;
	s11 =	sadd.s32 s31, s28  }
0xd: {  	s16 =	sadd.s32 s13, s2;
	s12 =	simm.s32 $0x1;
	s13 =	simm.s32 $0x200  }
0xe: {  	s9 =	sadd.s32 s9, s11;
	s10 =	smax.u32 s10, $0x1;
	s11 =	sshrl.u32 s15, $0x3  }
0xf: {  	v0 =	vmov s14;
	s14 =	simm.s32 $0x190;
	s15 =	sshrl.u32 s16, $0x3;
	s16 =	simm.s32 $0x0  }
.LBB2_1:
0x10: {  	[spmem:s11], [sflag:s7] =	dma.local [hbm:s6], $0xA80  }
0x11: {  	_ =	swait.ge [sflag:s12], $0xA80  }
0x12: {  	[sflag:s12] =	ssyncset.done $0x0  }
0x13: {  	[sflag:s12] =	ssyncadd.s32 $0xFFFFF580  }
0x14: {  	[tilespmem:s13], [sflag:$0x1] =	stream.linear.gather [hbm4b:s5+s3], $0xC800, $0x38;
	[tilespmem:$0x11E00] =	vst v63  }
0x15: {  	_ =	swait.ge [sflag:s12], $0xC800  }
0x16: {  	[sflag:s12] =	ssyncset.done $0x0  }
0x17: {  	[sflag:s12] =	ssyncadd.s32 $0xFFFF3800  }
0x18: {  	s17 =	simm.s32 $0x0;
	[bflag:$0x0] =	sbarrier.arrive $0xFFFF  }
.LBB2_2:
0x19: {  	s18 =	smul.u32 $0x190, s17;
	_ =	sdelay $0x1  }
0x1a: {  	s18 =	sadd.s32 s8, s18  }
0x1b: {  	s18 =	sshrl.u32 s18, $0x3  }
0x1c: {  	s19 =	simm.s32 $0x0;
	s18 =	sadd.s32 s4, s18  }
0x1d: {  	[tilespmem:s19], [sflag:$0x1] =	stream.linear.gather [hbm4b:s18+s19], $0x190, $0x38;
	[tilespmem:$0x11E00] =	vst v63  }
0x1e: {  	_ =	swait.ge [sflag:s12], $0x190  }
0x1f: {  	[sflag:s12] =	ssyncset.done $0x0  }
0x20: {  	s18 =	simm.s32 $0x0;
	s19 =	simm.s32 $0x40;
	[sflag:s12] =	ssyncadd.s32 $0xFFFFFE70  }
.LBB2_3:
0x21: {  	p0 =	sne.s32 s19, $0x600;
	v1 =	vld [tilespmem:s18+$0x0];
	_ =	sdelay $0x2  }
.Ltmp0:
0x22: {  	(pc) =	sbr.rel @p0 .LBB2_3-.Ltmp0, $4  }
0x23: {  	_ = 	snop  }
0x24: {  	v1 =	vadd.s32 v0, v1  }
0x25: {  	v1 =	vmin.u32 v1, $0xA00  }
0x26: {  	[tilespmem:s18+$0x0] =	vst v1;
	s18 =	sshra.s32 s19, $0x2;
	s19 =	sadd.s32 $0x40, s19  }
0x27: {  	v1 =	vld [tilespmem:s18+$0x0];
	_ =	sdelay $0x4  }
0x28: {  	s17 =	sadd.s32 $0x1, s17;
	v1 =	vadd.s32 v0, v1  }
0x29: {  	p0 =	sne.s32 s17, $0x32;
	v1 =	vmin.u32 v1, $0xA00  }
.Ltmp1:
0x2a: {  	[tilespmem:s18+$0x0] =	vst v1;
	(pc) =	sbr.rel @p0 .LBB2_2-.Ltmp1, $4  }
0x2b: {  	[spmem:s2] =	stream.indirect.scatter.add.f32 [tilespmem:s13], [sflag:$0x1], $0x80, s3, s14, $0xb8;
	[tilespmem:$0x11E00] =	vst v63  }
0x2c: {  	_ =	swait.ge [sflag:s12], $0xC800  }
0x2d: {  	[sflag:s12] =	ssyncset.done $0x0  }
0x2e: {  	[sflag:s12] =	ssyncadd.s32 $0xFFFF3800  }
0x2f: {  	s16 =	sadd.s32 $0x1, s16  }
0x30: {  	p0 =	sne.s32 s16, s10  }
.Ltmp2:
0x31: {  	[bflag:$0x0] =	sbarrier.arrive $0xFFFF;
	(pc) =	sbr.rel @p0 .LBB2_1-.Ltmp2, $4  }
0x32: {  	[hbm:s9], [sflag:s7] =	dma.local [spmem:s15], $0xA00  }
0x33: {  	_ =	swait.ge [sflag:s12], $0xA00  }
0x34: {  	[sflag:s12] =	ssyncset.done $0x0  }
0x35: {  	[sflag:s12] =	ssyncadd.s32 $0xFFFFF600  }
0x36: {  	_ =	sfence.sel $0x180000  }
0x37: {  	[bflag:$0x0] =	sbarrier.arrive $0xFFFF  }
0x38: {  	p0 =	sne.s32 s1, $0x0;
	_ =	strace $0x9000004A  }
0x39: {  	s0 =	sadd.s32 @!p0 $0x100000, s0;
	[bflag:$0x2] =	sbarrier.arrive $0xFFFF  }
0x3a: {  	[sflag:s0] =	ssyncadd.tile.s32 @!p0 $0x1;
	_ =	shalt  }
.Lfunc_end2:
_tile_overlayer_lowered:
.L_overlay_start_2:
0x3b: {  	(tag) =	ssettag $0x2  }
0x3c: {  	s0 =	rddreg [dreg:$0x0];
	s2 =	stileid.u32  }
0x3d: {  	s1 =	rddreg [dreg:$0x1];
	p0 =	sne.s32 s2, $0x0  }
0x3e: {  	s3 =	rddreg [dreg:$0x2];
	[bflag:$0x3] =	sbarrier.arrive $0xFFFF;
	s2 =	simm.s32 @!p0 $0x1C01  }
0x3f: {  	[timem:s3], [sflag:s2] =	dma.local @!p0 [hbm:s0], s1  }
0x40: {  	s0 =	simm.s32 @!p0 $0x1  }
0x41: {  	_ =	swait.ge @!p0 [sflag:s0], s1  }
0x42: {  	s1 =	ssub.s32 @!p0 $0x0, s1;
	[sflag:s0] =	ssyncset.done @!p0 $0x0  }
0x43: {  	[sflag:s0] =	ssyncadd.s32 @!p0 s1  }
0x44: {  	[bflag:$0x3] =	sbarrier.arrive $0xFFFF  }
0x45: {  	_ =	shalt  }

// kernel: sc_scatter_q0.3.cloned.1.call-start
scs
__scs_entry_jumppad:
0x0: {  	(pc) =	sbr.rel $0x88, $3  }
0x1: {  	(tag) =	ssettag $0x0;
	lr =	simm.s32 $0x1  }
0x2: {  	[smem:$0x3F86] =	sst lr;
	_ =	strace $0xD0000000  }
0x3: {  	_ = 	snop  }
0x4: {  	_ = 	snop  }
0x5: {  	_ = 	snop  }
0x6: {  	_ = 	snop  }
0x7: {  	_ = 	snop  }
__scs_overlays_trampoline_lowered:
0x8: {  	[smem:$0x3F95] =	sst s0  }
0x9: {  	[smem:$0x3F96] =	sst s1  }
0xa: {  	[smem:$0x3F97] =	sst s2  }
0xb: {  	[smem:$0x3F98] =	sst s3  }
0xc: {  	[smem:$0x3F99] =	sst s4  }
0xd: {  	[smem:$0x3F9A] =	sst s5  }
0xe: {  	[smem:$0x3F9B] =	sst s6  }
0xf: {  	[smem:$0x3F9C] =	sst s7  }
0x10: {  	[smem:$0x3F9D] =	sst s8  }
0x11: {  	[smem:$0x3F9E] =	sst s9;
	s0 =	simm.s32 @!p0 $0x0  }
0x12: {  	s1 =	sld [smem:$0x3F84];
	s0 =	simm.s32 @p0 $0x1  }
0x13: {  	[smem:$0x3F9F] =	sst s0;
	s0 =	simm.s32 @!p1 $0x0  }
0x14: {  	s2 =	sld [smem:$0x3F83];
	s0 =	simm.s32 @p1 $0x1  }
0x15: {  	[smem:$0x3FA0] =	sst s0;
	s0 =	simm.s32 @!p2 $0x0  }
0x16: {  	s3 =	sld [smem:$0x3FDB];
	s0 =	simm.s32 @p2 $0x1  }
0x17: {  	s4 =	simm.s32 $0x1BF5;
	[smem:$0x3FA2] =	sst s0  }
0x18: {  	s0 =	sld [smem:$0x3F85];
	_ =	swait.ge [sflag:s4], $0x0  }
0x19: {  	s7 =	sld [smem:$0x3F86]  }
0x1a: {  	s8 =	sadd.s32 $0xFFFFE003, lr  }
0x1b: {  	s9 =	sadd.s32 $0xFFFFFEF7, lr;
	s5 =	simm.s32 $0xFFFFFFFF;
	p2 =	slt.u32 s8, $0xFFFFF086  }
0x1c: {  	p1 =	slt.u32 s9, $0xF7A;
	s5 =	simm.s32 @!p2 $0x0  }
0x1d: {  	s5 =	simm.s32 @p1 $0x1;
	p0 =	seq.s32 s7, s2  }
0x1e: {  	s7 =	smul.u32 @!p0 $0xF7A, s2;
	p2 =	seq.s32 @!p0 s5, $0x0  }
0x1f: {  	s9 =	smul.u32 $0xF7A, s1;
	s8 =	simm.s32 @!p0 $0x1BF5;
	p2 =	por !p2, p0  }
0x20: {  	[sflag:s8] =	ssyncset.s32 @!p0 $0xFFFFF086;
	s6 =	sadd.s32 @!p0 s3, s7;
	s7 =	simm.s32 @!p0 $0x108  }
0x21: {  	s3 =	sadd.s32 s3, s9;
	s6 =	sadd.s32 @!p0 $0x88, s6;
	s7 =	simm.s32 @p2 $0x1082  }
0x22: {  	[simem:s7], [sflag:s8] =	dma.local @!p0 [hbm:s6], $0xF7A  }
0x23: {  	s9 =	sor.u32 $0xD0000000, s2;
	s6 =	simm.s32 $0x108;
	_ =	swait.ge @!p0 [sflag:s8], $0x0  }
0x24: {  	s3 =	sadd.s32 $0x88, s3;
	s6 =	simm.s32 @!p1 $0x1082;
	[sflag:s4] =	ssyncset.s32 $0xFFFFF086  }
0x25: {  	[simem:s6], [sflag:s4] =	dma.local [hbm:s3], $0xF7A  }
0x26: {  	[smem:$0x3F86] =	sst s1;
	(tag) =	ssettag s2;
	_ =	strace s9  }
0x27: {  	s1 =	sld [smem:$0x3F96]  }
0x28: {  	s2 =	sld [smem:$0x3F97]  }
0x29: {  	s4 =	sld [smem:$0x3F99]  }
0x2a: {  	p0 =	seq.s32 s5, $0x0;
	s5 =	sld [smem:$0x3F9A]  }
0x2b: {  	s6 =	sld [smem:$0x3F9B]  }
0x2c: {  	s7 =	sld [smem:$0x3F9C]  }
0x2d: {  	s3 =	simm.s32 $0x108;
	s8 =	sld [smem:$0x3F9D]  }
0x2e: {  	s3 =	simm.s32 @!p0 $0x1082;
	s9 =	sld [smem:$0x3F9E]  }
0x2f: {  	lr =	sadd.s32 s0, s3;
	s0 =	sld [smem:$0x3F95]  }
0x30: {  	s3 =	sld [smem:$0x3F98]  }
0x31: {  	[smem:$0x3FA1] =	sst s10  }
0x32: {  	s10 =	sld [smem:$0x3F9F];
	_ =	sdelay $0x3  }
0x33: {  	p0 =	seq.s32 s10, $0x1;
	s10 =	sld [smem:$0x3FA1];
	_ =	sdelay $0x3  }
0x34: {  	[smem:$0x3FA1] =	sst s10  }
0x35: {  	s10 =	sld [smem:$0x3FA0];
	_ =	sdelay $0x3  }
0x36: {  	p1 =	seq.s32 s10, $0x1;
	s10 =	sld [smem:$0x3FA1];
	_ =	sdelay $0x3  }
0x37: {  	[smem:$0x3FA1] =	sst s10  }
0x38: {  	s10 =	sld [smem:$0x3FA2]  }
0x39: {  	_ = 	snop;
	(pc) =	sbr.ind lr, $3  }
0x3a: {  	_ = 	snop  }
0x3b: {  	_ = 	snop  }
0x3c: {  	p2 =	seq.s32 s10, $0x1;
	s10 =	sld [smem:$0x3FA1]  }
0x3d: {  	_ =	shalt  }
0x3e: {  	_ =	shalt  }
0x3f: {  	_ =	shalt  }
0x40: {  	_ =	shalt  }
0x41: {  	_ =	shalt  }
0x42: {  	_ =	shalt  }
0x43: {  	_ =	shalt  }
0x44: {  	_ =	shalt  }
0x45: {  	_ =	shalt  }
0x46: {  	_ =	shalt  }
0x47: {  	_ =	shalt  }
0x48: {  	_ =	shalt  }
0x49: {  	_ =	shalt  }
0x4a: {  	_ =	shalt  }
0x4b: {  	_ =	shalt  }
0x4c: {  	_ =	shalt  }
0x4d: {  	_ =	shalt  }
0x4e: {  	_ =	shalt  }
0x4f: {  	_ =	shalt  }
0x50: {  	_ =	shalt  }
0x51: {  	_ =	shalt  }
0x52: {  	_ =	shalt  }
0x53: {  	_ =	shalt  }
0x54: {  	_ =	shalt  }
0x55: {  	_ =	shalt  }
0x56: {  	_ =	shalt  }
0x57: {  	_ =	shalt  }
0x58: {  	_ =	shalt  }
0x59: {  	_ =	shalt  }
0x5a: {  	_ =	shalt  }
0x5b: {  	_ =	shalt  }
0x5c: {  	_ =	shalt  }
0x5d: {  	_ =	shalt  }
0x5e: {  	_ =	shalt  }
0x5f: {  	_ =	shalt  }
0x60: {  	_ =	shalt  }
0x61: {  	_ =	shalt  }
0x62: {  	_ =	shalt  }
0x63: {  	_ =	shalt  }
0x64: {  	_ =	shalt  }
0x65: {  	_ =	shalt  }
0x66: {  	_ =	shalt  }
0x67: {  	_ =	shalt  }
0x68: {  	_ =	shalt  }
0x69: {  	_ =	shalt  }
0x6a: {  	_ =	shalt  }
0x6b: {  	_ =	shalt  }
0x6c: {  	_ =	shalt  }
0x6d: {  	_ =	shalt  }
0x6e: {  	_ =	shalt  }
0x6f: {  	_ =	shalt  }
0x70: {  	_ =	shalt  }
0x71: {  	_ =	shalt  }
0x72: {  	_ =	shalt  }
0x73: {  	_ =	shalt  }
0x74: {  	_ =	shalt  }
0x75: {  	_ =	shalt  }
0x76: {  	_ =	shalt  }
0x77: {  	_ =	shalt  }
0x78: {  	_ =	shalt  }
0x79: {  	_ =	shalt  }
0x7a: {  	_ =	shalt  }
0x7b: {  	_ =	shalt  }
0x7c: {  	_ =	shalt  }
0x7d: {  	_ =	shalt  }
0x7e: {  	_ =	shalt  }
0x7f: {  	_ =	shalt  }
0x80: {  	_ =	shalt  }
0x81: {  	_ =	shalt  }
0x82: {  	_ =	shalt  }
0x83: {  	_ =	shalt  }
0x84: {  	_ =	shalt  }
0x85: {  	_ =	shalt  }
0x86: {  	_ =	shalt  }
0x87: {  	_ =	shalt  }
.Lfunc_end0:
.L_simem_size_0:
called_computation_lowered:
.L_overlay_start_0:
0x88: {  	s2 =	sld [smem:$0x3FD9]  }
0x89: {  	s3 =	sld [smem:$0x3FFE];
	_ =	sdelay $0x1  }
0x8a: {  	s1 =	srdreg.scid  }
0x8b: {  	s0 =	sand.u32 $0x1, s1  }
0x8c: {  	s17 =	sshll.u32 s0, $0xA;
	s2 =	sadd.s32 s3, s2  }
0x8d: {  	s2 =	sadd.s32 s2, s17  }
0x8e: {  	[smem:$0x3FAD] =	sst s2  }
0x8f: {  	_ = 	snop  }
0x90: {  	s18 =	sld [smem:$0x3FC8];
	(tm) =	ssettm $0x1  }
0x91: {  	s19 =	sld [smem:$0x3FFB];
	_ =	sdelay $0x3  }
0x92: {  	_ =	strace s19  }
0x93: {  	s2 =	sld [smem:$0x3FFC];
	_ =	sdelay $0x3  }
0x94: {  	_ =	strace s2  }
0x95: {  	s2 =	sld [smem:$0x3FFD];
	_ =	sdelay $0x3  }
0x96: {  	_ =	strace s2  }
0x97: {  	_ =	strace $0x8FFFFFFF  }
0x98: {  	s20 =	sld [smem:$0x3FDB];
	_ =	sdelay $0x1  }
0x99: {  	s4 =	simm.s32 $_scs_section_size  }
0x9a: {  	s5 =	simm.s32 $_size__tile_overlayer_lowered;
	s6 =	simm.s32 $_tile_overlayer_lowered  }
0x9b: {  	s7 =	simm.s32 $0x1BFF;
	s21 =	sshll.u32 s6, $0x1;
	s4 =	sadd.s32 s4, s20  }
0x9c: {  	s22 =	simm.s32 $0x0;
	s5 =	sshll.u32 s5, $0x1;
	s6 =	sadd.s32 s21, s4  }
0x9d: {  	[timem:s22], [sflag:s7] =	dma.local [hbm:s6], s5  }
0x9e: {  	_ =	swait.ge [sflag:s7], s5  }
0x9f: {  	s5 =	ssub.s32 $0x0, s5;
	[sflag:s7] =	ssyncset.done $0x0  }
0xa0: {  	[sflag:s7] =	ssyncadd.s32 s5;
	_ =	sdelay $0x1  }
0xa1: {  	s23 =	simm.s32 $0x1B8B  }
0xa2: {  	_ =	swait.ge [sflag:s23], $0x1  }
0xa3: {  	[sflag:s23] =	ssyncset.done $0x0  }
0xa4: {  	[sflag:s23] =	ssyncadd.s32 $0xFFFFFFFF  }
0xa5: {  	s5 =	sld [smem:$0x0]  }
0xa6: {  	s6 =	sand.u32 $0xFFFFFFFE, s1  }
0xa7: {  	p0 =	sne.s32 s1, s6  }
0xa8: {  	s6 =	sshll.u32 @p0 s6, $0xE  }
0xa9: {  	s6 =	sadd.s32 @p0 $0x11B8D, s6;
	s7 =	sshll.u32 @p0 s5, $0x11  }
0xaa: {  	s6 =	sor.u32 @p0 s7, s6  }
0xab: {  	[sflag:s6] =	ssyncadd.remote.s32 @p0 $0x1;
	_ =	sdelay $0x1  }
0xac: {  	s6 =	simm.s32 @p0 $0x1B8D  }
0xad: {  	_ =	swait.eq @p0 [sflag:s6], $0x1  }
0xae: {  	[sflag:s6] =	ssyncadd.s32 @p0 $0xFFFFFFFF  }
0xaf: {  	s7 =	sshll.u32 @!p0 s1, $0xE  }
0xb0: {  	s7 =	sor.u32 @!p0 $0x4000, s7;
	s6 =	simm.s32 @!p0 $0x1B8D  }
0xb1: {  	s5 =	sshll.u32 @!p0 s5, $0x11;
	s7 =	sadd.s32 @!p0 $0x11B8D, s7;
	_ =	swait.eq @!p0 [sflag:s6], $0x1  }
0xb2: {  	s5 =	sor.u32 @!p0 s5, s7;
	[sflag:s6] =	ssyncadd.s32 @!p0 $0xFFFFFFFF  }
0xb3: {  	s25 =	simm.s32 $0x1B8E;
	s24 =	sld [smem:$0x3FFE];
	[sflag:s5] =	ssyncadd.remote.s32 @!p0 $0x1  }
0xb4: {  	s26 =	simm.s32 $execute0_lowered;
	[smem:$0x3FD2] =	sst s25  }
0xb5: {  	s6 =	sshll.u32 s26, $0x1;
	_ =	strace $0x8000004C;
	[dreg:$0x1] =	wrdreg $0xFFFFFFFF  }
0xb6: {  	s28 =	simm.s32 $_size_execute0_lowered;
	s4 =	sadd.s32 s4, s6;
	[dreg:$0x0] =	wrdreg $0x0  }
0xb7: {  	s6 =	sshll.u32 s28, $0x1;
	[dreg:$0x2] =	wrdreg s4  }
0xb8: {  	[dreg:$0x3] =	wrdreg s6  }
0xb9: {  	[dreg:$0x4] =	wrdreg $0xC0  }
0xba: {  	_ =	task [dreg:s22], $0x5FFFF  }
0xbb: {  	[dreg:$0x1] =	wrdreg $0xFFFFFFFF  }
0xbc: {  	[dreg:$0x0] =	wrdreg $0x60  }
0xbd: {  	[dreg:$0x2] =	wrdreg s18  }
0xbe: {  	[dreg:$0x3] =	wrdreg s24  }
0xbf: {  	[dreg:$0x4] =	wrdreg $0xCA000  }
0xc0: {  	[dreg:$0x5] =	wrdreg $0x9  }
0xc1: {  	_ =	task.clear_ibuf [dreg:s22], $0x6FFFF;
	_ =	strace $0x9000004C  }
0xc2: {  	s29 =	simm.s32 $0x9;
	_ =	strace $0x8000004E  }
0xc3: {  	_ =	swait.ge [sflag:s29], $0x1  }
0xc4: {  	[sflag:s29] =	ssyncadd.s32 $0xFFFFFFFF  }
0xc5: {  	_ =	strace $0x9000004E  }
0xc6: {  	_ =	sfence  }
0xc7: {  	s30 =	sld [smem:$0x0];
	_ =	sdelay $0x2  }
0xc8: {  	s31 =	sshll.u32 s1, $0xD;
	s1 =	sshrl.u32 s1, $0x2  }
0xc9: {  	s4 =	sand.u32 $0x4000, s31;
	s1 =	sadd.s32 s1, s30  }
0xca: {  	s0 =	sor.u32 s4, s0;
	s1 =	sshll.u32 s1, $0x11  }
0xcb: {  	s0 =	sor.u32 s1, s0  }
0xcc: {  	s0 =	sadd.s32 $0x8F2B, s0  }
0xcd: {  	[sflag:s0] =	ssyncadd.remote.s32 $0x1  }
0xce: {  	_ =	sfence.sel $0xFFFF  }
0xcf: {  	[dreg:$0x0] =	wrdreg $0xFFFFFFFF;
	(pc) =	sbr.abs _section_cstart, $3  }
0xd0: {  	[dreg:$0x1] =	wrdreg $0xFFFFFFFF  }
0xd1: {  	_ =	task.clear_ibuf [dreg:s22], $0x2FFFF;
	_ =	strace $0x9FFFFFFF  }
0xd2: {  	(tm) =	ssettm $0x7FFFFFFF  }
0xd3: {  	_ =	shalt  }
tec
execute0_lowered:
.L_overlay_start_1:
0x0: {  	(tag) =	ssettag $0x1  }
0x1: {  	s0 =	rddreg [dreg:$0x0]  }
0x2: {  	s6 =	rddreg [dreg:$0x1];
	s1 =	srdreg.scid  }
0x3: {  	s3 =	rddreg [dreg:$0x2];
	s2 =	stileid.u32;
	s4 =	simm.s32 $0x0  }
0x4: {  	s14 =	simm.s32 $0x1;
	s15 =	simm.s32 $0x2;
	s5 =	smul.u32 $0xA0, s2  }
0x5: {  	s18 =	simm.s32 $0x0;
	s22 =	simm.s32 $0x0;
	s8 =	smul.u32 $0xA80, s2  }
0x6: {  	s7 =	sand.u32 $0x1, s1;
	s1 =	rddreg [dreg:$0x3];
	s10 =	smul.u32 $0x15000, s2  }
0x7: {  	[smem:$0x7FF] =	sst s4;
	s11 =	smul.u32 $0x14000, s2;
	s30 =	sshll.u32 s2, $0x6  }
0x8: {  	s16 =	smul.u32 $0xA00, s7;
	_ =	strace $0x8000004D;
	s29 =	ssub.s32 $0x2, s7  }
0x9: {  	s8 =	sadd.s32 s8, s6;
	s7 =	sshrl.u32 s29, $0x1;
	s10 =	sshrl.u32 s10, $0x2  }
0xa: {  	s31 =	sshrl.u32 s11, $0x2;
	s9 =	sadd.s32 s5, s16;
	s5 =	sadd.s32 $0xFE00, s6  }
0xb: {  	s12 =	ssub.s32 s29, s7;
	s13 =	sadd.s32 s10, s3;
	s7 =	sor.u32 $0x1C03, s30  }
0xc: {  	s17 =	sadd.s32 s31, s3;
	v0 =	vmov s16;
	s16 =	simm.s32 $0x190;
	s9 =	sshll.u32 s9, $0x4  }
0xd: {  	s10 =	smax.u32 s12, $0x1;
	s11 =	sshrl.u32 s13, $0x3;
	s12 =	simm.s32 $0x3  }
0xe: {  	s13 =	simm.s32 $0x200;
	s17 =	sshrl.u32 s17, $0x3;
	s9 =	sadd.s32 s9, s6  }
0xf: {  	s6 =	sadd.s32 $0x19C00, s8;
	s8 =	smul.u32 $0x4E20, s2;
	s9 =	sadd.s32 $0x39E00, s9  }
.LBB2_1:
0x10: {  	[spmem:s11], [sflag:s7] =	dma.local [hbm:s6], $0xA80  }
0x11: {  	_ =	swait.ge [sflag:s12], $0xA80  }
0x12: {  	[sflag:s12] =	ssyncset.done $0x0  }
0x13: {  	[sflag:s12] =	ssyncadd.s32 $0xFFFFF580  }
0x14: {  	s19 =	simm.s32 $0x0;
	[bflag:$0x0] =	sbarrier.arrive $0xFFFF  }
.LBB2_2:
0x15: {  	s20 =	smul.u32 $0x190, s19;
	_ =	sdelay $0x1  }
0x16: {  	s20 =	sadd.s32 s8, s20  }
0x17: {  	s21 =	sshrl.u32 s20, $0x3  }
0x18: {  	s20 =	sshll.u32 s20, $0x4;
	s21 =	sadd.s32 s5, s21  }
0x19: {  	[tilespmem:s22], [sflag:$0x1] =	stream.linear.gather [hbm4b:s21+s22], $0x190, $0x38;
	[tilespmem:$0x11E00] =	vst v63  }
0x1a: {  	s20 =	sadd.s32 s0, s20  }
0x1b: {  	[tilespmem:s13], [sflag:$0x2] =	stream.linear.gather [hbm4b:s20+s22], $0xC800, $0x38;
	[tilespmem:$0x11E00] =	vst v63  }
0x1c: {  	_ =	swait.ge [sflag:s14], $0x190  }
0x1d: {  	[sflag:s14] =	ssyncset.done $0x0  }
0x1e: {  	s21 =	simm.s32 $0x40;
	s20 =	simm.s32 $0x0;
	[sflag:s14] =	ssyncadd.s32 $0xFFFFFE70  }
.LBB2_3:
0x1f: {  	p0 =	sne.s32 s21, $0x600;
	v1 =	vld [tilespmem:s20+$0x0];
	_ =	sdelay $0x2  }
.Ltmp0:
0x20: {  	(pc) =	sbr.rel @p0 .LBB2_3-.Ltmp0, $4  }
0x21: {  	_ = 	snop  }
0x22: {  	v1 =	vsub.s32 v1, v0  }
0x23: {  	v1 =	vmin.u32 v1, $0xA00  }
0x24: {  	[tilespmem:s20+$0x0] =	vst v1;
	s20 =	sshra.s32 s21, $0x2;
	s21 =	sadd.s32 $0x40, s21  }
0x25: {  	v1 =	vld [tilespmem:s20+$0x0];
	_ =	sdelay $0x4  }
0x26: {  	v1 =	vsub.s32 v1, v0  }
0x27: {  	v1 =	vmin.u32 v1, $0xA00  }
0x28: {  	[tilespmem:s20+$0x0] =	vst v1  }
0x29: {  	s19 =	sadd.s32 $0x1, s19;
	_ =	swait.ge [sflag:s15], $0xC800  }
0x2a: {  	p0 =	sne.s32 s19, $0x32;
	[sflag:s15] =	ssyncset.done $0x0  }
.Ltmp1:
0x2b: {  	[sflag:s15] =	ssyncadd.s32 $0xFFFF3800;
	(pc) =	sbr.rel @p0 .LBB2_2-.Ltmp1, $4  }
0x2c: {  	[spmem:s3] =	stream.indirect.scatter.add.f32 [tilespmem:s13], [sflag:$0x3], $0x80, s4, s16, $0xb8;
	[tilespmem:$0x11E00] =	vst v63  }
0x2d: {  	_ =	swait.ge [sflag:s12], $0xC800  }
0x2e: {  	[sflag:s12] =	ssyncset.done $0x0  }
0x2f: {  	[sflag:s12] =	ssyncadd.s32 $0xFFFF3800  }
0x30: {  	s18 =	sadd.s32 $0x1, s18  }
0x31: {  	p0 =	sne.s32 s18, s10  }
.Ltmp2:
0x32: {  	[bflag:$0x0] =	sbarrier.arrive $0xFFFF;
	(pc) =	sbr.rel @p0 .LBB2_1-.Ltmp2, $4  }
0x33: {  	[hbm:s9], [sflag:s7] =	dma.local [spmem:s17], $0xA00  }
0x34: {  	_ =	swait.ge [sflag:s12], $0xA00  }
0x35: {  	[sflag:s12] =	ssyncset.done $0x0  }
0x36: {  	[sflag:s12] =	ssyncadd.s32 $0xFFFFF600  }
0x37: {  	_ =	sfence.sel $0x180000  }
0x38: {  	[bflag:$0x0] =	sbarrier.arrive $0xFFFF  }
0x39: {  	p0 =	sne.s32 s2, $0x0;
	_ =	strace $0x9000004D  }
0x3a: {  	s0 =	sadd.s32 @!p0 $0x100000, s1;
	[bflag:$0x2] =	sbarrier.arrive $0xFFFF  }
0x3b: {  	[sflag:s0] =	ssyncadd.tile.s32 @!p0 $0x1;
	_ =	shalt  }
.Lfunc_end2:
_tile_overlayer_lowered:
.L_overlay_start_2:
0x3c: {  	(tag) =	ssettag $0x2  }
0x3d: {  	s0 =	rddreg [dreg:$0x0];
	s2 =	stileid.u32  }
0x3e: {  	s1 =	rddreg [dreg:$0x1];
	p0 =	sne.s32 s2, $0x0  }
0x3f: {  	s3 =	rddreg [dreg:$0x2];
	[bflag:$0x3] =	sbarrier.arrive $0xFFFF;
	s2 =	simm.s32 @!p0 $0x1C03  }
0x40: {  	[timem:s3], [sflag:s2] =	dma.local @!p0 [hbm:s0], s1  }
0x41: {  	s0 =	simm.s32 @!p0 $0x3  }
0x42: {  	_ =	swait.ge @!p0 [sflag:s0], s1  }
0x43: {  	s1 =	ssub.s32 @!p0 $0x0, s1;
	[sflag:s0] =	ssyncset.done @!p0 $0x0  }
0x44: {  	[sflag:s0] =	ssyncadd.s32 @!p0 s1  }
0x45: {  	[bflag:$0x3] =	sbarrier.arrive $0xFFFF  }
0x46: {  	_ =	shalt  }

// kernel: sc_scatter_q1.3.cloned.1.call-start
scs
__scs_entry_jumppad:
0x0: {  	(pc) =	sbr.rel $0x88, $3  }
0x1: {  	(tag) =	ssettag $0x0;
	lr =	simm.s32 $0x1  }
0x2: {  	[smem:$0x3F86] =	sst lr;
	_ =	strace $0xD0000000  }
0x3: {  	_ = 	snop  }
0x4: {  	_ = 	snop  }
0x5: {  	_ = 	snop  }
0x6: {  	_ = 	snop  }
0x7: {  	_ = 	snop  }
__scs_overlays_trampoline_lowered:
0x8: {  	[smem:$0x3F95] =	sst s0  }
0x9: {  	[smem:$0x3F96] =	sst s1  }
0xa: {  	[smem:$0x3F97] =	sst s2  }
0xb: {  	[smem:$0x3F98] =	sst s3  }
0xc: {  	[smem:$0x3F99] =	sst s4  }
0xd: {  	[smem:$0x3F9A] =	sst s5  }
0xe: {  	[smem:$0x3F9B] =	sst s6  }
0xf: {  	[smem:$0x3F9C] =	sst s7  }
0x10: {  	[smem:$0x3F9D] =	sst s8  }
0x11: {  	[smem:$0x3F9E] =	sst s9;
	s0 =	simm.s32 @!p0 $0x0  }
0x12: {  	s1 =	sld [smem:$0x3F84];
	s0 =	simm.s32 @p0 $0x1  }
0x13: {  	[smem:$0x3F9F] =	sst s0;
	s0 =	simm.s32 @!p1 $0x0  }
0x14: {  	s2 =	sld [smem:$0x3F83];
	s0 =	simm.s32 @p1 $0x1  }
0x15: {  	[smem:$0x3FA0] =	sst s0;
	s0 =	simm.s32 @!p2 $0x0  }
0x16: {  	s3 =	sld [smem:$0x3FDB];
	s0 =	simm.s32 @p2 $0x1  }
0x17: {  	s4 =	simm.s32 $0x1BF5;
	[smem:$0x3FA2] =	sst s0  }
0x18: {  	s0 =	sld [smem:$0x3F85];
	_ =	swait.ge [sflag:s4], $0x0  }
0x19: {  	s7 =	sld [smem:$0x3F86]  }
0x1a: {  	s8 =	sadd.s32 $0xFFFFE003, lr  }
0x1b: {  	s9 =	sadd.s32 $0xFFFFFEF7, lr;
	s5 =	simm.s32 $0xFFFFFFFF;
	p2 =	slt.u32 s8, $0xFFFFF086  }
0x1c: {  	p1 =	slt.u32 s9, $0xF7A;
	s5 =	simm.s32 @!p2 $0x0  }
0x1d: {  	s5 =	simm.s32 @p1 $0x1;
	p0 =	seq.s32 s7, s2  }
0x1e: {  	s7 =	smul.u32 @!p0 $0xF7A, s2;
	p2 =	seq.s32 @!p0 s5, $0x0  }
0x1f: {  	s9 =	smul.u32 $0xF7A, s1;
	s8 =	simm.s32 @!p0 $0x1BF5;
	p2 =	por !p2, p0  }
0x20: {  	[sflag:s8] =	ssyncset.s32 @!p0 $0xFFFFF086;
	s6 =	sadd.s32 @!p0 s3, s7;
	s7 =	simm.s32 @!p0 $0x108  }
0x21: {  	s3 =	sadd.s32 s3, s9;
	s6 =	sadd.s32 @!p0 $0x88, s6;
	s7 =	simm.s32 @p2 $0x1082  }
0x22: {  	[simem:s7], [sflag:s8] =	dma.local @!p0 [hbm:s6], $0xF7A  }
0x23: {  	s9 =	sor.u32 $0xD0000000, s2;
	s6 =	simm.s32 $0x108;
	_ =	swait.ge @!p0 [sflag:s8], $0x0  }
0x24: {  	s3 =	sadd.s32 $0x88, s3;
	s6 =	simm.s32 @!p1 $0x1082;
	[sflag:s4] =	ssyncset.s32 $0xFFFFF086  }
0x25: {  	[simem:s6], [sflag:s4] =	dma.local [hbm:s3], $0xF7A  }
0x26: {  	[smem:$0x3F86] =	sst s1;
	(tag) =	ssettag s2;
	_ =	strace s9  }
0x27: {  	s1 =	sld [smem:$0x3F96]  }
0x28: {  	s2 =	sld [smem:$0x3F97]  }
0x29: {  	s4 =	sld [smem:$0x3F99]  }
0x2a: {  	p0 =	seq.s32 s5, $0x0;
	s5 =	sld [smem:$0x3F9A]  }
0x2b: {  	s6 =	sld [smem:$0x3F9B]  }
0x2c: {  	s7 =	sld [smem:$0x3F9C]  }
0x2d: {  	s3 =	simm.s32 $0x108;
	s8 =	sld [smem:$0x3F9D]  }
0x2e: {  	s3 =	simm.s32 @!p0 $0x1082;
	s9 =	sld [smem:$0x3F9E]  }
0x2f: {  	lr =	sadd.s32 s0, s3;
	s0 =	sld [smem:$0x3F95]  }
0x30: {  	s3 =	sld [smem:$0x3F98]  }
0x31: {  	[smem:$0x3FA1] =	sst s10  }
0x32: {  	s10 =	sld [smem:$0x3F9F];
	_ =	sdelay $0x3  }
0x33: {  	p0 =	seq.s32 s10, $0x1;
	s10 =	sld [smem:$0x3FA1];
	_ =	sdelay $0x3  }
0x34: {  	[smem:$0x3FA1] =	sst s10  }
0x35: {  	s10 =	sld [smem:$0x3FA0];
	_ =	sdelay $0x3  }
0x36: {  	p1 =	seq.s32 s10, $0x1;
	s10 =	sld [smem:$0x3FA1];
	_ =	sdelay $0x3  }
0x37: {  	[smem:$0x3FA1] =	sst s10  }
0x38: {  	s10 =	sld [smem:$0x3FA2]  }
0x39: {  	_ = 	snop;
	(pc) =	sbr.ind lr, $3  }
0x3a: {  	_ = 	snop  }
0x3b: {  	_ = 	snop  }
0x3c: {  	p2 =	seq.s32 s10, $0x1;
	s10 =	sld [smem:$0x3FA1]  }
0x3d: {  	_ =	shalt  }
0x3e: {  	_ =	shalt  }
0x3f: {  	_ =	shalt  }
0x40: {  	_ =	shalt  }
0x41: {  	_ =	shalt  }
0x42: {  	_ =	shalt  }
0x43: {  	_ =	shalt  }
0x44: {  	_ =	shalt  }
0x45: {  	_ =	shalt  }
0x46: {  	_ =	shalt  }
0x47: {  	_ =	shalt  }
0x48: {  	_ =	shalt  }
0x49: {  	_ =	shalt  }
0x4a: {  	_ =	shalt  }
0x4b: {  	_ =	shalt  }
0x4c: {  	_ =	shalt  }
0x4d: {  	_ =	shalt  }
0x4e: {  	_ =	shalt  }
0x4f: {  	_ =	shalt  }
0x50: {  	_ =	shalt  }
0x51: {  	_ =	shalt  }
0x52: {  	_ =	shalt  }
0x53: {  	_ =	shalt  }
0x54: {  	_ =	shalt  }
0x55: {  	_ =	shalt  }
0x56: {  	_ =	shalt  }
0x57: {  	_ =	shalt  }
0x58: {  	_ =	shalt  }
0x59: {  	_ =	shalt  }
0x5a: {  	_ =	shalt  }
0x5b: {  	_ =	shalt  }
0x5c: {  	_ =	shalt  }
0x5d: {  	_ =	shalt  }
0x5e: {  	_ =	shalt  }
0x5f: {  	_ =	shalt  }
0x60: {  	_ =	shalt  }
0x61: {  	_ =	shalt  }
0x62: {  	_ =	shalt  }
0x63: {  	_ =	shalt  }
0x64: {  	_ =	shalt  }
0x65: {  	_ =	shalt  }
0x66: {  	_ =	shalt  }
0x67: {  	_ =	shalt  }
0x68: {  	_ =	shalt  }
0x69: {  	_ =	shalt  }
0x6a: {  	_ =	shalt  }
0x6b: {  	_ =	shalt  }
0x6c: {  	_ =	shalt  }
0x6d: {  	_ =	shalt  }
0x6e: {  	_ =	shalt  }
0x6f: {  	_ =	shalt  }
0x70: {  	_ =	shalt  }
0x71: {  	_ =	shalt  }
0x72: {  	_ =	shalt  }
0x73: {  	_ =	shalt  }
0x74: {  	_ =	shalt  }
0x75: {  	_ =	shalt  }
0x76: {  	_ =	shalt  }
0x77: {  	_ =	shalt  }
0x78: {  	_ =	shalt  }
0x79: {  	_ =	shalt  }
0x7a: {  	_ =	shalt  }
0x7b: {  	_ =	shalt  }
0x7c: {  	_ =	shalt  }
0x7d: {  	_ =	shalt  }
0x7e: {  	_ =	shalt  }
0x7f: {  	_ =	shalt  }
0x80: {  	_ =	shalt  }
0x81: {  	_ =	shalt  }
0x82: {  	_ =	shalt  }
0x83: {  	_ =	shalt  }
0x84: {  	_ =	shalt  }
0x85: {  	_ =	shalt  }
0x86: {  	_ =	shalt  }
0x87: {  	_ =	shalt  }
.Lfunc_end0:
.L_simem_size_0:
called_computation.1_lowered:
.L_overlay_start_0:
0x88: {  	s2 =	sld [smem:$0x3FD9]  }
0x89: {  	s3 =	sld [smem:$0x3FFE];
	_ =	sdelay $0x1  }
0x8a: {  	s1 =	srdreg.scid  }
0x8b: {  	s0 =	sand.u32 $0x1, s1  }
0x8c: {  	s17 =	sshll.u32 s0, $0xA;
	s2 =	sadd.s32 s3, s2  }
0x8d: {  	s2 =	sadd.s32 s2, s17  }
0x8e: {  	[smem:$0x3FAD] =	sst s2  }
0x8f: {  	_ = 	snop  }
0x90: {  	s18 =	sld [smem:$0x3FC8];
	(tm) =	ssettm $0x1  }
0x91: {  	s19 =	sld [smem:$0x3FFB];
	_ =	sdelay $0x3  }
0x92: {  	_ =	strace s19  }
0x93: {  	s2 =	sld [smem:$0x3FFC];
	_ =	sdelay $0x3  }
0x94: {  	_ =	strace s2  }
0x95: {  	s2 =	sld [smem:$0x3FFD];
	_ =	sdelay $0x3  }
0x96: {  	_ =	strace s2  }
0x97: {  	_ =	strace $0x8FFFFFFF  }
0x98: {  	s20 =	sld [smem:$0x3FDB];
	_ =	sdelay $0x1  }
0x99: {  	s4 =	simm.s32 $_scs_section_size  }
0x9a: {  	s5 =	simm.s32 $_size__tile_overlayer_lowered;
	s6 =	simm.s32 $_tile_overlayer_lowered  }
0x9b: {  	s7 =	simm.s32 $0x1BFF;
	s21 =	sshll.u32 s6, $0x1;
	s4 =	sadd.s32 s4, s20  }
0x9c: {  	s22 =	simm.s32 $0x0;
	s5 =	sshll.u32 s5, $0x1;
	s6 =	sadd.s32 s21, s4  }
0x9d: {  	[timem:s22], [sflag:s7] =	dma.local [hbm:s6], s5  }
0x9e: {  	_ =	swait.ge [sflag:s7], s5  }
0x9f: {  	s5 =	ssub.s32 $0x0, s5;
	[sflag:s7] =	ssyncset.done $0x0  }
0xa0: {  	[sflag:s7] =	ssyncadd.s32 s5;
	_ =	sdelay $0x1  }
0xa1: {  	s23 =	simm.s32 $0x1B8B  }
0xa2: {  	_ =	swait.ge [sflag:s23], $0x1  }
0xa3: {  	[sflag:s23] =	ssyncset.done $0x0  }
0xa4: {  	[sflag:s23] =	ssyncadd.s32 $0xFFFFFFFF  }
0xa5: {  	s5 =	sld [smem:$0x0]  }
0xa6: {  	s6 =	sand.u32 $0xFFFFFFFE, s1  }
0xa7: {  	p0 =	sne.s32 s1, s6  }
0xa8: {  	s6 =	sshll.u32 @p0 s6, $0xE  }
0xa9: {  	s6 =	sadd.s32 @p0 $0x11B8D, s6;
	s7 =	sshll.u32 @p0 s5, $0x11  }
0xaa: {  	s6 =	sor.u32 @p0 s7, s6  }
0xab: {  	[sflag:s6] =	ssyncadd.remote.s32 @p0 $0x1;
	_ =	sdelay $0x1  }
0xac: {  	s6 =	simm.s32 @p0 $0x1B8D  }
0xad: {  	_ =	swait.eq @p0 [sflag:s6], $0x1  }
0xae: {  	[sflag:s6] =	ssyncadd.s32 @p0 $0xFFFFFFFF  }
0xaf: {  	s7 =	sshll.u32 @!p0 s1, $0xE  }
0xb0: {  	s7 =	sor.u32 @!p0 $0x4000, s7;
	s6 =	simm.s32 @!p0 $0x1B8D  }
0xb1: {  	s5 =	sshll.u32 @!p0 s5, $0x11;
	s7 =	sadd.s32 @!p0 $0x11B8D, s7;
	_ =	swait.eq @!p0 [sflag:s6], $0x1  }
0xb2: {  	s5 =	sor.u32 @!p0 s5, s7;
	[sflag:s6] =	ssyncadd.s32 @!p0 $0xFFFFFFFF  }
0xb3: {  	s25 =	simm.s32 $0x1B8E;
	s24 =	sld [smem:$0x3FFE];
	[sflag:s5] =	ssyncadd.remote.s32 @!p0 $0x1  }
0xb4: {  	s26 =	simm.s32 $execute0_lowered;
	[smem:$0x3FD2] =	sst s25  }
0xb5: {  	s6 =	sshll.u32 s26, $0x1;
	_ =	strace $0x8000004F;
	[dreg:$0x1] =	wrdreg $0xFFFFFFFF  }
0xb6: {  	s28 =	simm.s32 $_size_execute0_lowered;
	s4 =	sadd.s32 s4, s6;
	[dreg:$0x0] =	wrdreg $0x0  }
0xb7: {  	s6 =	sshll.u32 s28, $0x1;
	[dreg:$0x2] =	wrdreg s4  }
0xb8: {  	[dreg:$0x3] =	wrdreg s6  }
0xb9: {  	[dreg:$0x4] =	wrdreg $0xC0  }
0xba: {  	_ =	task [dreg:s22], $0x5FFFF  }
0xbb: {  	[dreg:$0x1] =	wrdreg $0xFFFFFFFF  }
0xbc: {  	[dreg:$0x0] =	wrdreg $0x60  }
0xbd: {  	[dreg:$0x2] =	wrdreg s18  }
0xbe: {  	[dreg:$0x3] =	wrdreg s24  }
0xbf: {  	[dreg:$0x4] =	wrdreg $0xCA000  }
0xc0: {  	[dreg:$0x5] =	wrdreg $0xA  }
0xc1: {  	_ =	task.clear_ibuf [dreg:s22], $0x6FFFF;
	_ =	strace $0x9000004F  }
0xc2: {  	s29 =	simm.s32 $0xA;
	_ =	strace $0x80000051  }
0xc3: {  	_ =	swait.ge [sflag:s29], $0x1  }
0xc4: {  	[sflag:s29] =	ssyncadd.s32 $0xFFFFFFFF  }
0xc5: {  	_ =	strace $0x90000051  }
0xc6: {  	_ =	sfence  }
0xc7: {  	s30 =	sld [smem:$0x0];
	_ =	sdelay $0x2  }
0xc8: {  	s31 =	sshll.u32 s1, $0xD;
	s1 =	sshrl.u32 s1, $0x2  }
0xc9: {  	s4 =	sand.u32 $0x4000, s31;
	s1 =	sadd.s32 s1, s30  }
0xca: {  	s0 =	sor.u32 s4, s0;
	s1 =	sshll.u32 s1, $0x11  }
0xcb: {  	s0 =	sor.u32 s1, s0  }
0xcc: {  	s0 =	sadd.s32 $0x8F2B, s0  }
0xcd: {  	[sflag:s0] =	ssyncadd.remote.s32 $0x1  }
0xce: {  	_ =	sfence.sel $0xFFFF  }
0xcf: {  	[dreg:$0x0] =	wrdreg $0xFFFFFFFF;
	(pc) =	sbr.abs _section_cstart, $3  }
0xd0: {  	[dreg:$0x1] =	wrdreg $0xFFFFFFFF  }
0xd1: {  	_ =	task.clear_ibuf [dreg:s22], $0x2FFFF;
	_ =	strace $0x9FFFFFFF  }
0xd2: {  	(tm) =	ssettm $0x7FFFFFFF  }
0xd3: {  	_ =	shalt  }
tec
execute0_lowered:
.L_overlay_start_1:
0x0: {  	(tag) =	ssettag $0x1  }
0x1: {  	s1 =	rddreg [dreg:$0x0]  }
0x2: {  	s6 =	rddreg [dreg:$0x1]  }
0x3: {  	s0 =	stileid.u32;
	s2 =	srdreg.scid  }
0x4: {  	s3 =	rddreg [dreg:$0x2];
	s4 =	simm.s32 $0x0;
	s13 =	simm.s32 $0x200  }
0x5: {  	s14 =	simm.s32 $0x1;
	s15 =	simm.s32 $0x2;
	s7 =	smul.u32 $0xA80, s0  }
0x6: {  	s18 =	simm.s32 $0x0;
	s22 =	simm.s32 $0x0;
	s10 =	smul.u32 $0xA00, s0  }
0x7: {  	s8 =	sand.u32 $0x1, s2;
	s2 =	rddreg [dreg:$0x3];
	s11 =	smul.u32 $0x15000, s0  }
0x8: {  	[smem:$0x7FF] =	sst s4;
	s5 =	sadd.s32 $0xFE00, s6;
	s30 =	smul.u32 $0x14000, s0  }
0x9: {  	s31 =	sshll.u32 s0, $0x6;
	s9 =	smul.u32 $0xA000, s8;
	_ =	strace $0x80000050  }
0xa: {  	s26 =	ssub.s32 $0x2, s8;
	s8 =	smul.u32 $0xFFFFF600, s8;
	s7 =	sadd.s32 s7, s6  }
0xb: {  	s28 =	sshrl.u32 s26, $0x1;
	s29 =	sshrl.u32 s11, $0x2;
	s11 =	sshrl.u32 s30, $0x2  }
0xc: {  	s9 =	sadd.s32 s10, s9;
	s10 =	ssub.s32 s26, s28;
	s16 =	sadd.s32 $0xFFFFEC00, s8  }
0xd: {  	s12 =	sadd.s32 s29, s3;
	s8 =	smul.u32 $0x4E20, s0;
	s17 =	sadd.s32 s11, s3  }
0xe: {  	s9 =	sadd.s32 s9, s6;
	s6 =	sadd.s32 $0x19C00, s7;
	s7 =	sor.u32 $0x1C03, s31  }
0xf: {  	s10 =	smax.u32 s10, $0x1;
	s11 =	sshrl.u32 s12, $0x3;
	s12 =	simm.s32 $0x3  }
0x10: {  	v0 =	vmov s16;
	s16 =	simm.s32 $0x190;
	s17 =	sshrl.u32 s17, $0x3;
	s9 =	sadd.s32 $0x4DE00, s9  }
.LBB2_1:
0x11: {  	[spmem:s11], [sflag:s7] =	dma.local [hbm:s6], $0xA80  }
0x12: {  	_ =	swait.ge [sflag:s12], $0xA80  }
0x13: {  	[sflag:s12] =	ssyncset.done $0x0  }
0x14: {  	[sflag:s12] =	ssyncadd.s32 $0xFFFFF580  }
0x15: {  	s19 =	simm.s32 $0x0;
	[bflag:$0x0] =	sbarrier.arrive $0xFFFF  }
.LBB2_2:
0x16: {  	s20 =	smul.u32 $0x190, s19;
	_ =	sdelay $0x1  }
0x17: {  	s20 =	sadd.s32 s8, s20  }
0x18: {  	s21 =	sshrl.u32 s20, $0x3  }
0x19: {  	s20 =	sshll.u32 s20, $0x4;
	s21 =	sadd.s32 s5, s21  }
0x1a: {  	[tilespmem:s22], [sflag:$0x1] =	stream.linear.gather [hbm4b:s21+s22], $0x190, $0x38;
	[tilespmem:$0x11E00] =	vst v63  }
0x1b: {  	s20 =	sadd.s32 s1, s20  }
0x1c: {  	[tilespmem:s13], [sflag:$0x2] =	stream.linear.gather [hbm4b:s20+s22], $0xC800, $0x38;
	[tilespmem:$0x11E00] =	vst v63  }
0x1d: {  	_ =	swait.ge [sflag:s14], $0x190  }
0x1e: {  	[sflag:s14] =	ssyncset.done $0x0  }
0x1f: {  	s21 =	simm.s32 $0x40;
	s20 =	simm.s32 $0x0;
	[sflag:s14] =	ssyncadd.s32 $0xFFFFFE70  }
.LBB2_3:
0x20: {  	p0 =	sne.s32 s21, $0x600;
	v1 =	vld [tilespmem:s20+$0x0];
	_ =	sdelay $0x2  }
.Ltmp0:
0x21: {  	(pc) =	sbr.rel @p0 .LBB2_3-.Ltmp0, $4  }
0x22: {  	_ = 	snop  }
0x23: {  	v1 =	vadd.s32 v0, v1  }
0x24: {  	v1 =	vmin.u32 v1, $0xA00  }
0x25: {  	[tilespmem:s20+$0x0] =	vst v1;
	s20 =	sshra.s32 s21, $0x2;
	s21 =	sadd.s32 $0x40, s21  }
0x26: {  	v1 =	vld [tilespmem:s20+$0x0];
	_ =	sdelay $0x4  }
0x27: {  	v1 =	vadd.s32 v0, v1  }
0x28: {  	v1 =	vmin.u32 v1, $0xA00  }
0x29: {  	[tilespmem:s20+$0x0] =	vst v1  }
0x2a: {  	s19 =	sadd.s32 $0x1, s19;
	_ =	swait.ge [sflag:s15], $0xC800  }
0x2b: {  	p0 =	sne.s32 s19, $0x32;
	[sflag:s15] =	ssyncset.done $0x0  }
.Ltmp1:
0x2c: {  	[sflag:s15] =	ssyncadd.s32 $0xFFFF3800;
	(pc) =	sbr.rel @p0 .LBB2_2-.Ltmp1, $4  }
0x2d: {  	[spmem:s3] =	stream.indirect.scatter.add.f32 [tilespmem:s13], [sflag:$0x3], $0x80, s4, s16, $0xb8;
	[tilespmem:$0x11E00] =	vst v63  }
0x2e: {  	_ =	swait.ge [sflag:s12], $0xC800  }
0x2f: {  	[sflag:s12] =	ssyncset.done $0x0  }
0x30: {  	[sflag:s12] =	ssyncadd.s32 $0xFFFF3800  }
0x31: {  	s18 =	sadd.s32 $0x1, s18  }
0x32: {  	p0 =	sne.s32 s18, s10  }
.Ltmp2:
0x33: {  	[bflag:$0x0] =	sbarrier.arrive $0xFFFF;
	(pc) =	sbr.rel @p0 .LBB2_1-.Ltmp2, $4  }
0x34: {  	[hbm:s9], [sflag:s7] =	dma.local [spmem:s17], $0xA00  }
0x35: {  	_ =	swait.ge [sflag:s12], $0xA00  }
0x36: {  	[sflag:s12] =	ssyncset.done $0x0  }
0x37: {  	[sflag:s12] =	ssyncadd.s32 $0xFFFFF600  }
0x38: {  	_ =	sfence.sel $0x180000  }
0x39: {  	[bflag:$0x0] =	sbarrier.arrive $0xFFFF  }
0x3a: {  	p0 =	sne.s32 s0, $0x0;
	_ =	strace $0x90000050  }
0x3b: {  	s0 =	sadd.s32 @!p0 $0x100000, s2;
	[bflag:$0x2] =	sbarrier.arrive $0xFFFF  }
0x3c: {  	[sflag:s0] =	ssyncadd.tile.s32 @!p0 $0x1;
	_ =	shalt  }
.Lfunc_end2:
_tile_overlayer_lowered:
.L_overlay_start_2:
0x3d: {  	(tag) =	ssettag $0x2  }
0x3e: {  	s0 =	rddreg [dreg:$0x0];
	s2 =	stileid.u32  }
0x3f: {  	s1 =	rddreg [dreg:$0x1];
	p0 =	sne.s32 s2, $0x0  }
0x40: {  	s3 =	rddreg [dreg:$0x2];
	[bflag:$0x3] =	sbarrier.arrive $0xFFFF;
	s2 =	simm.s32 @!p0 $0x1C03  }
0x41: {  	[timem:s3], [sflag:s2] =	dma.local @!p0 [hbm:s0], s1  }
0x42: {  	s0 =	simm.s32 @!p0 $0x3  }
0x43: {  	_ =	swait.ge @!p0 [sflag:s0], s1  }
0x44: {  	s1 =	ssub.s32 @!p0 $0x0, s1;
	[sflag:s0] =	ssyncset.done @!p0 $0x0  }
0x45: {  	[sflag:s0] =	ssyncadd.s32 @!p0 s1  }
0x46: {  	[bflag:$0x3] =	sbarrier.arrive $0xFFFF  }
0x47: {  	_ =	shalt  }

</sc_bundles>
